<compile_context>
chip_gen: v7x
topology: tpu7x:2x2x1
jax: 0.10.2.dev20260603
libtpu: 0.0.44.dev20260713+nightly
codegen_flags: <defaults>
</compile_context>

<pallas_src>
import functools

import jax
import jax.numpy as jnp
from jax import lax
from jax.experimental import pallas as pl
from jax.experimental.pallas import tpu as pltpu
from jax.experimental.pallas import tpu_sc as plsc

F = 256
K = 8192
N = 4096

BN = 256
BK = 2048
IT = N // BN
JT = K // BK

NC = 2
NS = 16
NW = NC * NS
BPW = N // NW


def _argmin_onehot_body(z_ref, e_ref, idx_ref, enc_ref, c_ref):
    i = pl.program_id(0)

    @pl.when(i == 0)
    def _():
        e = e_ref[...]
        c_ref[...] = jnp.sum(e * e, axis=0, keepdims=True)

    z = z_ref[...]
    a = jnp.sum(z * z, axis=1, keepdims=True)
    b2 = jnp.dot(z * (-2.0), e_ref[...], preferred_element_type=jnp.float32)
    d = (a + b2) + c_ref[...]
    m = jnp.min(d, axis=1, keepdims=True)
    cols_i = lax.broadcasted_iota(jnp.int32, d.shape, 1)
    cols = cols_i.astype(jnp.float32)
    loc = jnp.min(jnp.where(d == m, cols, float(K)), axis=1, keepdims=True)
    idx_ref[...] = loc.astype(jnp.int32)
    enc_ref[...] = (cols == loc).astype(jnp.float32)


NCH = 4
CH = BPW // NCH


def _sc_body(et_ref, idx_ref, ze_ref, zq_ref, diff_ref,
             idx_v, rows_v, ze_v, g0, g1, g2, g3, zsem, osem):
    wid = lax.axis_index("s") * NC + lax.axis_index("c")
    base = wid * BPW
    pltpu.sync_copy(idx_ref.at[pl.ds(base, BPW)], idx_v)
    zc = pltpu.async_copy(ze_ref.at[pl.ds(base, BPW)], ze_v, zsem)
    gsems = (g0, g1, g2, g3)
    gathers = [
        pltpu.async_copy(
            et_ref.at[idx_v.at[pl.ds(k * CH, CH)]],
            rows_v.at[pl.ds(k * CH, CH)], gsems[k])
        for k in range(NCH)
    ]
    zc.wait()

    def row(r, carry):
        for c0 in range(F // 16):
            sl = pl.ds(c0 * 16, 16)
            zq = rows_v[r, sl]
            ze = ze_v[r, sl]
            t = zq - ze
            rows_v[r, sl] = ze + t
            ze_v[r, sl] = t * t
        return carry

    stores = []
    for k in range(NCH):
        gathers[k].wait()
        lax.fori_loop(k * CH, (k + 1) * CH, row, 0)
        sl = pl.ds(k * CH, CH)
        osl = pl.ds(base + k * CH, CH)
        stores.append(pltpu.async_copy(rows_v.at[sl], zq_ref.at[osl], osem))
        stores.append(pltpu.async_copy(ze_v.at[sl], diff_ref.at[osl], osem))
    for s in stores:
        s.wait()


def _sc_quantise(e_t, idx_flat, z_e):
    run = functools.partial(
        pl.kernel,
        out_type=(jax.ShapeDtypeStruct((N, F), jnp.float32),
                  jax.ShapeDtypeStruct((N, F), jnp.float32)),
        mesh=plsc.VectorSubcoreMesh(core_axis_name="c", subcore_axis_name="s"),
        scratch_types=[
            pltpu.VMEM((BPW,), jnp.int32),
            pltpu.VMEM((BPW, F), jnp.float32),
            pltpu.VMEM((BPW, F), jnp.float32),
            pltpu.SemaphoreType.DMA,
            pltpu.SemaphoreType.DMA,
            pltpu.SemaphoreType.DMA,
            pltpu.SemaphoreType.DMA,
            pltpu.SemaphoreType.DMA,
            pltpu.SemaphoreType.DMA,
        ],
    )(_sc_body)
    return run(e_t, idx_flat, z_e)


def kernel(z_e, embedding_weight):
    idx, enc = pl.pallas_call(
        _argmin_onehot_body,
        grid=(IT,),
        in_specs=[
            pl.BlockSpec((BN, F), lambda i: (i, 0)),
            pl.BlockSpec((F, K), lambda i: (0, 0)),
        ],
        out_specs=[
            pl.BlockSpec((BN, 1), lambda i: (i, 0)),
            pl.BlockSpec((BN, K), lambda i: (i, 0)),
        ],
        out_shape=[
            jax.ShapeDtypeStruct((N, 1), jnp.int32),
            jax.ShapeDtypeStruct((N, K), jnp.float32),
        ],
        scratch_shapes=[pltpu.VMEM((1, K), jnp.float32)],
    )(z_e, embedding_weight)

    e_t = embedding_weight.T
    zq_st, diff = _sc_quantise(e_t, idx[:, 0], z_e)
    return (zq_st, idx, enc, diff)

# --- scband reference (transcript-rebuilt; emitter-appended) ---
"""Pipeline reference for scband-vector-quantiser-ema-18811956756969 (READ-ONLY COPY).

The authoritative reference and input builder live on the scoring server;
editing this copy changes nothing except your own understanding.
"""

import jax, jax.numpy as jnp
import numpy as np

NUM_FEATURES = 256
NUM_CLUSTERS = 8192
N_TOKENS = 4096


def setup_inputs(seed: int = 0) -> dict:
    key = jax.random.key(seed)
    k1, k2 = jax.random.split(key)
    z_e = jax.random.normal(k1, (N_TOKENS, NUM_FEATURES), dtype=jnp.float32)
    # torch.nn.Embedding(num_features, num_clusters).weight has shape [num_features, num_clusters]
    embedding_weight = jax.random.uniform(
        k2, (NUM_FEATURES, NUM_CLUSTERS), dtype=jnp.float32,
        minval=-1.0 / NUM_CLUSTERS, maxval=1.0 / NUM_CLUSTERS)
    return {"z_e": z_e, "embedding_weight": embedding_weight}


def k_means(z_e, embedding):
    # z_e: [N, F], embedding: [F, K] -> distances [N, K]
    return (jnp.sum(z_e ** 2, axis=1, keepdims=True)
            - 2.0 * (z_e @ embedding)
            + jnp.sum(embedding ** 2, axis=0, keepdims=True))


def reference(z_e, embedding_weight):
    distances = k_means(z_e, embedding_weight)
    encoding_idx = jnp.argmin(distances, axis=-1, keepdims=True)  # [N, 1]
    n = z_e.shape[0]
    # scatter_(1, encoding_idx, 1) -> one-hot encodings [N, K]
    encodings = jnp.zeros((n, NUM_CLUSTERS), dtype=jnp.float32)
    encodings = encodings.at[jnp.arange(n), encoding_idx[:, 0]].set(1.0)
    # quantise: encodings @ embedding.weight.T -> [N, F]
    z_q = encodings @ embedding_weight.T
    diff = (jax.lax.stop_gradient(z_q) - z_e) ** 2
    z_q_st = z_e + jax.lax.stop_gradient(z_q - z_e)  # straight-through estimator
    return (z_q_st, encoding_idx, encodings, diff)

if __name__ == "__main__":
    import jax
    _d = setup_inputs()
    print(jax.jit(kernel)(*tuple(_d.values())))

</pallas_src>

<mosaic_0001>
#map = affine_map<(d0, d1) -> (0, 0)>
#map1 = affine_map<(d0, d1) -> (0)>
module attributes {stable_mosaic.version = 14 : i64} {
  func.func @_sc_body(%arg0: i32, %arg1: i32, %arg2: memref<8192x256xf32, #tpu.memory_space<hbm>>, %arg3: memref<4096xi32, #tpu.memory_space<hbm>>, %arg4: memref<4096x256xf32, #tpu.memory_space<hbm>>, %arg5: memref<4096x256xf32, #tpu.memory_space<hbm>>, %arg6: memref<4096x256xf32, #tpu.memory_space<hbm>>, %arg7: memref<128xi32, #tpu.memory_space<vmem>>, %arg8: memref<128x256xf32, #tpu.memory_space<vmem>>, %arg9: memref<128x256xf32, #tpu.memory_space<vmem>>, %arg10: memref<!tpu.dma_semaphore, #tpu.memory_space<semaphore_mem>>, %arg11: memref<!tpu.dma_semaphore, #tpu.memory_space<semaphore_mem>>, %arg12: memref<!tpu.dma_semaphore, #tpu.memory_space<semaphore_mem>>, %arg13: memref<!tpu.dma_semaphore, #tpu.memory_space<semaphore_mem>>, %arg14: memref<!tpu.dma_semaphore, #tpu.memory_space<semaphore_mem>>, %arg15: memref<!tpu.dma_semaphore, #tpu.memory_space<semaphore_mem>>) attributes {dimension_semantics = [#tpu.dimension_semantics<core_parallel>, #tpu.dimension_semantics<subcore_parallel>], iteration_bounds = array<i64: 2, 16>, scalar_prefetch = 0 : i64, scratch_operands = 9 : i64, tpu.core_type = #tpu.core_type<sc_vector_subcore>, window_params = [{transform_indices = #map}, {transform_indices = #map1}, {transform_indices = #map}, {transform_indices = #map}, {transform_indices = #map}]} {
    %mul3A = arith.constant 2 : i32
    %mul3A_0 = arith.muli %arg1, %mul3A : i32
    %add3A = arith.addi %mul3A_0, %arg0 : i32
    %mul3A_1 = arith.constant 128 : i32
    %mul3A_2 = arith.muli %add3A, %mul3A_1 : i32
    "tpu.region"() ({
      %run_scoped3A = tpu.sem_alloc : memref<!tpu.dma_semaphore, #tpu.memory_space<semaphore_mem>>
      %dma_start3A_264 = tpu.memref_slice %arg3[%mul3A_2] : memref<4096xi32, #tpu.memory_space<hbm>> -> memref<128xi32, #tpu.memory_space<hbm>>
      %dma_start3A_265 = tpu.memref_slice %arg3[%mul3A_2] : memref<4096xi32, #tpu.memory_space<hbm>> -> memref<128xi32, #tpu.memory_space<hbm>>
      tpu.enqueue_dma source(%dma_start3A_265 : memref<128xi32, #tpu.memory_space<hbm>>) target(%arg7 : memref<128xi32, #tpu.memory_space<vmem>>) target_semaphore(%run_scoped3A : memref<!tpu.dma_semaphore, #tpu.memory_space<semaphore_mem>>)
      %dma_wait3A_266 = tpu.memref_slice %arg3[%mul3A_2] : memref<4096xi32, #tpu.memory_space<hbm>> -> memref<128xi32, #tpu.memory_space<hbm>>
      %dma_wait3A_267 = tpu.memref_slice %arg3[%mul3A_2] : memref<4096xi32, #tpu.memory_space<hbm>> -> memref<128xi32, #tpu.memory_space<hbm>>
      tpu.wait_dma2 semaphore(%run_scoped3A : memref<!tpu.dma_semaphore, #tpu.memory_space<semaphore_mem>>) src(%dma_wait3A_267 : memref<128xi32, #tpu.memory_space<hbm>>) dst(%arg7 : memref<128xi32, #tpu.memory_space<vmem>>)
      tpu.yield
    }) : () -> ()
    %dma_start3A = arith.constant 0 : i32
    %dma_start3A_3 = tpu.memref_slice %arg4[%mul3A_2, %dma_start3A] : memref<4096x256xf32, #tpu.memory_space<hbm>> -> memref<128x256xf32, #tpu.memory_space<hbm>>
    %dma_start3A_4 = arith.constant 0 : i32
    %dma_start3A_5 = tpu.memref_slice %arg4[%mul3A_2, %dma_start3A_4] : memref<4096x256xf32, #tpu.memory_space<hbm>> -> memref<128x256xf32, #tpu.memory_space<hbm>>
    tpu.enqueue_dma source(%dma_start3A_5 : memref<128x256xf32, #tpu.memory_space<hbm>>) target(%arg9 : memref<128x256xf32, #tpu.memory_space<vmem>>) target_semaphore(%arg14 : memref<!tpu.dma_semaphore, #tpu.memory_space<semaphore_mem>>)
    %dma_start3A_6 = arith.constant 0 : i32
    %dma_start3A_7 = arith.constant 0 : i32
    %dma_start3A_8 = tpu.memref_slice %arg8[%dma_start3A_6, %dma_start3A_7] : memref<128x256xf32, #tpu.memory_space<vmem>> -> memref<32x256xf32, #tpu.memory_space<vmem>>
    %dma_start3A_9 = arith.constant 0 : i32
    %dma_start3A_10 = tpu.memref_slice %arg7[%dma_start3A_9] : memref<128xi32, #tpu.memory_space<vmem>> -> memref<32xi32, #tpu.memory_space<vmem>>
    %dma_start3A_11 = arith.constant 0 : i32
    %dma_start3A_12 = arith.constant 0 : i32
    %dma_start3A_13 = tpu.memref_slice %arg2[%dma_start3A_11, %dma_start3A_12] : memref<8192x256xf32, #tpu.memory_space<hbm>> -> memref<8192x256xf32, #tpu.memory_space<hbm>>
    tpu.enqueue_indirect_dma source(%dma_start3A_13 : memref<8192x256xf32, #tpu.memory_space<hbm>>) target(%dma_start3A_8 : memref<32x256xf32, #tpu.memory_space<vmem>>) offsets(%dma_start3A_10 : memref<32xi32, #tpu.memory_space<vmem>>) semaphore(%arg10 : memref<!tpu.dma_semaphore, #tpu.memory_space<semaphore_mem>>)
    %dma_start3A_14 = arith.constant 32 : i32
    %dma_start3A_15 = arith.constant 0 : i32
    %dma_start3A_16 = tpu.memref_slice %arg8[%dma_start3A_14, %dma_start3A_15] : memref<128x256xf32, #tpu.memory_space<vmem>> -> memref<32x256xf32, #tpu.memory_space<vmem>>
    %dma_start3A_17 = arith.constant 32 : i32
    %dma_start3A_18 = tpu.memref_slice %arg7[%dma_start3A_17] : memref<128xi32, #tpu.memory_space<vmem>> -> memref<32xi32, #tpu.memory_space<vmem>>
    %dma_start3A_19 = arith.constant 0 : i32
    %dma_start3A_20 = arith.constant 0 : i32
    %dma_start3A_21 = tpu.memref_slice %arg2[%dma_start3A_19, %dma_start3A_20] : memref<8192x256xf32, #tpu.memory_space<hbm>> -> memref<8192x256xf32, #tpu.memory_space<hbm>>
    tpu.enqueue_indirect_dma source(%dma_start3A_21 : memref<8192x256xf32, #tpu.memory_space<hbm>>) target(%dma_start3A_16 : memref<32x256xf32, #tpu.memory_space<vmem>>) offsets(%dma_start3A_18 : memref<32xi32, #tpu.memory_space<vmem>>) semaphore(%arg11 : memref<!tpu.dma_semaphore, #tpu.memory_space<semaphore_mem>>)
    %dma_start3A_22 = arith.constant 64 : i32
    %dma_start3A_23 = arith.constant 0 : i32
    %dma_start3A_24 = tpu.memref_slice %arg8[%dma_start3A_22, %dma_start3A_23] : memref<128x256xf32, #tpu.memory_space<vmem>> -> memref<32x256xf32, #tpu.memory_space<vmem>>
    %dma_start3A_25 = arith.constant 64 : i32
    %dma_start3A_26 = tpu.memref_slice %arg7[%dma_start3A_25] : memref<128xi32, #tpu.memory_space<vmem>> -> memref<32xi32, #tpu.memory_space<vmem>>
    %dma_start3A_27 = arith.constant 0 : i32
    %dma_start3A_28 = arith.constant 0 : i32
    %dma_start3A_29 = tpu.memref_slice %arg2[%dma_start3A_27, %dma_start3A_28] : memref<8192x256xf32, #tpu.memory_space<hbm>> -> memref<8192x256xf32, #tpu.memory_space<hbm>>
    tpu.enqueue_indirect_dma source(%dma_start3A_29 : memref<8192x256xf32, #tpu.memory_space<hbm>>) target(%dma_start3A_24 : memref<32x256xf32, #tpu.memory_space<vmem>>) offsets(%dma_start3A_26 : memref<32xi32, #tpu.memory_space<vmem>>) semaphore(%arg12 : memref<!tpu.dma_semaphore, #tpu.memory_space<semaphore_mem>>)
    %dma_start3A_30 = arith.constant 96 : i32
    %dma_start3A_31 = arith.constant 0 : i32
    %dma_start3A_32 = tpu.memref_slice %arg8[%dma_start3A_30, %dma_start3A_31] : memref<128x256xf32, #tpu.memory_space<vmem>> -> memref<32x256xf32, #tpu.memory_space<vmem>>
    %dma_start3A_33 = arith.constant 96 : i32
    %dma_start3A_34 = tpu.memref_slice %arg7[%dma_start3A_33] : memref<128xi32, #tpu.memory_space<vmem>> -> memref<32xi32, #tpu.memory_space<vmem>>
    %dma_start3A_35 = arith.constant 0 : i32
    %dma_start3A_36 = arith.constant 0 : i32
    %dma_start3A_37 = tpu.memref_slice %arg2[%dma_start3A_35, %dma_start3A_36] : memref<8192x256xf32, #tpu.memory_space<hbm>> -> memref<8192x256xf32, #tpu.memory_space<hbm>>
    tpu.enqueue_indirect_dma source(%dma_start3A_37 : memref<8192x256xf32, #tpu.memory_space<hbm>>) target(%dma_start3A_32 : memref<32x256xf32, #tpu.memory_space<vmem>>) offsets(%dma_start3A_34 : memref<32xi32, #tpu.memory_space<vmem>>) semaphore(%arg13 : memref<!tpu.dma_semaphore, #tpu.memory_space<semaphore_mem>>)
    %dma_wait3A = arith.constant 0 : i32
    %dma_wait3A_38 = tpu.memref_slice %arg4[%mul3A_2, %dma_wait3A] : memref<4096x256xf32, #tpu.memory_space<hbm>> -> memref<128x256xf32, #tpu.memory_space<hbm>>
    %dma_wait3A_39 = arith.constant 0 : i32
    %dma_wait3A_40 = tpu.memref_slice %arg4[%mul3A_2, %dma_wait3A_39] : memref<4096x256xf32, #tpu.memory_space<hbm>> -> memref<128x256xf32, #tpu.memory_space<hbm>>
    tpu.wait_dma2 semaphore(%arg14 : memref<!tpu.dma_semaphore, #tpu.memory_space<semaphore_mem>>) src(%dma_wait3A_40 : memref<128x256xf32, #tpu.memory_space<hbm>>) dst(%arg9 : memref<128x256xf32, #tpu.memory_space<vmem>>)
    %dma_wait3A_41 = arith.constant 0 : i32
    %dma_wait3A_42 = arith.constant 0 : i32
    %dma_wait3A_43 = tpu.memref_slice %arg8[%dma_wait3A_41, %dma_wait3A_42] : memref<128x256xf32, #tpu.memory_space<vmem>> -> memref<32x256xf32, #tpu.memory_space<vmem>>
    %dma_wait3A_44 = arith.constant 0 : i32
    %dma_wait3A_45 = tpu.memref_slice %arg7[%dma_wait3A_44] : memref<128xi32, #tpu.memory_space<vmem>> -> memref<32xi32, #tpu.memory_space<vmem>>
    %dma_wait3A_46 = arith.constant 0 : i32
    %dma_wait3A_47 = arith.constant 0 : i32
    %dma_wait3A_48 = tpu.memref_slice %arg2[%dma_wait3A_46, %dma_wait3A_47] : memref<8192x256xf32, #tpu.memory_space<hbm>> -> memref<8192x256xf32, #tpu.memory_space<hbm>>
    tpu.wait_indirect_dma semaphore(%arg10 : memref<!tpu.dma_semaphore, #tpu.memory_space<semaphore_mem>>) src(%dma_wait3A_48 : memref<8192x256xf32, #tpu.memory_space<hbm>>) dst(%dma_wait3A_43 : memref<32x256xf32, #tpu.memory_space<vmem>>)
    %scan3A = arith.constant 0 : i32
    %scan3A_49 = arith.constant 0 : i32
    %scan3A_50 = arith.constant 32 : i32
    %scan3A_51 = arith.addi %scan3A_49, %scan3A_50 : i32
    %scan3A_52 = arith.constant 1 : i32
    scf.for %scan3A_264 = %scan3A_49 to %scan3A_51 step %scan3A_52  : i32 {
      %get3A = arith.index_cast %scan3A_264 : i32 to index
      %get3A_265 = arith.constant 0 : index
      %get3A_266 = tpu.vector_load %arg8[%get3A, %get3A_265] {strides = array<i32>} : memref<128x256xf32, #tpu.memory_space<vmem>>, vector<1x16xf32>,
      %get3A_267 = vector.shape_cast %get3A_266 : vector<1x16xf32> to vector<16xf32>
      %get3A_268 = arith.index_cast %scan3A_264 : i32 to index
      %get3A_269 = arith.constant 0 : index
      %get3A_270 = tpu.vector_load %arg9[%get3A_268, %get3A_269] {strides = array<i32>} : memref<128x256xf32, #tpu.memory_space<vmem>>, vector<1x16xf32>,
      %get3A_271 = vector.shape_cast %get3A_270 : vector<1x16xf32> to vector<16xf32>
      %sub3A = arith.subf %get3A_267, %get3A_271 : vector<16xf32>
      %add3A_272 = arith.addf %get3A_271, %sub3A : vector<16xf32>
      %swap3A = arith.index_cast %scan3A_264 : i32 to index
      %swap3A_273 = arith.constant 0 : index
      %swap3A_274 = tpu.vector_load %arg8[%swap3A, %swap3A_273] {strides = array<i32>} : memref<128x256xf32, #tpu.memory_space<vmem>>, vector<1x16xf32>,
      %swap3A_275 = vector.shape_cast %swap3A_274 : vector<1x16xf32> to vector<16xf32>
      %swap3A_276 = vector.shape_cast %add3A_272 : vector<16xf32> to vector<1x16xf32>
      tpu.vector_store %arg8[%swap3A, %swap3A_273], %swap3A_276 {strides = array<i32>} : memref<128x256xf32, #tpu.memory_space<vmem>>, vector<1x16xf32>,
      %mul3A_277 = arith.mulf %sub3A, %sub3A : vector<16xf32>
      %swap3A_278 = arith.index_cast %scan3A_264 : i32 to index
      %swap3A_279 = arith.constant 0 : index
      %swap3A_280 = tpu.vector_load %arg9[%swap3A_278, %swap3A_279] {strides = array<i32>} : memref<128x256xf32, #tpu.memory_space<vmem>>, vector<1x16xf32>,
      %swap3A_281 = vector.shape_cast %swap3A_280 : vector<1x16xf32> to vector<16xf32>
      %swap3A_282 = vector.shape_cast %mul3A_277 : vector<16xf32> to vector<1x16xf32>
      tpu.vector_store %arg9[%swap3A_278, %swap3A_279], %swap3A_282 {strides = array<i32>} : memref<128x256xf32, #tpu.memory_space<vmem>>, vector<1x16xf32>,
      %get3A_283 = arith.index_cast %scan3A_264 : i32 to index
      %get3A_284 = arith.constant 16 : index
      %get3A_285 = tpu.vector_load %arg8[%get3A_283, %get3A_284] {strides = array<i32>} : memref<128x256xf32, #tpu.memory_space<vmem>>, vector<1x16xf32>,
      %get3A_286 = vector.shape_cast %get3A_285 : vector<1x16xf32> to vector<16xf32>
      %get3A_287 = arith.index_cast %scan3A_264 : i32 to index
      %get3A_288 = arith.constant 16 : index
      %get3A_289 = tpu.vector_load %arg9[%get3A_287, %get3A_288] {strides = array<i32>} : memref<128x256xf32, #tpu.memory_space<vmem>>, vector<1x16xf32>,
      %get3A_290 = vector.shape_cast %get3A_289 : vector<1x16xf32> to vector<16xf32>
      %sub3A_291 = arith.subf %get3A_286, %get3A_290 : vector<16xf32>
      %add3A_292 = arith.addf %get3A_290, %sub3A_291 : vector<16xf32>
      %swap3A_293 = arith.index_cast %scan3A_264 : i32 to index
      %swap3A_294 = arith.constant 16 : index
      %swap3A_295 = tpu.vector_load %arg8[%swap3A_293, %swap3A_294] {strides = array<i32>} : memref<128x256xf32, #tpu.memory_space<vmem>>, vector<1x16xf32>,
      %swap3A_296 = vector.shape_cast %swap3A_295 : vector<1x16xf32> to vector<16xf32>
      %swap3A_297 = vector.shape_cast %add3A_292 : vector<16xf32> to vector<1x16xf32>
      tpu.vector_store %arg8[%swap3A_293, %swap3A_294], %swap3A_297 {strides = array<i32>} : memref<128x256xf32, #tpu.memory_space<vmem>>, vector<1x16xf32>,
      %mul3A_298 = arith.mulf %sub3A_291, %sub3A_291 : vector<16xf32>
      %swap3A_299 = arith.index_cast %scan3A_264 : i32 to index
      %swap3A_300 = arith.constant 16 : index
      %swap3A_301 = tpu.vector_load %arg9[%swap3A_299, %swap3A_300] {strides = array<i32>} : memref<128x256xf32, #tpu.memory_space<vmem>>, vector<1x16xf32>,
      %swap3A_302 = vector.shape_cast %swap3A_301 : vector<1x16xf32> to vector<16xf32>
      %swap3A_303 = vector.shape_cast %mul3A_298 : vector<16xf32> to vector<1x16xf32>
      tpu.vector_store %arg9[%swap3A_299, %swap3A_300], %swap3A_303 {strides = array<i32>} : memref<128x256xf32, #tpu.memory_space<vmem>>, vector<1x16xf32>,
      %get3A_304 = arith.index_cast %scan3A_264 : i32 to index
      %get3A_305 = arith.constant 32 : index
      %get3A_306 = tpu.vector_load %arg8[%get3A_304, %get3A_305] {strides = array<i32>} : memref<128x256xf32, #tpu.memory_space<vmem>>, vector<1x16xf32>,
      %get3A_307 = vector.shape_cast %get3A_306 : vector<1x16xf32> to vector<16xf32>
      %get3A_308 = arith.index_cast %scan3A_264 : i32 to index
      %get3A_309 = arith.constant 32 : index
      %get3A_310 = tpu.vector_load %arg9[%get3A_308, %get3A_309] {strides = array<i32>} : memref<128x256xf32, #tpu.memory_space<vmem>>, vector<1x16xf32>,
      %get3A_311 = vector.shape_cast %get3A_310 : vector<1x16xf32> to vector<16xf32>
      %sub3A_312 = arith.subf %get3A_307, %get3A_311 : vector<16xf32>
      %add3A_313 = arith.addf %get3A_311, %sub3A_312 : vector<16xf32>
      %swap3A_314 = arith.index_cast %scan3A_264 : i32 to index
      %swap3A_315 = arith.constant 32 : index
      %swap3A_316 = tpu.vector_load %arg8[%swap3A_314, %swap3A_315] {strides = array<i32>} : memref<128x256xf32, #tpu.memory_space<vmem>>, vector<1x16xf32>,
      %swap3A_317 = vector.shape_cast %swap3A_316 : vector<1x16xf32> to vector<16xf32>
      %swap3A_318 = vector.shape_cast %add3A_313 : vector<16xf32> to vector<1x16xf32>
      tpu.vector_store %arg8[%swap3A_314, %swap3A_315], %swap3A_318 {strides = array<i32>} : memref<128x256xf32, #tpu.memory_space<vmem>>, vector<1x16xf32>,
      %mul3A_319 = arith.mulf %sub3A_312, %sub3A_312 : vector<16xf32>
      %swap3A_320 = arith.index_cast %scan3A_264 : i32 to index
      %swap3A_321 = arith.constant 32 : index
      %swap3A_322 = tpu.vector_load %arg9[%swap3A_320, %swap3A_321] {strides = array<i32>} : memref<128x256xf32, #tpu.memory_space<vmem>>, vector<1x16xf32>,
      %swap3A_323 = vector.shape_cast %swap3A_322 : vector<1x16xf32> to vector<16xf32>
      %swap3A_324 = vector.shape_cast %mul3A_319 : vector<16xf32> to vector<1x16xf32>
      tpu.vector_store %arg9[%swap3A_320, %swap3A_321], %swap3A_324 {strides = array<i32>} : memref<128x256xf32, #tpu.memory_space<vmem>>, vector<1x16xf32>,
      %get3A_325 = arith.index_cast %scan3A_264 : i32 to index
      %get3A_326 = arith.constant 48 : index
      %get3A_327 = tpu.vector_load %arg8[%get3A_325, %get3A_326] {strides = array<i32>} : memref<128x256xf32, #tpu.memory_space<vmem>>, vector<1x16xf32>,
      %get3A_328 = vector.shape_cast %get3A_327 : vector<1x16xf32> to vector<16xf32>
      %get3A_329 = arith.index_cast %scan3A_264 : i32 to index
      %get3A_330 = arith.constant 48 : index
      %get3A_331 = tpu.vector_load %arg9[%get3A_329, %get3A_330] {strides = array<i32>} : memref<128x256xf32, #tpu.memory_space<vmem>>, vector<1x16xf32>,
      %get3A_332 = vector.shape_cast %get3A_331 : vector<1x16xf32> to vector<16xf32>
      %sub3A_333 = arith.subf %get3A_328, %get3A_332 : vector<16xf32>
      %add3A_334 = arith.addf %get3A_332, %sub3A_333 : vector<16xf32>
      %swap3A_335 = arith.index_cast %scan3A_264 : i32 to index
      %swap3A_336 = arith.constant 48 : index
      %swap3A_337 = tpu.vector_load %arg8[%swap3A_335, %swap3A_336] {strides = array<i32>} : memref<128x256xf32, #tpu.memory_space<vmem>>, vector<1x16xf32>,
      %swap3A_338 = vector.shape_cast %swap3A_337 : vector<1x16xf32> to vector<16xf32>
      %swap3A_339 = vector.shape_cast %add3A_334 : vector<16xf32> to vector<1x16xf32>
      tpu.vector_store %arg8[%swap3A_335, %swap3A_336], %swap3A_339 {strides = array<i32>} : memref<128x256xf32, #tpu.memory_space<vmem>>, vector<1x16xf32>,
      %mul3A_340 = arith.mulf %sub3A_333, %sub3A_333 : vector<16xf32>
      %swap3A_341 = arith.index_cast %scan3A_264 : i32 to index
      %swap3A_342 = arith.constant 48 : index
      %swap3A_343 = tpu.vector_load %arg9[%swap3A_341, %swap3A_342] {strides = array<i32>} : memref<128x256xf32, #tpu.memory_space<vmem>>, vector<1x16xf32>,
      %swap3A_344 = vector.shape_cast %swap3A_343 : vector<1x16xf32> to vector<16xf32>
      %swap3A_345 = vector.shape_cast %mul3A_340 : vector<16xf32> to vector<1x16xf32>
      tpu.vector_store %arg9[%swap3A_341, %swap3A_342], %swap3A_345 {strides = array<i32>} : memref<128x256xf32, #tpu.memory_space<vmem>>, vector<1x16xf32>,
      %get3A_346 = arith.index_cast %scan3A_264 : i32 to index
      %get3A_347 = arith.constant 64 : index
      %get3A_348 = tpu.vector_load %arg8[%get3A_346, %get3A_347] {strides = array<i32>} : memref<128x256xf32, #tpu.memory_space<vmem>>, vector<1x16xf32>,
      %get3A_349 = vector.shape_cast %get3A_348 : vector<1x16xf32> to vector<16xf32>
      %get3A_350 = arith.index_cast %scan3A_264 : i32 to index
      %get3A_351 = arith.constant 64 : index
      %get3A_352 = tpu.vector_load %arg9[%get3A_350, %get3A_351] {strides = array<i32>} : memref<128x256xf32, #tpu.memory_space<vmem>>, vector<1x16xf32>,
      %get3A_353 = vector.shape_cast %get3A_352 : vector<1x16xf32> to vector<16xf32>
      %sub3A_354 = arith.subf %get3A_349, %get3A_353 : vector<16xf32>
      %add3A_355 = arith.addf %get3A_353, %sub3A_354 : vector<16xf32>
      %swap3A_356 = arith.index_cast %scan3A_264 : i32 to index
      %swap3A_357 = arith.constant 64 : index
      %swap3A_358 = tpu.vector_load %arg8[%swap3A_356, %swap3A_357] {strides = array<i32>} : memref<128x256xf32, #tpu.memory_space<vmem>>, vector<1x16xf32>,
      %swap3A_359 = vector.shape_cast %swap3A_358 : vector<1x16xf32> to vector<16xf32>
      %swap3A_360 = vector.shape_cast %add3A_355 : vector<16xf32> to vector<1x16xf32>
      tpu.vector_store %arg8[%swap3A_356, %swap3A_357], %swap3A_360 {strides = array<i32>} : memref<128x256xf32, #tpu.memory_space<vmem>>, vector<1x16xf32>,
      %mul3A_361 = arith.mulf %sub3A_354, %sub3A_354 : vector<16xf32>
      %swap3A_362 = arith.index_cast %scan3A_264 : i32 to index
      %swap3A_363 = arith.constant 64 : index
      %swap3A_364 = tpu.vector_load %arg9[%swap3A_362, %swap3A_363] {strides = array<i32>} : memref<128x256xf32, #tpu.memory_space<vmem>>, vector<1x16xf32>,
      %swap3A_365 = vector.shape_cast %swap3A_364 : vector<1x16xf32> to vector<16xf32>
      %swap3A_366 = vector.shape_cast %mul3A_361 : vector<16xf32> to vector<1x16xf32>
      tpu.vector_store %arg9[%swap3A_362, %swap3A_363], %swap3A_366 {strides = array<i32>} : memref<128x256xf32, #tpu.memory_space<vmem>>, vector<1x16xf32>,
      %get3A_367 = arith.index_cast %scan3A_264 : i32 to index
      %get3A_368 = arith.constant 80 : index
      %get3A_369 = tpu.vector_load %arg8[%get3A_367, %get3A_368] {strides = array<i32>} : memref<128x256xf32, #tpu.memory_space<vmem>>, vector<1x16xf32>,
      %get3A_370 = vector.shape_cast %get3A_369 : vector<1x16xf32> to vector<16xf32>
      %get3A_371 = arith.index_cast %scan3A_264 : i32 to index
      %get3A_372 = arith.constant 80 : index
      %get3A_373 = tpu.vector_load %arg9[%get3A_371, %get3A_372] {strides = array<i32>} : memref<128x256xf32, #tpu.memory_space<vmem>>, vector<1x16xf32>,
      %get3A_374 = vector.shape_cast %get3A_373 : vector<1x16xf32> to vector<16xf32>
      %sub3A_375 = arith.subf %get3A_370, %get3A_374 : vector<16xf32>
      %add3A_376 = arith.addf %get3A_374, %sub3A_375 : vector<16xf32>
      %swap3A_377 = arith.index_cast %scan3A_264 : i32 to index
      %swap3A_378 = arith.constant 80 : index
      %swap3A_379 = tpu.vector_load %arg8[%swap3A_377, %swap3A_378] {strides = array<i32>} : memref<128x256xf32, #tpu.memory_space<vmem>>, vector<1x16xf32>,
      %swap3A_380 = vector.shape_cast %swap3A_379 : vector<1x16xf32> to vector<16xf32>
      %swap3A_381 = vector.shape_cast %add3A_376 : vector<16xf32> to vector<1x16xf32>
      tpu.vector_store %arg8[%swap3A_377, %swap3A_378], %swap3A_381 {strides = array<i32>} : memref<128x256xf32, #tpu.memory_space<vmem>>, vector<1x16xf32>,
      %mul3A_382 = arith.mulf %sub3A_375, %sub3A_375 : vector<16xf32>
      %swap3A_383 = arith.index_cast %scan3A_264 : i32 to index
      %swap3A_384 = arith.constant 80 : index
      %swap3A_385 = tpu.vector_load %arg9[%swap3A_383, %swap3A_384] {strides = array<i32>} : memref<128x256xf32, #tpu.memory_space<vmem>>, vector<1x16xf32>,
      %swap3A_386 = vector.shape_cast %swap3A_385 : vector<1x16xf32> to vector<16xf32>
      %swap3A_387 = vector.shape_cast %mul3A_382 : vector<16xf32> to vector<1x16xf32>
      tpu.vector_store %arg9[%swap3A_383, %swap3A_384], %swap3A_387 {strides = array<i32>} : memref<128x256xf32, #tpu.memory_space<vmem>>, vector<1x16xf32>,
      %get3A_388 = arith.index_cast %scan3A_264 : i32 to index
      %get3A_389 = arith.constant 96 : index
      %get3A_390 = tpu.vector_load %arg8[%get3A_388, %get3A_389] {strides = array<i32>} : memref<128x256xf32, #tpu.memory_space<vmem>>, vector<1x16xf32>,
      %get3A_391 = vector.shape_cast %get3A_390 : vector<1x16xf32> to vector<16xf32>
      %get3A_392 = arith.index_cast %scan3A_264 : i32 to index
      %get3A_393 = arith.constant 96 : index
      %get3A_394 = tpu.vector_load %arg9[%get3A_392, %get3A_393] {strides = array<i32>} : memref<128x256xf32, #tpu.memory_space<vmem>>, vector<1x16xf32>,
      %get3A_395 = vector.shape_cast %get3A_394 : vector<1x16xf32> to vector<16xf32>
      %sub3A_396 = arith.subf %get3A_391, %get3A_395 : vector<16xf32>
      %add3A_397 = arith.addf %get3A_395, %sub3A_396 : vector<16xf32>
      %swap3A_398 = arith.index_cast %scan3A_264 : i32 to index
      %swap3A_399 = arith.constant 96 : index
      %swap3A_400 = tpu.vector_load %arg8[%swap3A_398, %swap3A_399] {strides = array<i32>} : memref<128x256xf32, #tpu.memory_space<vmem>>, vector<1x16xf32>,
      %swap3A_401 = vector.shape_cast %swap3A_400 : vector<1x16xf32> to vector<16xf32>
      %swap3A_402 = vector.shape_cast %add3A_397 : vector<16xf32> to vector<1x16xf32>
      tpu.vector_store %arg8[%swap3A_398, %swap3A_399], %swap3A_402 {strides = array<i32>} : memref<128x256xf32, #tpu.memory_space<vmem>>, vector<1x16xf32>,
      %mul3A_403 = arith.mulf %sub3A_396, %sub3A_396 : vector<16xf32>
      %swap3A_404 = arith.index_cast %scan3A_264 : i32 to index
      %swap3A_405 = arith.constant 96 : index
      %swap3A_406 = tpu.vector_load %arg9[%swap3A_404, %swap3A_405] {strides = array<i32>} : memref<128x256xf32, #tpu.memory_space<vmem>>, vector<1x16xf32>,
      %swap3A_407 = vector.shape_cast %swap3A_406 : vector<1x16xf32> to vector<16xf32>
      %swap3A_408 = vector.shape_cast %mul3A_403 : vector<16xf32> to vector<1x16xf32>
      tpu.vector_store %arg9[%swap3A_404, %swap3A_405], %swap3A_408 {strides = array<i32>} : memref<128x256xf32, #tpu.memory_space<vmem>>, vector<1x16xf32>,
      %get3A_409 = arith.index_cast %scan3A_264 : i32 to index
      %get3A_410 = arith.constant 112 : index
      %get3A_411 = tpu.vector_load %arg8[%get3A_409, %get3A_410] {strides = array<i32>} : memref<128x256xf32, #tpu.memory_space<vmem>>, vector<1x16xf32>,
      %get3A_412 = vector.shape_cast %get3A_411 : vector<1x16xf32> to vector<16xf32>
      %get3A_413 = arith.index_cast %scan3A_264 : i32 to index
      %get3A_414 = arith.constant 112 : index
      %get3A_415 = tpu.vector_load %arg9[%get3A_413, %get3A_414] {strides = array<i32>} : memref<128x256xf32, #tpu.memory_space<vmem>>, vector<1x16xf32>,
      %get3A_416 = vector.shape_cast %get3A_415 : vector<1x16xf32> to vector<16xf32>
      %sub3A_417 = arith.subf %get3A_412, %get3A_416 : vector<16xf32>
      %add3A_418 = arith.addf %get3A_416, %sub3A_417 : vector<16xf32>
      %swap3A_419 = arith.index_cast %scan3A_264 : i32 to index
      %swap3A_420 = arith.constant 112 : index
      %swap3A_421 = tpu.vector_load %arg8[%swap3A_419, %swap3A_420] {strides = array<i32>} : memref<128x256xf32, #tpu.memory_space<vmem>>, vector<1x16xf32>,
      %swap3A_422 = vector.shape_cast %swap3A_421 : vector<1x16xf32> to vector<16xf32>
      %swap3A_423 = vector.shape_cast %add3A_418 : vector<16xf32> to vector<1x16xf32>
      tpu.vector_store %arg8[%swap3A_419, %swap3A_420], %swap3A_423 {strides = array<i32>} : memref<128x256xf32, #tpu.memory_space<vmem>>, vector<1x16xf32>,
      %mul3A_424 = arith.mulf %sub3A_417, %sub3A_417 : vector<16xf32>
      %swap3A_425 = arith.index_cast %scan3A_264 : i32 to index
      %swap3A_426 = arith.constant 112 : index
      %swap3A_427 = tpu.vector_load %arg9[%swap3A_425, %swap3A_426] {strides = array<i32>} : memref<128x256xf32, #tpu.memory_space<vmem>>, vector<1x16xf32>,
      %swap3A_428 = vector.shape_cast %swap3A_427 : vector<1x16xf32> to vector<16xf32>
      %swap3A_429 = vector.shape_cast %mul3A_424 : vector<16xf32> to vector<1x16xf32>
      tpu.vector_store %arg9[%swap3A_425, %swap3A_426], %swap3A_429 {strides = array<i32>} : memref<128x256xf32, #tpu.memory_space<vmem>>, vector<1x16xf32>,
      %get3A_430 = arith.index_cast %scan3A_264 : i32 to index
      %get3A_431 = arith.constant 128 : index
      %get3A_432 = tpu.vector_load %arg8[%get3A_430, %get3A_431] {strides = array<i32>} : memref<128x256xf32, #tpu.memory_space<vmem>>, vector<1x16xf32>,
      %get3A_433 = vector.shape_cast %get3A_432 : vector<1x16xf32> to vector<16xf32>
      %get3A_434 = arith.index_cast %scan3A_264 : i32 to index
      %get3A_435 = arith.constant 128 : index
      %get3A_436 = tpu.vector_load %arg9[%get3A_434, %get3A_435] {strides = array<i32>} : memref<128x256xf32, #tpu.memory_space<vmem>>, vector<1x16xf32>,
      %get3A_437 = vector.shape_cast %get3A_436 : vector<1x16xf32> to vector<16xf32>
      %sub3A_438 = arith.subf %get3A_433, %get3A_437 : vector<16xf32>
      %add3A_439 = arith.addf %get3A_437, %sub3A_438 : vector<16xf32>
      %swap3A_440 = arith.index_cast %scan3A_264 : i32 to index
      %swap3A_441 = arith.constant 128 : index
      %swap3A_442 = tpu.vector_load %arg8[%swap3A_440, %swap3A_441] {strides = array<i32>} : memref<128x256xf32, #tpu.memory_space<vmem>>, vector<1x16xf32>,
      %swap3A_443 = vector.shape_cast %swap3A_442 : vector<1x16xf32> to vector<16xf32>
      %swap3A_444 = vector.shape_cast %add3A_439 : vector<16xf32> to vector<1x16xf32>
      tpu.vector_store %arg8[%swap3A_440, %swap3A_441], %swap3A_444 {strides = array<i32>} : memref<128x256xf32, #tpu.memory_space<vmem>>, vector<1x16xf32>,
      %mul3A_445 = arith.mulf %sub3A_438, %sub3A_438 : vector<16xf32>
      %swap3A_446 = arith.index_cast %scan3A_264 : i32 to index
      %swap3A_447 = arith.constant 128 : index
      %swap3A_448 = tpu.vector_load %arg9[%swap3A_446, %swap3A_447] {strides = array<i32>} : memref<128x256xf32, #tpu.memory_space<vmem>>, vector<1x16xf32>,
      %swap3A_449 = vector.shape_cast %swap3A_448 : vector<1x16xf32> to vector<16xf32>
      %swap3A_450 = vector.shape_cast %mul3A_445 : vector<16xf32> to vector<1x16xf32>
      tpu.vector_store %arg9[%swap3A_446, %swap3A_447], %swap3A_450 {strides = array<i32>} : memref<128x256xf32, #tpu.memory_space<vmem>>, vector<1x16xf32>,
      %get3A_451 = arith.index_cast %scan3A_264 : i32 to index
      %get3A_452 = arith.constant 144 : index
      %get3A_453 = tpu.vector_load %arg8[%get3A_451, %get3A_452] {strides = array<i32>} : memref<128x256xf32, #tpu.memory_space<vmem>>, vector<1x16xf32>,
      %get3A_454 = vector.shape_cast %get3A_453 : vector<1x16xf32> to vector<16xf32>
      %get3A_455 = arith.index_cast %scan3A_264 : i32 to index
      %get3A_456 = arith.constant 144 : index
      %get3A_457 = tpu.vector_load %arg9[%get3A_455, %get3A_456] {strides = array<i32>} : memref<128x256xf32, #tpu.memory_space<vmem>>, vector<1x16xf32>,
      %get3A_458 = vector.shape_cast %get3A_457 : vector<1x16xf32> to vector<16xf32>
      %sub3A_459 = arith.subf %get3A_454, %get3A_458 : vector<16xf32>
      %add3A_460 = arith.addf %get3A_458, %sub3A_459 : vector<16xf32>
      %swap3A_461 = arith.index_cast %scan3A_264 : i32 to index
      %swap3A_462 = arith.constant 144 : index
      %swap3A_463 = tpu.vector_load %arg8[%swap3A_461, %swap3A_462] {strides = array<i32>} : memref<128x256xf32, #tpu.memory_space<vmem>>, vector<1x16xf32>,
      %swap3A_464 = vector.shape_cast %swap3A_463 : vector<1x16xf32> to vector<16xf32>
      %swap3A_465 = vector.shape_cast %add3A_460 : vector<16xf32> to vector<1x16xf32>
      tpu.vector_store %arg8[%swap3A_461, %swap3A_462], %swap3A_465 {strides = array<i32>} : memref<128x256xf32, #tpu.memory_space<vmem>>, vector<1x16xf32>,
      %mul3A_466 = arith.mulf %sub3A_459, %sub3A_459 : vector<16xf32>
      %swap3A_467 = arith.index_cast %scan3A_264 : i32 to index
      %swap3A_468 = arith.constant 144 : index
      %swap3A_469 = tpu.vector_load %arg9[%swap3A_467, %swap3A_468] {strides = array<i32>} : memref<128x256xf32, #tpu.memory_space<vmem>>, vector<1x16xf32>,
      %swap3A_470 = vector.shape_cast %swap3A_469 : vector<1x16xf32> to vector<16xf32>
      %swap3A_471 = vector.shape_cast %mul3A_466 : vector<16xf32> to vector<1x16xf32>
      tpu.vector_store %arg9[%swap3A_467, %swap3A_468], %swap3A_471 {strides = array<i32>} : memref<128x256xf32, #tpu.memory_space<vmem>>, vector<1x16xf32>,
      %get3A_472 = arith.index_cast %scan3A_264 : i32 to index
      %get3A_473 = arith.constant 160 : index
      %get3A_474 = tpu.vector_load %arg8[%get3A_472, %get3A_473] {strides = array<i32>} : memref<128x256xf32, #tpu.memory_space<vmem>>, vector<1x16xf32>,
      %get3A_475 = vector.shape_cast %get3A_474 : vector<1x16xf32> to vector<16xf32>
      %get3A_476 = arith.index_cast %scan3A_264 : i32 to index
      %get3A_477 = arith.constant 160 : index
      %get3A_478 = tpu.vector_load %arg9[%get3A_476, %get3A_477] {strides = array<i32>} : memref<128x256xf32, #tpu.memory_space<vmem>>, vector<1x16xf32>,
      %get3A_479 = vector.shape_cast %get3A_478 : vector<1x16xf32> to vector<16xf32>
      %sub3A_480 = arith.subf %get3A_475, %get3A_479 : vector<16xf32>
      %add3A_481 = arith.addf %get3A_479, %sub3A_480 : vector<16xf32>
      %swap3A_482 = arith.index_cast %scan3A_264 : i32 to index
      %swap3A_483 = arith.constant 160 : index
      %swap3A_484 = tpu.vector_load %arg8[%swap3A_482, %swap3A_483] {strides = array<i32>} : memref<128x256xf32, #tpu.memory_space<vmem>>, vector<1x16xf32>,
      %swap3A_485 = vector.shape_cast %swap3A_484 : vector<1x16xf32> to vector<16xf32>
      %swap3A_486 = vector.shape_cast %add3A_481 : vector<16xf32> to vector<1x16xf32>
      tpu.vector_store %arg8[%swap3A_482, %swap3A_483], %swap3A_486 {strides = array<i32>} : memref<128x256xf32, #tpu.memory_space<vmem>>, vector<1x16xf32>,
      %mul3A_487 = arith.mulf %sub3A_480, %sub3A_480 : vector<16xf32>
      %swap3A_488 = arith.index_cast %scan3A_264 : i32 to index
      %swap3A_489 = arith.constant 160 : index
      %swap3A_490 = tpu.vector_load %arg9[%swap3A_488, %swap3A_489] {strides = array<i32>} : memref<128x256xf32, #tpu.memory_space<vmem>>, vector<1x16xf32>,
      %swap3A_491 = vector.shape_cast %swap3A_490 : vector<1x16xf32> to vector<16xf32>
      %swap3A_492 = vector.shape_cast %mul3A_487 : vector<16xf32> to vector<1x16xf32>
      tpu.vector_store %arg9[%swap3A_488, %swap3A_489], %swap3A_492 {strides = array<i32>} : memref<128x256xf32, #tpu.memory_space<vmem>>, vector<1x16xf32>,
      %get3A_493 = arith.index_cast %scan3A_264 : i32 to index
      %get3A_494 = arith.constant 176 : index
      %get3A_495 = tpu.vector_load %arg8[%get3A_493, %get3A_494] {strides = array<i32>} : memref<128x256xf32, #tpu.memory_space<vmem>>, vector<1x16xf32>,
      %get3A_496 = vector.shape_cast %get3A_495 : vector<1x16xf32> to vector<16xf32>
      %get3A_497 = arith.index_cast %scan3A_264 : i32 to index
      %get3A_498 = arith.constant 176 : index
      %get3A_499 = tpu.vector_load %arg9[%get3A_497, %get3A_498] {strides = array<i32>} : memref<128x256xf32, #tpu.memory_space<vmem>>, vector<1x16xf32>,
      %get3A_500 = vector.shape_cast %get3A_499 : vector<1x16xf32> to vector<16xf32>
      %sub3A_501 = arith.subf %get3A_496, %get3A_500 : vector<16xf32>
      %add3A_502 = arith.addf %get3A_500, %sub3A_501 : vector<16xf32>
      %swap3A_503 = arith.index_cast %scan3A_264 : i32 to index
      %swap3A_504 = arith.constant 176 : index
      %swap3A_505 = tpu.vector_load %arg8[%swap3A_503, %swap3A_504] {strides = array<i32>} : memref<128x256xf32, #tpu.memory_space<vmem>>, vector<1x16xf32>,
      %swap3A_506 = vector.shape_cast %swap3A_505 : vector<1x16xf32> to vector<16xf32>
      %swap3A_507 = vector.shape_cast %add3A_502 : vector<16xf32> to vector<1x16xf32>
      tpu.vector_store %arg8[%swap3A_503, %swap3A_504], %swap3A_507 {strides = array<i32>} : memref<128x256xf32, #tpu.memory_space<vmem>>, vector<1x16xf32>,
      %mul3A_508 = arith.mulf %sub3A_501, %sub3A_501 : vector<16xf32>
      %swap3A_509 = arith.index_cast %scan3A_264 : i32 to index
      %swap3A_510 = arith.constant 176 : index
      %swap3A_511 = tpu.vector_load %arg9[%swap3A_509, %swap3A_510] {strides = array<i32>} : memref<128x256xf32, #tpu.memory_space<vmem>>, vector<1x16xf32>,
      %swap3A_512 = vector.shape_cast %swap3A_511 : vector<1x16xf32> to vector<16xf32>
      %swap3A_513 = vector.shape_cast %mul3A_508 : vector<16xf32> to vector<1x16xf32>
      tpu.vector_store %arg9[%swap3A_509, %swap3A_510], %swap3A_513 {strides = array<i32>} : memref<128x256xf32, #tpu.memory_space<vmem>>, vector<1x16xf32>,
      %get3A_514 = arith.index_cast %scan3A_264 : i32 to index
      %get3A_515 = arith.constant 192 : index
      %get3A_516 = tpu.vector_load %arg8[%get3A_514, %get3A_515] {strides = array<i32>} : memref<128x256xf32, #tpu.memory_space<vmem>>, vector<1x16xf32>,
      %get3A_517 = vector.shape_cast %get3A_516 : vector<1x16xf32> to vector<16xf32>
      %get3A_518 = arith.index_cast %scan3A_264 : i32 to index
      %get3A_519 = arith.constant 192 : index
      %get3A_520 = tpu.vector_load %arg9[%get3A_518, %get3A_519] {strides = array<i32>} : memref<128x256xf32, #tpu.memory_space<vmem>>, vector<1x16xf32>,
      %get3A_521 = vector.shape_cast %get3A_520 : vector<1x16xf32> to vector<16xf32>
      %sub3A_522 = arith.subf %get3A_517, %get3A_521 : vector<16xf32>
      %add3A_523 = arith.addf %get3A_521, %sub3A_522 : vector<16xf32>
      %swap3A_524 = arith.index_cast %scan3A_264 : i32 to index
      %swap3A_525 = arith.constant 192 : index
      %swap3A_526 = tpu.vector_load %arg8[%swap3A_524, %swap3A_525] {strides = array<i32>} : memref<128x256xf32, #tpu.memory_space<vmem>>, vector<1x16xf32>,
      %swap3A_527 = vector.shape_cast %swap3A_526 : vector<1x16xf32> to vector<16xf32>
      %swap3A_528 = vector.shape_cast %add3A_523 : vector<16xf32> to vector<1x16xf32>
      tpu.vector_store %arg8[%swap3A_524, %swap3A_525], %swap3A_528 {strides = array<i32>} : memref<128x256xf32, #tpu.memory_space<vmem>>, vector<1x16xf32>,
      %mul3A_529 = arith.mulf %sub3A_522, %sub3A_522 : vector<16xf32>
      %swap3A_530 = arith.index_cast %scan3A_264 : i32 to index
      %swap3A_531 = arith.constant 192 : index
      %swap3A_532 = tpu.vector_load %arg9[%swap3A_530, %swap3A_531] {strides = array<i32>} : memref<128x256xf32, #tpu.memory_space<vmem>>, vector<1x16xf32>,
      %swap3A_533 = vector.shape_cast %swap3A_532 : vector<1x16xf32> to vector<16xf32>
      %swap3A_534 = vector.shape_cast %mul3A_529 : vector<16xf32> to vector<1x16xf32>
      tpu.vector_store %arg9[%swap3A_530, %swap3A_531], %swap3A_534 {strides = array<i32>} : memref<128x256xf32, #tpu.memory_space<vmem>>, vector<1x16xf32>,
      %get3A_535 = arith.index_cast %scan3A_264 : i32 to index
      %get3A_536 = arith.constant 208 : index
      %get3A_537 = tpu.vector_load %arg8[%get3A_535, %get3A_536] {strides = array<i32>} : memref<128x256xf32, #tpu.memory_space<vmem>>, vector<1x16xf32>,
      %get3A_538 = vector.shape_cast %get3A_537 : vector<1x16xf32> to vector<16xf32>
      %get3A_539 = arith.index_cast %scan3A_264 : i32 to index
      %get3A_540 = arith.constant 208 : index
      %get3A_541 = tpu.vector_load %arg9[%get3A_539, %get3A_540] {strides = array<i32>} : memref<128x256xf32, #tpu.memory_space<vmem>>, vector<1x16xf32>,
      %get3A_542 = vector.shape_cast %get3A_541 : vector<1x16xf32> to vector<16xf32>
      %sub3A_543 = arith.subf %get3A_538, %get3A_542 : vector<16xf32>
      %add3A_544 = arith.addf %get3A_542, %sub3A_543 : vector<16xf32>
      %swap3A_545 = arith.index_cast %scan3A_264 : i32 to index
      %swap3A_546 = arith.constant 208 : index
      %swap3A_547 = tpu.vector_load %arg8[%swap3A_545, %swap3A_546] {strides = array<i32>} : memref<128x256xf32, #tpu.memory_space<vmem>>, vector<1x16xf32>,
      %swap3A_548 = vector.shape_cast %swap3A_547 : vector<1x16xf32> to vector<16xf32>
      %swap3A_549 = vector.shape_cast %add3A_544 : vector<16xf32> to vector<1x16xf32>
      tpu.vector_store %arg8[%swap3A_545, %swap3A_546], %swap3A_549 {strides = array<i32>} : memref<128x256xf32, #tpu.memory_space<vmem>>, vector<1x16xf32>,
      %mul3A_550 = arith.mulf %sub3A_543, %sub3A_543 : vector<16xf32>
      %swap3A_551 = arith.index_cast %scan3A_264 : i32 to index
      %swap3A_552 = arith.constant 208 : index
      %swap3A_553 = tpu.vector_load %arg9[%swap3A_551, %swap3A_552] {strides = array<i32>} : memref<128x256xf32, #tpu.memory_space<vmem>>, vector<1x16xf32>,
      %swap3A_554 = vector.shape_cast %swap3A_553 : vector<1x16xf32> to vector<16xf32>
      %swap3A_555 = vector.shape_cast %mul3A_550 : vector<16xf32> to vector<1x16xf32>
      tpu.vector_store %arg9[%swap3A_551, %swap3A_552], %swap3A_555 {strides = array<i32>} : memref<128x256xf32, #tpu.memory_space<vmem>>, vector<1x16xf32>,
      %get3A_556 = arith.index_cast %scan3A_264 : i32 to index
      %get3A_557 = arith.constant 224 : index
      %get3A_558 = tpu.vector_load %arg8[%get3A_556, %get3A_557] {strides = array<i32>} : memref<128x256xf32, #tpu.memory_space<vmem>>, vector<1x16xf32>,
      %get3A_559 = vector.shape_cast %get3A_558 : vector<1x16xf32> to vector<16xf32>
      %get3A_560 = arith.index_cast %scan3A_264 : i32 to index
      %get3A_561 = arith.constant 224 : index
      %get3A_562 = tpu.vector_load %arg9[%get3A_560, %get3A_561] {strides = array<i32>} : memref<128x256xf32, #tpu.memory_space<vmem>>, vector<1x16xf32>,
      %get3A_563 = vector.shape_cast %get3A_562 : vector<1x16xf32> to vector<16xf32>
      %sub3A_564 = arith.subf %get3A_559, %get3A_563 : vector<16xf32>
      %add3A_565 = arith.addf %get3A_563, %sub3A_564 : vector<16xf32>
      %swap3A_566 = arith.index_cast %scan3A_264 : i32 to index
      %swap3A_567 = arith.constant 224 : index
      %swap3A_568 = tpu.vector_load %arg8[%swap3A_566, %swap3A_567] {strides = array<i32>} : memref<128x256xf32, #tpu.memory_space<vmem>>, vector<1x16xf32>,
      %swap3A_569 = vector.shape_cast %swap3A_568 : vector<1x16xf32> to vector<16xf32>
      %swap3A_570 = vector.shape_cast %add3A_565 : vector<16xf32> to vector<1x16xf32>
      tpu.vector_store %arg8[%swap3A_566, %swap3A_567], %swap3A_570 {strides = array<i32>} : memref<128x256xf32, #tpu.memory_space<vmem>>, vector<1x16xf32>,
      %mul3A_571 = arith.mulf %sub3A_564, %sub3A_564 : vector<16xf32>
      %swap3A_572 = arith.index_cast %scan3A_264 : i32 to index
      %swap3A_573 = arith.constant 224 : index
      %swap3A_574 = tpu.vector_load %arg9[%swap3A_572, %swap3A_573] {strides = array<i32>} : memref<128x256xf32, #tpu.memory_space<vmem>>, vector<1x16xf32>,
      %swap3A_575 = vector.shape_cast %swap3A_574 : vector<1x16xf32> to vector<16xf32>
      %swap3A_576 = vector.shape_cast %mul3A_571 : vector<16xf32> to vector<1x16xf32>
      tpu.vector_store %arg9[%swap3A_572, %swap3A_573], %swap3A_576 {strides = array<i32>} : memref<128x256xf32, #tpu.memory_space<vmem>>, vector<1x16xf32>,
      %get3A_577 = arith.index_cast %scan3A_264 : i32 to index
      %get3A_578 = arith.constant 240 : index
      %get3A_579 = tpu.vector_load %arg8[%get3A_577, %get3A_578] {strides = array<i32>} : memref<128x256xf32, #tpu.memory_space<vmem>>, vector<1x16xf32>,
      %get3A_580 = vector.shape_cast %get3A_579 : vector<1x16xf32> to vector<16xf32>
      %get3A_581 = arith.index_cast %scan3A_264 : i32 to index
      %get3A_582 = arith.constant 240 : index
      %get3A_583 = tpu.vector_load %arg9[%get3A_581, %get3A_582] {strides = array<i32>} : memref<128x256xf32, #tpu.memory_space<vmem>>, vector<1x16xf32>,
      %get3A_584 = vector.shape_cast %get3A_583 : vector<1x16xf32> to vector<16xf32>
      %sub3A_585 = arith.subf %get3A_580, %get3A_584 : vector<16xf32>
      %add3A_586 = arith.addf %get3A_584, %sub3A_585 : vector<16xf32>
      %swap3A_587 = arith.index_cast %scan3A_264 : i32 to index
      %swap3A_588 = arith.constant 240 : index
      %swap3A_589 = tpu.vector_load %arg8[%swap3A_587, %swap3A_588] {strides = array<i32>} : memref<128x256xf32, #tpu.memory_space<vmem>>, vector<1x16xf32>,
      %swap3A_590 = vector.shape_cast %swap3A_589 : vector<1x16xf32> to vector<16xf32>
      %swap3A_591 = vector.shape_cast %add3A_586 : vector<16xf32> to vector<1x16xf32>
      tpu.vector_store %arg8[%swap3A_587, %swap3A_588], %swap3A_591 {strides = array<i32>} : memref<128x256xf32, #tpu.memory_space<vmem>>, vector<1x16xf32>,
      %mul3A_592 = arith.mulf %sub3A_585, %sub3A_585 : vector<16xf32>
      %swap3A_593 = arith.index_cast %scan3A_264 : i32 to index
      %swap3A_594 = arith.constant 240 : index
      %swap3A_595 = tpu.vector_load %arg9[%swap3A_593, %swap3A_594] {strides = array<i32>} : memref<128x256xf32, #tpu.memory_space<vmem>>, vector<1x16xf32>,
      %swap3A_596 = vector.shape_cast %swap3A_595 : vector<1x16xf32> to vector<16xf32>
      %swap3A_597 = vector.shape_cast %mul3A_592 : vector<16xf32> to vector<1x16xf32>
      tpu.vector_store %arg9[%swap3A_593, %swap3A_594], %swap3A_597 {strides = array<i32>} : memref<128x256xf32, #tpu.memory_space<vmem>>, vector<1x16xf32>,
    }
    %scan3A_53 = arith.constant 32 : i32
    %add3A_54 = arith.constant 0 : i32
    %add3A_55 = arith.addi %mul3A_2, %add3A_54 : i32
    %dma_start3A_56 = arith.constant 0 : i32
    %dma_start3A_57 = arith.constant 0 : i32
    %dma_start3A_58 = tpu.memref_slice %arg8[%dma_start3A_56, %dma_start3A_57] : memref<128x256xf32, #tpu.memory_space<vmem>> -> memref<32x256xf32, #tpu.memory_space<vmem>>
    %dma_start3A_59 = arith.constant 0 : i32
    %dma_start3A_60 = tpu.memref_slice %arg5[%add3A_55, %dma_start3A_59] : memref<4096x256xf32, #tpu.memory_space<hbm>> -> memref<32x256xf32, #tpu.memory_space<hbm>>
    %dma_start3A_61 = arith.constant 0 : i32
    %dma_start3A_62 = tpu.memref_slice %arg5[%add3A_55, %dma_start3A_61] : memref<4096x256xf32, #tpu.memory_space<hbm>> -> memref<32x256xf32, #tpu.memory_space<hbm>>
    %dma_start3A_63 = arith.constant 0 : i32
    %dma_start3A_64 = arith.constant 0 : i32
    %dma_start3A_65 = tpu.memref_slice %arg8[%dma_start3A_63, %dma_start3A_64] : memref<128x256xf32, #tpu.memory_space<vmem>> -> memref<32x256xf32, #tpu.memory_space<vmem>>
    tpu.enqueue_dma source(%dma_start3A_65 : memref<32x256xf32, #tpu.memory_space<vmem>>) target(%dma_start3A_62 : memref<32x256xf32, #tpu.memory_space<hbm>>) target_semaphore(%arg15 : memref<!tpu.dma_semaphore, #tpu.memory_space<semaphore_mem>>)
    %dma_start3A_66 = arith.constant 0 : i32
    %dma_start3A_67 = arith.constant 0 : i32
    %dma_start3A_68 = tpu.memref_slice %arg9[%dma_start3A_66, %dma_start3A_67] : memref<128x256xf32, #tpu.memory_space<vmem>> -> memref<32x256xf32, #tpu.memory_space<vmem>>
    %dma_start3A_69 = arith.constant 0 : i32
    %dma_start3A_70 = tpu.memref_slice %arg6[%add3A_55, %dma_start3A_69] : memref<4096x256xf32, #tpu.memory_space<hbm>> -> memref<32x256xf32, #tpu.memory_space<hbm>>
    %dma_start3A_71 = arith.constant 0 : i32
    %dma_start3A_72 = tpu.memref_slice %arg6[%add3A_55, %dma_start3A_71] : memref<4096x256xf32, #tpu.memory_space<hbm>> -> memref<32x256xf32, #tpu.memory_space<hbm>>
    %dma_start3A_73 = arith.constant 0 : i32
    %dma_start3A_74 = arith.constant 0 : i32
    %dma_start3A_75 = tpu.memref_slice %arg9[%dma_start3A_73, %dma_start3A_74] : memref<128x256xf32, #tpu.memory_space<vmem>> -> memref<32x256xf32, #tpu.memory_space<vmem>>
    tpu.enqueue_dma source(%dma_start3A_75 : memref<32x256xf32, #tpu.memory_space<vmem>>) target(%dma_start3A_72 : memref<32x256xf32, #tpu.memory_space<hbm>>) target_semaphore(%arg15 : memref<!tpu.dma_semaphore, #tpu.memory_space<semaphore_mem>>)
    %dma_wait3A_76 = arith.constant 32 : i32
    %dma_wait3A_77 = arith.constant 0 : i32
    %dma_wait3A_78 = tpu.memref_slice %arg8[%dma_wait3A_76, %dma_wait3A_77] : memref<128x256xf32, #tpu.memory_space<vmem>> -> memref<32x256xf32, #tpu.memory_space<vmem>>
    %dma_wait3A_79 = arith.constant 32 : i32
    %dma_wait3A_80 = tpu.memref_slice %arg7[%dma_wait3A_79] : memref<128xi32, #tpu.memory_space<vmem>> -> memref<32xi32, #tpu.memory_space<vmem>>
    %dma_wait3A_81 = arith.constant 0 : i32
    %dma_wait3A_82 = arith.constant 0 : i32
    %dma_wait3A_83 = tpu.memref_slice %arg2[%dma_wait3A_81, %dma_wait3A_82] : memref<8192x256xf32, #tpu.memory_space<hbm>> -> memref<8192x256xf32, #tpu.memory_space<hbm>>
    tpu.wait_indirect_dma semaphore(%arg11 : memref<!tpu.dma_semaphore, #tpu.memory_space<semaphore_mem>>) src(%dma_wait3A_83 : memref<8192x256xf32, #tpu.memory_space<hbm>>) dst(%dma_wait3A_78 : memref<32x256xf32, #tpu.memory_space<vmem>>)
    %scan3A_84 = arith.constant 0 : i32
    %scan3A_85 = arith.constant 32 : i32
    %scan3A_86 = arith.constant 32 : i32
    %scan3A_87 = arith.addi %scan3A_85, %scan3A_86 : i32
    %scan3A_88 = arith.constant 1 : i32
    scf.for %scan3A_264 = %scan3A_85 to %scan3A_87 step %scan3A_88  : i32 {
      %get3A = arith.index_cast %scan3A_264 : i32 to index
      %get3A_265 = arith.constant 0 : index
      %get3A_266 = tpu.vector_load %arg8[%get3A, %get3A_265] {strides = array<i32>} : memref<128x256xf32, #tpu.memory_space<vmem>>, vector<1x16xf32>,
      %get3A_267 = vector.shape_cast %get3A_266 : vector<1x16xf32> to vector<16xf32>
      %get3A_268 = arith.index_cast %scan3A_264 : i32 to index
      %get3A_269 = arith.constant 0 : index
      %get3A_270 = tpu.vector_load %arg9[%get3A_268, %get3A_269] {strides = array<i32>} : memref<128x256xf32, #tpu.memory_space<vmem>>, vector<1x16xf32>,
      %get3A_271 = vector.shape_cast %get3A_270 : vector<1x16xf32> to vector<16xf32>
      %sub3A = arith.subf %get3A_267, %get3A_271 : vector<16xf32>
      %add3A_272 = arith.addf %get3A_271, %sub3A : vector<16xf32>
      %swap3A = arith.index_cast %scan3A_264 : i32 to index
      %swap3A_273 = arith.constant 0 : index
      %swap3A_274 = tpu.vector_load %arg8[%swap3A, %swap3A_273] {strides = array<i32>} : memref<128x256xf32, #tpu.memory_space<vmem>>, vector<1x16xf32>,
      %swap3A_275 = vector.shape_cast %swap3A_274 : vector<1x16xf32> to vector<16xf32>
      %swap3A_276 = vector.shape_cast %add3A_272 : vector<16xf32> to vector<1x16xf32>
      tpu.vector_store %arg8[%swap3A, %swap3A_273], %swap3A_276 {strides = array<i32>} : memref<128x256xf32, #tpu.memory_space<vmem>>, vector<1x16xf32>,
      %mul3A_277 = arith.mulf %sub3A, %sub3A : vector<16xf32>
      %swap3A_278 = arith.index_cast %scan3A_264 : i32 to index
      %swap3A_279 = arith.constant 0 : index
      %swap3A_280 = tpu.vector_load %arg9[%swap3A_278, %swap3A_279] {strides = array<i32>} : memref<128x256xf32, #tpu.memory_space<vmem>>, vector<1x16xf32>,
      %swap3A_281 = vector.shape_cast %swap3A_280 : vector<1x16xf32> to vector<16xf32>
      %swap3A_282 = vector.shape_cast %mul3A_277 : vector<16xf32> to vector<1x16xf32>
      tpu.vector_store %arg9[%swap3A_278, %swap3A_279], %swap3A_282 {strides = array<i32>} : memref<128x256xf32, #tpu.memory_space<vmem>>, vector<1x16xf32>,
      %get3A_283 = arith.index_cast %scan3A_264 : i32 to index
      %get3A_284 = arith.constant 16 : index
      %get3A_285 = tpu.vector_load %arg8[%get3A_283, %get3A_284] {strides = array<i32>} : memref<128x256xf32, #tpu.memory_space<vmem>>, vector<1x16xf32>,
      %get3A_286 = vector.shape_cast %get3A_285 : vector<1x16xf32> to vector<16xf32>
      %get3A_287 = arith.index_cast %scan3A_264 : i32 to index
      %get3A_288 = arith.constant 16 : index
      %get3A_289 = tpu.vector_load %arg9[%get3A_287, %get3A_288] {strides = array<i32>} : memref<128x256xf32, #tpu.memory_space<vmem>>, vector<1x16xf32>,
      %get3A_290 = vector.shape_cast %get3A_289 : vector<1x16xf32> to vector<16xf32>
      %sub3A_291 = arith.subf %get3A_286, %get3A_290 : vector<16xf32>
      %add3A_292 = arith.addf %get3A_290, %sub3A_291 : vector<16xf32>
      %swap3A_293 = arith.index_cast %scan3A_264 : i32 to index
      %swap3A_294 = arith.constant 16 : index
      %swap3A_295 = tpu.vector_load %arg8[%swap3A_293, %swap3A_294] {strides = array<i32>} : memref<128x256xf32, #tpu.memory_space<vmem>>, vector<1x16xf32>,
      %swap3A_296 = vector.shape_cast %swap3A_295 : vector<1x16xf32> to vector<16xf32>
      %swap3A_297 = vector.shape_cast %add3A_292 : vector<16xf32> to vector<1x16xf32>
      tpu.vector_store %arg8[%swap3A_293, %swap3A_294], %swap3A_297 {strides = array<i32>} : memref<128x256xf32, #tpu.memory_space<vmem>>, vector<1x16xf32>,
      %mul3A_298 = arith.mulf %sub3A_291, %sub3A_291 : vector<16xf32>
      %swap3A_299 = arith.index_cast %scan3A_264 : i32 to index
      %swap3A_300 = arith.constant 16 : index
      %swap3A_301 = tpu.vector_load %arg9[%swap3A_299, %swap3A_300] {strides = array<i32>} : memref<128x256xf32, #tpu.memory_space<vmem>>, vector<1x16xf32>,
      %swap3A_302 = vector.shape_cast %swap3A_301 : vector<1x16xf32> to vector<16xf32>
      %swap3A_303 = vector.shape_cast %mul3A_298 : vector<16xf32> to vector<1x16xf32>
      tpu.vector_store %arg9[%swap3A_299, %swap3A_300], %swap3A_303 {strides = array<i32>} : memref<128x256xf32, #tpu.memory_space<vmem>>, vector<1x16xf32>,
      %get3A_304 = arith.index_cast %scan3A_264 : i32 to index
      %get3A_305 = arith.constant 32 : index
      %get3A_306 = tpu.vector_load %arg8[%get3A_304, %get3A_305] {strides = array<i32>} : memref<128x256xf32, #tpu.memory_space<vmem>>, vector<1x16xf32>,
      %get3A_307 = vector.shape_cast %get3A_306 : vector<1x16xf32> to vector<16xf32>
      %get3A_308 = arith.index_cast %scan3A_264 : i32 to index
      %get3A_309 = arith.constant 32 : index
      %get3A_310 = tpu.vector_load %arg9[%get3A_308, %get3A_309] {strides = array<i32>} : memref<128x256xf32, #tpu.memory_space<vmem>>, vector<1x16xf32>,
      %get3A_311 = vector.shape_cast %get3A_310 : vector<1x16xf32> to vector<16xf32>
      %sub3A_312 = arith.subf %get3A_307, %get3A_311 : vector<16xf32>
      %add3A_313 = arith.addf %get3A_311, %sub3A_312 : vector<16xf32>
      %swap3A_314 = arith.index_cast %scan3A_264 : i32 to index
      %swap3A_315 = arith.constant 32 : index
      %swap3A_316 = tpu.vector_load %arg8[%swap3A_314, %swap3A_315] {strides = array<i32>} : memref<128x256xf32, #tpu.memory_space<vmem>>, vector<1x16xf32>,
      %swap3A_317 = vector.shape_cast %swap3A_316 : vector<1x16xf32> to vector<16xf32>
      %swap3A_318 = vector.shape_cast %add3A_313 : vector<16xf32> to vector<1x16xf32>
      tpu.vector_store %arg8[%swap3A_314, %swap3A_315], %swap3A_318 {strides = array<i32>} : memref<128x256xf32, #tpu.memory_space<vmem>>, vector<1x16xf32>,
      %mul3A_319 = arith.mulf %sub3A_312, %sub3A_312 : vector<16xf32>
      %swap3A_320 = arith.index_cast %scan3A_264 : i32 to index
      %swap3A_321 = arith.constant 32 : index
      %swap3A_322 = tpu.vector_load %arg9[%swap3A_320, %swap3A_321] {strides = array<i32>} : memref<128x256xf32, #tpu.memory_space<vmem>>, vector<1x16xf32>,
      %swap3A_323 = vector.shape_cast %swap3A_322 : vector<1x16xf32> to vector<16xf32>
      %swap3A_324 = vector.shape_cast %mul3A_319 : vector<16xf32> to vector<1x16xf32>
      tpu.vector_store %arg9[%swap3A_320, %swap3A_321], %swap3A_324 {strides = array<i32>} : memref<128x256xf32, #tpu.memory_space<vmem>>, vector<1x16xf32>,
      %get3A_325 = arith.index_cast %scan3A_264 : i32 to index
      %get3A_326 = arith.constant 48 : index
      %get3A_327 = tpu.vector_load %arg8[%get3A_325, %get3A_326] {strides = array<i32>} : memref<128x256xf32, #tpu.memory_space<vmem>>, vector<1x16xf32>,
      %get3A_328 = vector.shape_cast %get3A_327 : vector<1x16xf32> to vector<16xf32>
      %get3A_329 = arith.index_cast %scan3A_264 : i32 to index
      %get3A_330 = arith.constant 48 : index
      %get3A_331 = tpu.vector_load %arg9[%get3A_329, %get3A_330] {strides = array<i32>} : memref<128x256xf32, #tpu.memory_space<vmem>>, vector<1x16xf32>,
      %get3A_332 = vector.shape_cast %get3A_331 : vector<1x16xf32> to vector<16xf32>
      %sub3A_333 = arith.subf %get3A_328, %get3A_332 : vector<16xf32>
      %add3A_334 = arith.addf %get3A_332, %sub3A_333 : vector<16xf32>
      %swap3A_335 = arith.index_cast %scan3A_264 : i32 to index
      %swap3A_336 = arith.constant 48 : index
      %swap3A_337 = tpu.vector_load %arg8[%swap3A_335, %swap3A_336] {strides = array<i32>} : memref<128x256xf32, #tpu.memory_space<vmem>>, vector<1x16xf32>,
      %swap3A_338 = vector.shape_cast %swap3A_337 : vector<1x16xf32> to vector<16xf32>
      %swap3A_339 = vector.shape_cast %add3A_334 : vector<16xf32> to vector<1x16xf32>
      tpu.vector_store %arg8[%swap3A_335, %swap3A_336], %swap3A_339 {strides = array<i32>} : memref<128x256xf32, #tpu.memory_space<vmem>>, vector<1x16xf32>,
      %mul3A_340 = arith.mulf %sub3A_333, %sub3A_333 : vector<16xf32>
      %swap3A_341 = arith.index_cast %scan3A_264 : i32 to index
      %swap3A_342 = arith.constant 48 : index
      %swap3A_343 = tpu.vector_load %arg9[%swap3A_341, %swap3A_342] {strides = array<i32>} : memref<128x256xf32, #tpu.memory_space<vmem>>, vector<1x16xf32>,
      %swap3A_344 = vector.shape_cast %swap3A_343 : vector<1x16xf32> to vector<16xf32>
      %swap3A_345 = vector.shape_cast %mul3A_340 : vector<16xf32> to vector<1x16xf32>
      tpu.vector_store %arg9[%swap3A_341, %swap3A_342], %swap3A_345 {strides = array<i32>} : memref<128x256xf32, #tpu.memory_space<vmem>>, vector<1x16xf32>,
      %get3A_346 = arith.index_cast %scan3A_264 : i32 to index
      %get3A_347 = arith.constant 64 : index
      %get3A_348 = tpu.vector_load %arg8[%get3A_346, %get3A_347] {strides = array<i32>} : memref<128x256xf32, #tpu.memory_space<vmem>>, vector<1x16xf32>,
      %get3A_349 = vector.shape_cast %get3A_348 : vector<1x16xf32> to vector<16xf32>
      %get3A_350 = arith.index_cast %scan3A_264 : i32 to index
      %get3A_351 = arith.constant 64 : index
      %get3A_352 = tpu.vector_load %arg9[%get3A_350, %get3A_351] {strides = array<i32>} : memref<128x256xf32, #tpu.memory_space<vmem>>, vector<1x16xf32>,
      %get3A_353 = vector.shape_cast %get3A_352 : vector<1x16xf32> to vector<16xf32>
      %sub3A_354 = arith.subf %get3A_349, %get3A_353 : vector<16xf32>
      %add3A_355 = arith.addf %get3A_353, %sub3A_354 : vector<16xf32>
      %swap3A_356 = arith.index_cast %scan3A_264 : i32 to index
      %swap3A_357 = arith.constant 64 : index
      %swap3A_358 = tpu.vector_load %arg8[%swap3A_356, %swap3A_357] {strides = array<i32>} : memref<128x256xf32, #tpu.memory_space<vmem>>, vector<1x16xf32>,
      %swap3A_359 = vector.shape_cast %swap3A_358 : vector<1x16xf32> to vector<16xf32>
      %swap3A_360 = vector.shape_cast %add3A_355 : vector<16xf32> to vector<1x16xf32>
      tpu.vector_store %arg8[%swap3A_356, %swap3A_357], %swap3A_360 {strides = array<i32>} : memref<128x256xf32, #tpu.memory_space<vmem>>, vector<1x16xf32>,
      %mul3A_361 = arith.mulf %sub3A_354, %sub3A_354 : vector<16xf32>
      %swap3A_362 = arith.index_cast %scan3A_264 : i32 to index
      %swap3A_363 = arith.constant 64 : index
      %swap3A_364 = tpu.vector_load %arg9[%swap3A_362, %swap3A_363] {strides = array<i32>} : memref<128x256xf32, #tpu.memory_space<vmem>>, vector<1x16xf32>,
      %swap3A_365 = vector.shape_cast %swap3A_364 : vector<1x16xf32> to vector<16xf32>
      %swap3A_366 = vector.shape_cast %mul3A_361 : vector<16xf32> to vector<1x16xf32>
      tpu.vector_store %arg9[%swap3A_362, %swap3A_363], %swap3A_366 {strides = array<i32>} : memref<128x256xf32, #tpu.memory_space<vmem>>, vector<1x16xf32>,
      %get3A_367 = arith.index_cast %scan3A_264 : i32 to index
      %get3A_368 = arith.constant 80 : index
      %get3A_369 = tpu.vector_load %arg8[%get3A_367, %get3A_368] {strides = array<i32>} : memref<128x256xf32, #tpu.memory_space<vmem>>, vector<1x16xf32>,
      %get3A_370 = vector.shape_cast %get3A_369 : vector<1x16xf32> to vector<16xf32>
      %get3A_371 = arith.index_cast %scan3A_264 : i32 to index
      %get3A_372 = arith.constant 80 : index
      %get3A_373 = tpu.vector_load %arg9[%get3A_371, %get3A_372] {strides = array<i32>} : memref<128x256xf32, #tpu.memory_space<vmem>>, vector<1x16xf32>,
      %get3A_374 = vector.shape_cast %get3A_373 : vector<1x16xf32> to vector<16xf32>
      %sub3A_375 = arith.subf %get3A_370, %get3A_374 : vector<16xf32>
      %add3A_376 = arith.addf %get3A_374, %sub3A_375 : vector<16xf32>
      %swap3A_377 = arith.index_cast %scan3A_264 : i32 to index
      %swap3A_378 = arith.constant 80 : index
      %swap3A_379 = tpu.vector_load %arg8[%swap3A_377, %swap3A_378] {strides = array<i32>} : memref<128x256xf32, #tpu.memory_space<vmem>>, vector<1x16xf32>,
      %swap3A_380 = vector.shape_cast %swap3A_379 : vector<1x16xf32> to vector<16xf32>
      %swap3A_381 = vector.shape_cast %add3A_376 : vector<16xf32> to vector<1x16xf32>
      tpu.vector_store %arg8[%swap3A_377, %swap3A_378], %swap3A_381 {strides = array<i32>} : memref<128x256xf32, #tpu.memory_space<vmem>>, vector<1x16xf32>,
      %mul3A_382 = arith.mulf %sub3A_375, %sub3A_375 : vector<16xf32>
      %swap3A_383 = arith.index_cast %scan3A_264 : i32 to index
      %swap3A_384 = arith.constant 80 : index
      %swap3A_385 = tpu.vector_load %arg9[%swap3A_383, %swap3A_384] {strides = array<i32>} : memref<128x256xf32, #tpu.memory_space<vmem>>, vector<1x16xf32>,
      %swap3A_386 = vector.shape_cast %swap3A_385 : vector<1x16xf32> to vector<16xf32>
      %swap3A_387 = vector.shape_cast %mul3A_382 : vector<16xf32> to vector<1x16xf32>
      tpu.vector_store %arg9[%swap3A_383, %swap3A_384], %swap3A_387 {strides = array<i32>} : memref<128x256xf32, #tpu.memory_space<vmem>>, vector<1x16xf32>,
      %get3A_388 = arith.index_cast %scan3A_264 : i32 to index
      %get3A_389 = arith.constant 96 : index
      %get3A_390 = tpu.vector_load %arg8[%get3A_388, %get3A_389] {strides = array<i32>} : memref<128x256xf32, #tpu.memory_space<vmem>>, vector<1x16xf32>,
      %get3A_391 = vector.shape_cast %get3A_390 : vector<1x16xf32> to vector<16xf32>
      %get3A_392 = arith.index_cast %scan3A_264 : i32 to index
      %get3A_393 = arith.constant 96 : index
      %get3A_394 = tpu.vector_load %arg9[%get3A_392, %get3A_393] {strides = array<i32>} : memref<128x256xf32, #tpu.memory_space<vmem>>, vector<1x16xf32>,
      %get3A_395 = vector.shape_cast %get3A_394 : vector<1x16xf32> to vector<16xf32>
      %sub3A_396 = arith.subf %get3A_391, %get3A_395 : vector<16xf32>
      %add3A_397 = arith.addf %get3A_395, %sub3A_396 : vector<16xf32>
      %swap3A_398 = arith.index_cast %scan3A_264 : i32 to index
      %swap3A_399 = arith.constant 96 : index
      %swap3A_400 = tpu.vector_load %arg8[%swap3A_398, %swap3A_399] {strides = array<i32>} : memref<128x256xf32, #tpu.memory_space<vmem>>, vector<1x16xf32>,
      %swap3A_401 = vector.shape_cast %swap3A_400 : vector<1x16xf32> to vector<16xf32>
      %swap3A_402 = vector.shape_cast %add3A_397 : vector<16xf32> to vector<1x16xf32>
      tpu.vector_store %arg8[%swap3A_398, %swap3A_399], %swap3A_402 {strides = array<i32>} : memref<128x256xf32, #tpu.memory_space<vmem>>, vector<1x16xf32>,
      %mul3A_403 = arith.mulf %sub3A_396, %sub3A_396 : vector<16xf32>
      %swap3A_404 = arith.index_cast %scan3A_264 : i32 to index
      %swap3A_405 = arith.constant 96 : index
      %swap3A_406 = tpu.vector_load %arg9[%swap3A_404, %swap3A_405] {strides = array<i32>} : memref<128x256xf32, #tpu.memory_space<vmem>>, vector<1x16xf32>,
      %swap3A_407 = vector.shape_cast %swap3A_406 : vector<1x16xf32> to vector<16xf32>
      %swap3A_408 = vector.shape_cast %mul3A_403 : vector<16xf32> to vector<1x16xf32>
      tpu.vector_store %arg9[%swap3A_404, %swap3A_405], %swap3A_408 {strides = array<i32>} : memref<128x256xf32, #tpu.memory_space<vmem>>, vector<1x16xf32>,
      %get3A_409 = arith.index_cast %scan3A_264 : i32 to index
      %get3A_410 = arith.constant 112 : index
      %get3A_411 = tpu.vector_load %arg8[%get3A_409, %get3A_410] {strides = array<i32>} : memref<128x256xf32, #tpu.memory_space<vmem>>, vector<1x16xf32>,
      %get3A_412 = vector.shape_cast %get3A_411 : vector<1x16xf32> to vector<16xf32>
      %get3A_413 = arith.index_cast %scan3A_264 : i32 to index
      %get3A_414 = arith.constant 112 : index
      %get3A_415 = tpu.vector_load %arg9[%get3A_413, %get3A_414] {strides = array<i32>} : memref<128x256xf32, #tpu.memory_space<vmem>>, vector<1x16xf32>,
      %get3A_416 = vector.shape_cast %get3A_415 : vector<1x16xf32> to vector<16xf32>
      %sub3A_417 = arith.subf %get3A_412, %get3A_416 : vector<16xf32>
      %add3A_418 = arith.addf %get3A_416, %sub3A_417 : vector<16xf32>
      %swap3A_419 = arith.index_cast %scan3A_264 : i32 to index
      %swap3A_420 = arith.constant 112 : index
      %swap3A_421 = tpu.vector_load %arg8[%swap3A_419, %swap3A_420] {strides = array<i32>} : memref<128x256xf32, #tpu.memory_space<vmem>>, vector<1x16xf32>,
      %swap3A_422 = vector.shape_cast %swap3A_421 : vector<1x16xf32> to vector<16xf32>
      %swap3A_423 = vector.shape_cast %add3A_418 : vector<16xf32> to vector<1x16xf32>
      tpu.vector_store %arg8[%swap3A_419, %swap3A_420], %swap3A_423 {strides = array<i32>} : memref<128x256xf32, #tpu.memory_space<vmem>>, vector<1x16xf32>,
      %mul3A_424 = arith.mulf %sub3A_417, %sub3A_417 : vector<16xf32>
      %swap3A_425 = arith.index_cast %scan3A_264 : i32 to index
      %swap3A_426 = arith.constant 112 : index
      %swap3A_427 = tpu.vector_load %arg9[%swap3A_425, %swap3A_426] {strides = array<i32>} : memref<128x256xf32, #tpu.memory_space<vmem>>, vector<1x16xf32>,
      %swap3A_428 = vector.shape_cast %swap3A_427 : vector<1x16xf32> to vector<16xf32>
      %swap3A_429 = vector.shape_cast %mul3A_424 : vector<16xf32> to vector<1x16xf32>
      tpu.vector_store %arg9[%swap3A_425, %swap3A_426], %swap3A_429 {strides = array<i32>} : memref<128x256xf32, #tpu.memory_space<vmem>>, vector<1x16xf32>,
      %get3A_430 = arith.index_cast %scan3A_264 : i32 to index
      %get3A_431 = arith.constant 128 : index
      %get3A_432 = tpu.vector_load %arg8[%get3A_430, %get3A_431] {strides = array<i32>} : memref<128x256xf32, #tpu.memory_space<vmem>>, vector<1x16xf32>,
      %get3A_433 = vector.shape_cast %get3A_432 : vector<1x16xf32> to vector<16xf32>
      %get3A_434 = arith.index_cast %scan3A_264 : i32 to index
      %get3A_435 = arith.constant 128 : index
      %get3A_436 = tpu.vector_load %arg9[%get3A_434, %get3A_435] {strides = array<i32>} : memref<128x256xf32, #tpu.memory_space<vmem>>, vector<1x16xf32>,
      %get3A_437 = vector.shape_cast %get3A_436 : vector<1x16xf32> to vector<16xf32>
      %sub3A_438 = arith.subf %get3A_433, %get3A_437 : vector<16xf32>
      %add3A_439 = arith.addf %get3A_437, %sub3A_438 : vector<16xf32>
      %swap3A_440 = arith.index_cast %scan3A_264 : i32 to index
      %swap3A_441 = arith.constant 128 : index
      %swap3A_442 = tpu.vector_load %arg8[%swap3A_440, %swap3A_441] {strides = array<i32>} : memref<128x256xf32, #tpu.memory_space<vmem>>, vector<1x16xf32>,
      %swap3A_443 = vector.shape_cast %swap3A_442 : vector<1x16xf32> to vector<16xf32>
      %swap3A_444 = vector.shape_cast %add3A_439 : vector<16xf32> to vector<1x16xf32>
      tpu.vector_store %arg8[%swap3A_440, %swap3A_441], %swap3A_444 {strides = array<i32>} : memref<128x256xf32, #tpu.memory_space<vmem>>, vector<1x16xf32>,
      %mul3A_445 = arith.mulf %sub3A_438, %sub3A_438 : vector<16xf32>
      %swap3A_446 = arith.index_cast %scan3A_264 : i32 to index
      %swap3A_447 = arith.constant 128 : index
      %swap3A_448 = tpu.vector_load %arg9[%swap3A_446, %swap3A_447] {strides = array<i32>} : memref<128x256xf32, #tpu.memory_space<vmem>>, vector<1x16xf32>,
      %swap3A_449 = vector.shape_cast %swap3A_448 : vector<1x16xf32> to vector<16xf32>
      %swap3A_450 = vector.shape_cast %mul3A_445 : vector<16xf32> to vector<1x16xf32>
      tpu.vector_store %arg9[%swap3A_446, %swap3A_447], %swap3A_450 {strides = array<i32>} : memref<128x256xf32, #tpu.memory_space<vmem>>, vector<1x16xf32>,
      %get3A_451 = arith.index_cast %scan3A_264 : i32 to index
      %get3A_452 = arith.constant 144 : index
      %get3A_453 = tpu.vector_load %arg8[%get3A_451, %get3A_452] {strides = array<i32>} : memref<128x256xf32, #tpu.memory_space<vmem>>, vector<1x16xf32>,
      %get3A_454 = vector.shape_cast %get3A_453 : vector<1x16xf32> to vector<16xf32>
      %get3A_455 = arith.index_cast %scan3A_264 : i32 to index
      %get3A_456 = arith.constant 144 : index
      %get3A_457 = tpu.vector_load %arg9[%get3A_455, %get3A_456] {strides = array<i32>} : memref<128x256xf32, #tpu.memory_space<vmem>>, vector<1x16xf32>,
      %get3A_458 = vector.shape_cast %get3A_457 : vector<1x16xf32> to vector<16xf32>
      %sub3A_459 = arith.subf %get3A_454, %get3A_458 : vector<16xf32>
      %add3A_460 = arith.addf %get3A_458, %sub3A_459 : vector<16xf32>
      %swap3A_461 = arith.index_cast %scan3A_264 : i32 to index
      %swap3A_462 = arith.constant 144 : index
      %swap3A_463 = tpu.vector_load %arg8[%swap3A_461, %swap3A_462] {strides = array<i32>} : memref<128x256xf32, #tpu.memory_space<vmem>>, vector<1x16xf32>,
      %swap3A_464 = vector.shape_cast %swap3A_463 : vector<1x16xf32> to vector<16xf32>
      %swap3A_465 = vector.shape_cast %add3A_460 : vector<16xf32> to vector<1x16xf32>
      tpu.vector_store %arg8[%swap3A_461, %swap3A_462], %swap3A_465 {strides = array<i32>} : memref<128x256xf32, #tpu.memory_space<vmem>>, vector<1x16xf32>,
      %mul3A_466 = arith.mulf %sub3A_459, %sub3A_459 : vector<16xf32>
      %swap3A_467 = arith.index_cast %scan3A_264 : i32 to index
      %swap3A_468 = arith.constant 144 : index
      %swap3A_469 = tpu.vector_load %arg9[%swap3A_467, %swap3A_468] {strides = array<i32>} : memref<128x256xf32, #tpu.memory_space<vmem>>, vector<1x16xf32>,
      %swap3A_470 = vector.shape_cast %swap3A_469 : vector<1x16xf32> to vector<16xf32>
      %swap3A_471 = vector.shape_cast %mul3A_466 : vector<16xf32> to vector<1x16xf32>
      tpu.vector_store %arg9[%swap3A_467, %swap3A_468], %swap3A_471 {strides = array<i32>} : memref<128x256xf32, #tpu.memory_space<vmem>>, vector<1x16xf32>,
      %get3A_472 = arith.index_cast %scan3A_264 : i32 to index
      %get3A_473 = arith.constant 160 : index
      %get3A_474 = tpu.vector_load %arg8[%get3A_472, %get3A_473] {strides = array<i32>} : memref<128x256xf32, #tpu.memory_space<vmem>>, vector<1x16xf32>,
      %get3A_475 = vector.shape_cast %get3A_474 : vector<1x16xf32> to vector<16xf32>
      %get3A_476 = arith.index_cast %scan3A_264 : i32 to index
      %get3A_477 = arith.constant 160 : index
      %get3A_478 = tpu.vector_load %arg9[%get3A_476, %get3A_477] {strides = array<i32>} : memref<128x256xf32, #tpu.memory_space<vmem>>, vector<1x16xf32>,
      %get3A_479 = vector.shape_cast %get3A_478 : vector<1x16xf32> to vector<16xf32>
      %sub3A_480 = arith.subf %get3A_475, %get3A_479 : vector<16xf32>
      %add3A_481 = arith.addf %get3A_479, %sub3A_480 : vector<16xf32>
      %swap3A_482 = arith.index_cast %scan3A_264 : i32 to index
      %swap3A_483 = arith.constant 160 : index
      %swap3A_484 = tpu.vector_load %arg8[%swap3A_482, %swap3A_483] {strides = array<i32>} : memref<128x256xf32, #tpu.memory_space<vmem>>, vector<1x16xf32>,
      %swap3A_485 = vector.shape_cast %swap3A_484 : vector<1x16xf32> to vector<16xf32>
      %swap3A_486 = vector.shape_cast %add3A_481 : vector<16xf32> to vector<1x16xf32>
      tpu.vector_store %arg8[%swap3A_482, %swap3A_483], %swap3A_486 {strides = array<i32>} : memref<128x256xf32, #tpu.memory_space<vmem>>, vector<1x16xf32>,
      %mul3A_487 = arith.mulf %sub3A_480, %sub3A_480 : vector<16xf32>
      %swap3A_488 = arith.index_cast %scan3A_264 : i32 to index
      %swap3A_489 = arith.constant 160 : index
      %swap3A_490 = tpu.vector_load %arg9[%swap3A_488, %swap3A_489] {strides = array<i32>} : memref<128x256xf32, #tpu.memory_space<vmem>>, vector<1x16xf32>,
      %swap3A_491 = vector.shape_cast %swap3A_490 : vector<1x16xf32> to vector<16xf32>
      %swap3A_492 = vector.shape_cast %mul3A_487 : vector<16xf32> to vector<1x16xf32>
      tpu.vector_store %arg9[%swap3A_488, %swap3A_489], %swap3A_492 {strides = array<i32>} : memref<128x256xf32, #tpu.memory_space<vmem>>, vector<1x16xf32>,
      %get3A_493 = arith.index_cast %scan3A_264 : i32 to index
      %get3A_494 = arith.constant 176 : index
      %get3A_495 = tpu.vector_load %arg8[%get3A_493, %get3A_494] {strides = array<i32>} : memref<128x256xf32, #tpu.memory_space<vmem>>, vector<1x16xf32>,
      %get3A_496 = vector.shape_cast %get3A_495 : vector<1x16xf32> to vector<16xf32>
      %get3A_497 = arith.index_cast %scan3A_264 : i32 to index
      %get3A_498 = arith.constant 176 : index
      %get3A_499 = tpu.vector_load %arg9[%get3A_497, %get3A_498] {strides = array<i32>} : memref<128x256xf32, #tpu.memory_space<vmem>>, vector<1x16xf32>,
      %get3A_500 = vector.shape_cast %get3A_499 : vector<1x16xf32> to vector<16xf32>
      %sub3A_501 = arith.subf %get3A_496, %get3A_500 : vector<16xf32>
      %add3A_502 = arith.addf %get3A_500, %sub3A_501 : vector<16xf32>
      %swap3A_503 = arith.index_cast %scan3A_264 : i32 to index
      %swap3A_504 = arith.constant 176 : index
      %swap3A_505 = tpu.vector_load %arg8[%swap3A_503, %swap3A_504] {strides = array<i32>} : memref<128x256xf32, #tpu.memory_space<vmem>>, vector<1x16xf32>,
      %swap3A_506 = vector.shape_cast %swap3A_505 : vector<1x16xf32> to vector<16xf32>
      %swap3A_507 = vector.shape_cast %add3A_502 : vector<16xf32> to vector<1x16xf32>
      tpu.vector_store %arg8[%swap3A_503, %swap3A_504], %swap3A_507 {strides = array<i32>} : memref<128x256xf32, #tpu.memory_space<vmem>>, vector<1x16xf32>,
      %mul3A_508 = arith.mulf %sub3A_501, %sub3A_501 : vector<16xf32>
      %swap3A_509 = arith.index_cast %scan3A_264 : i32 to index
      %swap3A_510 = arith.constant 176 : index
      %swap3A_511 = tpu.vector_load %arg9[%swap3A_509, %swap3A_510] {strides = array<i32>} : memref<128x256xf32, #tpu.memory_space<vmem>>, vector<1x16xf32>,
      %swap3A_512 = vector.shape_cast %swap3A_511 : vector<1x16xf32> to vector<16xf32>
      %swap3A_513 = vector.shape_cast %mul3A_508 : vector<16xf32> to vector<1x16xf32>
      tpu.vector_store %arg9[%swap3A_509, %swap3A_510], %swap3A_513 {strides = array<i32>} : memref<128x256xf32, #tpu.memory_space<vmem>>, vector<1x16xf32>,
      %get3A_514 = arith.index_cast %scan3A_264 : i32 to index
      %get3A_515 = arith.constant 192 : index
      %get3A_516 = tpu.vector_load %arg8[%get3A_514, %get3A_515] {strides = array<i32>} : memref<128x256xf32, #tpu.memory_space<vmem>>, vector<1x16xf32>,
      %get3A_517 = vector.shape_cast %get3A_516 : vector<1x16xf32> to vector<16xf32>
      %get3A_518 = arith.index_cast %scan3A_264 : i32 to index
      %get3A_519 = arith.constant 192 : index
      %get3A_520 = tpu.vector_load %arg9[%get3A_518, %get3A_519] {strides = array<i32>} : memref<128x256xf32, #tpu.memory_space<vmem>>, vector<1x16xf32>,
      %get3A_521 = vector.shape_cast %get3A_520 : vector<1x16xf32> to vector<16xf32>
      %sub3A_522 = arith.subf %get3A_517, %get3A_521 : vector<16xf32>
      %add3A_523 = arith.addf %get3A_521, %sub3A_522 : vector<16xf32>
      %swap3A_524 = arith.index_cast %scan3A_264 : i32 to index
      %swap3A_525 = arith.constant 192 : index
      %swap3A_526 = tpu.vector_load %arg8[%swap3A_524, %swap3A_525] {strides = array<i32>} : memref<128x256xf32, #tpu.memory_space<vmem>>, vector<1x16xf32>,
      %swap3A_527 = vector.shape_cast %swap3A_526 : vector<1x16xf32> to vector<16xf32>
      %swap3A_528 = vector.shape_cast %add3A_523 : vector<16xf32> to vector<1x16xf32>
      tpu.vector_store %arg8[%swap3A_524, %swap3A_525], %swap3A_528 {strides = array<i32>} : memref<128x256xf32, #tpu.memory_space<vmem>>, vector<1x16xf32>,
      %mul3A_529 = arith.mulf %sub3A_522, %sub3A_522 : vector<16xf32>
      %swap3A_530 = arith.index_cast %scan3A_264 : i32 to index
      %swap3A_531 = arith.constant 192 : index
      %swap3A_532 = tpu.vector_load %arg9[%swap3A_530, %swap3A_531] {strides = array<i32>} : memref<128x256xf32, #tpu.memory_space<vmem>>, vector<1x16xf32>,
      %swap3A_533 = vector.shape_cast %swap3A_532 : vector<1x16xf32> to vector<16xf32>
      %swap3A_534 = vector.shape_cast %mul3A_529 : vector<16xf32> to vector<1x16xf32>
      tpu.vector_store %arg9[%swap3A_530, %swap3A_531], %swap3A_534 {strides = array<i32>} : memref<128x256xf32, #tpu.memory_space<vmem>>, vector<1x16xf32>,
      %get3A_535 = arith.index_cast %scan3A_264 : i32 to index
      %get3A_536 = arith.constant 208 : index
      %get3A_537 = tpu.vector_load %arg8[%get3A_535, %get3A_536] {strides = array<i32>} : memref<128x256xf32, #tpu.memory_space<vmem>>, vector<1x16xf32>,
      %get3A_538 = vector.shape_cast %get3A_537 : vector<1x16xf32> to vector<16xf32>
      %get3A_539 = arith.index_cast %scan3A_264 : i32 to index
      %get3A_540 = arith.constant 208 : index
      %get3A_541 = tpu.vector_load %arg9[%get3A_539, %get3A_540] {strides = array<i32>} : memref<128x256xf32, #tpu.memory_space<vmem>>, vector<1x16xf32>,
      %get3A_542 = vector.shape_cast %get3A_541 : vector<1x16xf32> to vector<16xf32>
      %sub3A_543 = arith.subf %get3A_538, %get3A_542 : vector<16xf32>
      %add3A_544 = arith.addf %get3A_542, %sub3A_543 : vector<16xf32>
      %swap3A_545 = arith.index_cast %scan3A_264 : i32 to index
      %swap3A_546 = arith.constant 208 : index
      %swap3A_547 = tpu.vector_load %arg8[%swap3A_545, %swap3A_546] {strides = array<i32>} : memref<128x256xf32, #tpu.memory_space<vmem>>, vector<1x16xf32>,
      %swap3A_548 = vector.shape_cast %swap3A_547 : vector<1x16xf32> to vector<16xf32>
      %swap3A_549 = vector.shape_cast %add3A_544 : vector<16xf32> to vector<1x16xf32>
      tpu.vector_store %arg8[%swap3A_545, %swap3A_546], %swap3A_549 {strides = array<i32>} : memref<128x256xf32, #tpu.memory_space<vmem>>, vector<1x16xf32>,
      %mul3A_550 = arith.mulf %sub3A_543, %sub3A_543 : vector<16xf32>
      %swap3A_551 = arith.index_cast %scan3A_264 : i32 to index
      %swap3A_552 = arith.constant 208 : index
      %swap3A_553 = tpu.vector_load %arg9[%swap3A_551, %swap3A_552] {strides = array<i32>} : memref<128x256xf32, #tpu.memory_space<vmem>>, vector<1x16xf32>,
      %swap3A_554 = vector.shape_cast %swap3A_553 : vector<1x16xf32> to vector<16xf32>
      %swap3A_555 = vector.shape_cast %mul3A_550 : vector<16xf32> to vector<1x16xf32>
      tpu.vector_store %arg9[%swap3A_551, %swap3A_552], %swap3A_555 {strides = array<i32>} : memref<128x256xf32, #tpu.memory_space<vmem>>, vector<1x16xf32>,
      %get3A_556 = arith.index_cast %scan3A_264 : i32 to index
      %get3A_557 = arith.constant 224 : index
      %get3A_558 = tpu.vector_load %arg8[%get3A_556, %get3A_557] {strides = array<i32>} : memref<128x256xf32, #tpu.memory_space<vmem>>, vector<1x16xf32>,
      %get3A_559 = vector.shape_cast %get3A_558 : vector<1x16xf32> to vector<16xf32>
      %get3A_560 = arith.index_cast %scan3A_264 : i32 to index
      %get3A_561 = arith.constant 224 : index
      %get3A_562 = tpu.vector_load %arg9[%get3A_560, %get3A_561] {strides = array<i32>} : memref<128x256xf32, #tpu.memory_space<vmem>>, vector<1x16xf32>,
      %get3A_563 = vector.shape_cast %get3A_562 : vector<1x16xf32> to vector<16xf32>
      %sub3A_564 = arith.subf %get3A_559, %get3A_563 : vector<16xf32>
      %add3A_565 = arith.addf %get3A_563, %sub3A_564 : vector<16xf32>
      %swap3A_566 = arith.index_cast %scan3A_264 : i32 to index
      %swap3A_567 = arith.constant 224 : index
      %swap3A_568 = tpu.vector_load %arg8[%swap3A_566, %swap3A_567] {strides = array<i32>} : memref<128x256xf32, #tpu.memory_space<vmem>>, vector<1x16xf32>,
      %swap3A_569 = vector.shape_cast %swap3A_568 : vector<1x16xf32> to vector<16xf32>
      %swap3A_570 = vector.shape_cast %add3A_565 : vector<16xf32> to vector<1x16xf32>
      tpu.vector_store %arg8[%swap3A_566, %swap3A_567], %swap3A_570 {strides = array<i32>} : memref<128x256xf32, #tpu.memory_space<vmem>>, vector<1x16xf32>,
      %mul3A_571 = arith.mulf %sub3A_564, %sub3A_564 : vector<16xf32>
      %swap3A_572 = arith.index_cast %scan3A_264 : i32 to index
      %swap3A_573 = arith.constant 224 : index
      %swap3A_574 = tpu.vector_load %arg9[%swap3A_572, %swap3A_573] {strides = array<i32>} : memref<128x256xf32, #tpu.memory_space<vmem>>, vector<1x16xf32>,
      %swap3A_575 = vector.shape_cast %swap3A_574 : vector<1x16xf32> to vector<16xf32>
      %swap3A_576 = vector.shape_cast %mul3A_571 : vector<16xf32> to vector<1x16xf32>
      tpu.vector_store %arg9[%swap3A_572, %swap3A_573], %swap3A_576 {strides = array<i32>} : memref<128x256xf32, #tpu.memory_space<vmem>>, vector<1x16xf32>,
      %get3A_577 = arith.index_cast %scan3A_264 : i32 to index
      %get3A_578 = arith.constant 240 : index
      %get3A_579 = tpu.vector_load %arg8[%get3A_577, %get3A_578] {strides = array<i32>} : memref<128x256xf32, #tpu.memory_space<vmem>>, vector<1x16xf32>,
      %get3A_580 = vector.shape_cast %get3A_579 : vector<1x16xf32> to vector<16xf32>
      %get3A_581 = arith.index_cast %scan3A_264 : i32 to index
      %get3A_582 = arith.constant 240 : index
      %get3A_583 = tpu.vector_load %arg9[%get3A_581, %get3A_582] {strides = array<i32>} : memref<128x256xf32, #tpu.memory_space<vmem>>, vector<1x16xf32>,
      %get3A_584 = vector.shape_cast %get3A_583 : vector<1x16xf32> to vector<16xf32>
      %sub3A_585 = arith.subf %get3A_580, %get3A_584 : vector<16xf32>
      %add3A_586 = arith.addf %get3A_584, %sub3A_585 : vector<16xf32>
      %swap3A_587 = arith.index_cast %scan3A_264 : i32 to index
      %swap3A_588 = arith.constant 240 : index
      %swap3A_589 = tpu.vector_load %arg8[%swap3A_587, %swap3A_588] {strides = array<i32>} : memref<128x256xf32, #tpu.memory_space<vmem>>, vector<1x16xf32>,
      %swap3A_590 = vector.shape_cast %swap3A_589 : vector<1x16xf32> to vector<16xf32>
      %swap3A_591 = vector.shape_cast %add3A_586 : vector<16xf32> to vector<1x16xf32>
      tpu.vector_store %arg8[%swap3A_587, %swap3A_588], %swap3A_591 {strides = array<i32>} : memref<128x256xf32, #tpu.memory_space<vmem>>, vector<1x16xf32>,
      %mul3A_592 = arith.mulf %sub3A_585, %sub3A_585 : vector<16xf32>
      %swap3A_593 = arith.index_cast %scan3A_264 : i32 to index
      %swap3A_594 = arith.constant 240 : index
      %swap3A_595 = tpu.vector_load %arg9[%swap3A_593, %swap3A_594] {strides = array<i32>} : memref<128x256xf32, #tpu.memory_space<vmem>>, vector<1x16xf32>,
      %swap3A_596 = vector.shape_cast %swap3A_595 : vector<1x16xf32> to vector<16xf32>
      %swap3A_597 = vector.shape_cast %mul3A_592 : vector<16xf32> to vector<1x16xf32>
      tpu.vector_store %arg9[%swap3A_593, %swap3A_594], %swap3A_597 {strides = array<i32>} : memref<128x256xf32, #tpu.memory_space<vmem>>, vector<1x16xf32>,
    }
    %scan3A_89 = arith.constant 32 : i32
    %add3A_90 = arith.constant 32 : i32
    %add3A_91 = arith.addi %mul3A_2, %add3A_90 : i32
    %dma_start3A_92 = arith.constant 32 : i32
    %dma_start3A_93 = arith.constant 0 : i32
    %dma_start3A_94 = tpu.memref_slice %arg8[%dma_start3A_92, %dma_start3A_93] : memref<128x256xf32, #tpu.memory_space<vmem>> -> memref<32x256xf32, #tpu.memory_space<vmem>>
    %dma_start3A_95 = arith.constant 0 : i32
    %dma_start3A_96 = tpu.memref_slice %arg5[%add3A_91, %dma_start3A_95] : memref<4096x256xf32, #tpu.memory_space<hbm>> -> memref<32x256xf32, #tpu.memory_space<hbm>>
    %dma_start3A_97 = arith.constant 0 : i32
    %dma_start3A_98 = tpu.memref_slice %arg5[%add3A_91, %dma_start3A_97] : memref<4096x256xf32, #tpu.memory_space<hbm>> -> memref<32x256xf32, #tpu.memory_space<hbm>>
    %dma_start3A_99 = arith.constant 32 : i32
    %dma_start3A_100 = arith.constant 0 : i32
    %dma_start3A_101 = tpu.memref_slice %arg8[%dma_start3A_99, %dma_start3A_100] : memref<128x256xf32, #tpu.memory_space<vmem>> -> memref<32x256xf32, #tpu.memory_space<vmem>>
    tpu.enqueue_dma source(%dma_start3A_101 : memref<32x256xf32, #tpu.memory_space<vmem>>) target(%dma_start3A_98 : memref<32x256xf32, #tpu.memory_space<hbm>>) target_semaphore(%arg15 : memref<!tpu.dma_semaphore, #tpu.memory_space<semaphore_mem>>)
    %dma_start3A_102 = arith.constant 32 : i32
    %dma_start3A_103 = arith.constant 0 : i32
    %dma_start3A_104 = tpu.memref_slice %arg9[%dma_start3A_102, %dma_start3A_103] : memref<128x256xf32, #tpu.memory_space<vmem>> -> memref<32x256xf32, #tpu.memory_space<vmem>>
    %dma_start3A_105 = arith.constant 0 : i32
    %dma_start3A_106 = tpu.memref_slice %arg6[%add3A_91, %dma_start3A_105] : memref<4096x256xf32, #tpu.memory_space<hbm>> -> memref<32x256xf32, #tpu.memory_space<hbm>>
    %dma_start3A_107 = arith.constant 0 : i32
    %dma_start3A_108 = tpu.memref_slice %arg6[%add3A_91, %dma_start3A_107] : memref<4096x256xf32, #tpu.memory_space<hbm>> -> memref<32x256xf32, #tpu.memory_space<hbm>>
    %dma_start3A_109 = arith.constant 32 : i32
    %dma_start3A_110 = arith.constant 0 : i32
    %dma_start3A_111 = tpu.memref_slice %arg9[%dma_start3A_109, %dma_start3A_110] : memref<128x256xf32, #tpu.memory_space<vmem>> -> memref<32x256xf32, #tpu.memory_space<vmem>>
    tpu.enqueue_dma source(%dma_start3A_111 : memref<32x256xf32, #tpu.memory_space<vmem>>) target(%dma_start3A_108 : memref<32x256xf32, #tpu.memory_space<hbm>>) target_semaphore(%arg15 : memref<!tpu.dma_semaphore, #tpu.memory_space<semaphore_mem>>)
    %dma_wait3A_112 = arith.constant 64 : i32
    %dma_wait3A_113 = arith.constant 0 : i32
    %dma_wait3A_114 = tpu.memref_slice %arg8[%dma_wait3A_112, %dma_wait3A_113] : memref<128x256xf32, #tpu.memory_space<vmem>> -> memref<32x256xf32, #tpu.memory_space<vmem>>
    %dma_wait3A_115 = arith.constant 64 : i32
    %dma_wait3A_116 = tpu.memref_slice %arg7[%dma_wait3A_115] : memref<128xi32, #tpu.memory_space<vmem>> -> memref<32xi32, #tpu.memory_space<vmem>>
    %dma_wait3A_117 = arith.constant 0 : i32
    %dma_wait3A_118 = arith.constant 0 : i32
    %dma_wait3A_119 = tpu.memref_slice %arg2[%dma_wait3A_117, %dma_wait3A_118] : memref<8192x256xf32, #tpu.memory_space<hbm>> -> memref<8192x256xf32, #tpu.memory_space<hbm>>
    tpu.wait_indirect_dma semaphore(%arg12 : memref<!tpu.dma_semaphore, #tpu.memory_space<semaphore_mem>>) src(%dma_wait3A_119 : memref<8192x256xf32, #tpu.memory_space<hbm>>) dst(%dma_wait3A_114 : memref<32x256xf32, #tpu.memory_space<vmem>>)
    %scan3A_120 = arith.constant 0 : i32
    %scan3A_121 = arith.constant 64 : i32
    %scan3A_122 = arith.constant 32 : i32
    %scan3A_123 = arith.addi %scan3A_121, %scan3A_122 : i32
    %scan3A_124 = arith.constant 1 : i32
    scf.for %scan3A_264 = %scan3A_121 to %scan3A_123 step %scan3A_124  : i32 {
      %get3A = arith.index_cast %scan3A_264 : i32 to index
      %get3A_265 = arith.constant 0 : index
      %get3A_266 = tpu.vector_load %arg8[%get3A, %get3A_265] {strides = array<i32>} : memref<128x256xf32, #tpu.memory_space<vmem>>, vector<1x16xf32>,
      %get3A_267 = vector.shape_cast %get3A_266 : vector<1x16xf32> to vector<16xf32>
      %get3A_268 = arith.index_cast %scan3A_264 : i32 to index
      %get3A_269 = arith.constant 0 : index
      %get3A_270 = tpu.vector_load %arg9[%get3A_268, %get3A_269] {strides = array<i32>} : memref<128x256xf32, #tpu.memory_space<vmem>>, vector<1x16xf32>,
      %get3A_271 = vector.shape_cast %get3A_270 : vector<1x16xf32> to vector<16xf32>
      %sub3A = arith.subf %get3A_267, %get3A_271 : vector<16xf32>
      %add3A_272 = arith.addf %get3A_271, %sub3A : vector<16xf32>
      %swap3A = arith.index_cast %scan3A_264 : i32 to index
      %swap3A_273 = arith.constant 0 : index
      %swap3A_274 = tpu.vector_load %arg8[%swap3A, %swap3A_273] {strides = array<i32>} : memref<128x256xf32, #tpu.memory_space<vmem>>, vector<1x16xf32>,
      %swap3A_275 = vector.shape_cast %swap3A_274 : vector<1x16xf32> to vector<16xf32>
      %swap3A_276 = vector.shape_cast %add3A_272 : vector<16xf32> to vector<1x16xf32>
      tpu.vector_store %arg8[%swap3A, %swap3A_273], %swap3A_276 {strides = array<i32>} : memref<128x256xf32, #tpu.memory_space<vmem>>, vector<1x16xf32>,
      %mul3A_277 = arith.mulf %sub3A, %sub3A : vector<16xf32>
      %swap3A_278 = arith.index_cast %scan3A_264 : i32 to index
      %swap3A_279 = arith.constant 0 : index
      %swap3A_280 = tpu.vector_load %arg9[%swap3A_278, %swap3A_279] {strides = array<i32>} : memref<128x256xf32, #tpu.memory_space<vmem>>, vector<1x16xf32>,
      %swap3A_281 = vector.shape_cast %swap3A_280 : vector<1x16xf32> to vector<16xf32>
      %swap3A_282 = vector.shape_cast %mul3A_277 : vector<16xf32> to vector<1x16xf32>
      tpu.vector_store %arg9[%swap3A_278, %swap3A_279], %swap3A_282 {strides = array<i32>} : memref<128x256xf32, #tpu.memory_space<vmem>>, vector<1x16xf32>,
      %get3A_283 = arith.index_cast %scan3A_264 : i32 to index
      %get3A_284 = arith.constant 16 : index
      %get3A_285 = tpu.vector_load %arg8[%get3A_283, %get3A_284] {strides = array<i32>} : memref<128x256xf32, #tpu.memory_space<vmem>>, vector<1x16xf32>,
      %get3A_286 = vector.shape_cast %get3A_285 : vector<1x16xf32> to vector<16xf32>
      %get3A_287 = arith.index_cast %scan3A_264 : i32 to index
      %get3A_288 = arith.constant 16 : index
      %get3A_289 = tpu.vector_load %arg9[%get3A_287, %get3A_288] {strides = array<i32>} : memref<128x256xf32, #tpu.memory_space<vmem>>, vector<1x16xf32>,
      %get3A_290 = vector.shape_cast %get3A_289 : vector<1x16xf32> to vector<16xf32>
      %sub3A_291 = arith.subf %get3A_286, %get3A_290 : vector<16xf32>
      %add3A_292 = arith.addf %get3A_290, %sub3A_291 : vector<16xf32>
      %swap3A_293 = arith.index_cast %scan3A_264 : i32 to index
      %swap3A_294 = arith.constant 16 : index
      %swap3A_295 = tpu.vector_load %arg8[%swap3A_293, %swap3A_294] {strides = array<i32>} : memref<128x256xf32, #tpu.memory_space<vmem>>, vector<1x16xf32>,
      %swap3A_296 = vector.shape_cast %swap3A_295 : vector<1x16xf32> to vector<16xf32>
      %swap3A_297 = vector.shape_cast %add3A_292 : vector<16xf32> to vector<1x16xf32>
      tpu.vector_store %arg8[%swap3A_293, %swap3A_294], %swap3A_297 {strides = array<i32>} : memref<128x256xf32, #tpu.memory_space<vmem>>, vector<1x16xf32>,
      %mul3A_298 = arith.mulf %sub3A_291, %sub3A_291 : vector<16xf32>
      %swap3A_299 = arith.index_cast %scan3A_264 : i32 to index
      %swap3A_300 = arith.constant 16 : index
      %swap3A_301 = tpu.vector_load %arg9[%swap3A_299, %swap3A_300] {strides = array<i32>} : memref<128x256xf32, #tpu.memory_space<vmem>>, vector<1x16xf32>,
      %swap3A_302 = vector.shape_cast %swap3A_301 : vector<1x16xf32> to vector<16xf32>
      %swap3A_303 = vector.shape_cast %mul3A_298 : vector<16xf32> to vector<1x16xf32>
      tpu.vector_store %arg9[%swap3A_299, %swap3A_300], %swap3A_303 {strides = array<i32>} : memref<128x256xf32, #tpu.memory_space<vmem>>, vector<1x16xf32>,
      %get3A_304 = arith.index_cast %scan3A_264 : i32 to index
      %get3A_305 = arith.constant 32 : index
      %get3A_306 = tpu.vector_load %arg8[%get3A_304, %get3A_305] {strides = array<i32>} : memref<128x256xf32, #tpu.memory_space<vmem>>, vector<1x16xf32>,
      %get3A_307 = vector.shape_cast %get3A_306 : vector<1x16xf32> to vector<16xf32>
      %get3A_308 = arith.index_cast %scan3A_264 : i32 to index
      %get3A_309 = arith.constant 32 : index
      %get3A_310 = tpu.vector_load %arg9[%get3A_308, %get3A_309] {strides = array<i32>} : memref<128x256xf32, #tpu.memory_space<vmem>>, vector<1x16xf32>,
      %get3A_311 = vector.shape_cast %get3A_310 : vector<1x16xf32> to vector<16xf32>
      %sub3A_312 = arith.subf %get3A_307, %get3A_311 : vector<16xf32>
      %add3A_313 = arith.addf %get3A_311, %sub3A_312 : vector<16xf32>
      %swap3A_314 = arith.index_cast %scan3A_264 : i32 to index
      %swap3A_315 = arith.constant 32 : index
      %swap3A_316 = tpu.vector_load %arg8[%swap3A_314, %swap3A_315] {strides = array<i32>} : memref<128x256xf32, #tpu.memory_space<vmem>>, vector<1x16xf32>,
      %swap3A_317 = vector.shape_cast %swap3A_316 : vector<1x16xf32> to vector<16xf32>
      %swap3A_318 = vector.shape_cast %add3A_313 : vector<16xf32> to vector<1x16xf32>
      tpu.vector_store %arg8[%swap3A_314, %swap3A_315], %swap3A_318 {strides = array<i32>} : memref<128x256xf32, #tpu.memory_space<vmem>>, vector<1x16xf32>,
      %mul3A_319 = arith.mulf %sub3A_312, %sub3A_312 : vector<16xf32>
      %swap3A_320 = arith.index_cast %scan3A_264 : i32 to index
      %swap3A_321 = arith.constant 32 : index
      %swap3A_322 = tpu.vector_load %arg9[%swap3A_320, %swap3A_321] {strides = array<i32>} : memref<128x256xf32, #tpu.memory_space<vmem>>, vector<1x16xf32>,
      %swap3A_323 = vector.shape_cast %swap3A_322 : vector<1x16xf32> to vector<16xf32>
      %swap3A_324 = vector.shape_cast %mul3A_319 : vector<16xf32> to vector<1x16xf32>
      tpu.vector_store %arg9[%swap3A_320, %swap3A_321], %swap3A_324 {strides = array<i32>} : memref<128x256xf32, #tpu.memory_space<vmem>>, vector<1x16xf32>,
      %get3A_325 = arith.index_cast %scan3A_264 : i32 to index
      %get3A_326 = arith.constant 48 : index
      %get3A_327 = tpu.vector_load %arg8[%get3A_325, %get3A_326] {strides = array<i32>} : memref<128x256xf32, #tpu.memory_space<vmem>>, vector<1x16xf32>,
      %get3A_328 = vector.shape_cast %get3A_327 : vector<1x16xf32> to vector<16xf32>
      %get3A_329 = arith.index_cast %scan3A_264 : i32 to index
      %get3A_330 = arith.constant 48 : index
      %get3A_331 = tpu.vector_load %arg9[%get3A_329, %get3A_330] {strides = array<i32>} : memref<128x256xf32, #tpu.memory_space<vmem>>, vector<1x16xf32>,
      %get3A_332 = vector.shape_cast %get3A_331 : vector<1x16xf32> to vector<16xf32>
      %sub3A_333 = arith.subf %get3A_328, %get3A_332 : vector<16xf32>
      %add3A_334 = arith.addf %get3A_332, %sub3A_333 : vector<16xf32>
      %swap3A_335 = arith.index_cast %scan3A_264 : i32 to index
      %swap3A_336 = arith.constant 48 : index
      %swap3A_337 = tpu.vector_load %arg8[%swap3A_335, %swap3A_336] {strides = array<i32>} : memref<128x256xf32, #tpu.memory_space<vmem>>, vector<1x16xf32>,
      %swap3A_338 = vector.shape_cast %swap3A_337 : vector<1x16xf32> to vector<16xf32>
      %swap3A_339 = vector.shape_cast %add3A_334 : vector<16xf32> to vector<1x16xf32>
      tpu.vector_store %arg8[%swap3A_335, %swap3A_336], %swap3A_339 {strides = array<i32>} : memref<128x256xf32, #tpu.memory_space<vmem>>, vector<1x16xf32>,
      %mul3A_340 = arith.mulf %sub3A_333, %sub3A_333 : vector<16xf32>
      %swap3A_341 = arith.index_cast %scan3A_264 : i32 to index
      %swap3A_342 = arith.constant 48 : index
      %swap3A_343 = tpu.vector_load %arg9[%swap3A_341, %swap3A_342] {strides = array<i32>} : memref<128x256xf32, #tpu.memory_space<vmem>>, vector<1x16xf32>,
      %swap3A_344 = vector.shape_cast %swap3A_343 : vector<1x16xf32> to vector<16xf32>
      %swap3A_345 = vector.shape_cast %mul3A_340 : vector<16xf32> to vector<1x16xf32>
      tpu.vector_store %arg9[%swap3A_341, %swap3A_342], %swap3A_345 {strides = array<i32>} : memref<128x256xf32, #tpu.memory_space<vmem>>, vector<1x16xf32>,
      %get3A_346 = arith.index_cast %scan3A_264 : i32 to index
      %get3A_347 = arith.constant 64 : index
      %get3A_348 = tpu.vector_load %arg8[%get3A_346, %get3A_347] {strides = array<i32>} : memref<128x256xf32, #tpu.memory_space<vmem>>, vector<1x16xf32>,
      %get3A_349 = vector.shape_cast %get3A_348 : vector<1x16xf32> to vector<16xf32>
      %get3A_350 = arith.index_cast %scan3A_264 : i32 to index
      %get3A_351 = arith.constant 64 : index
      %get3A_352 = tpu.vector_load %arg9[%get3A_350, %get3A_351] {strides = array<i32>} : memref<128x256xf32, #tpu.memory_space<vmem>>, vector<1x16xf32>,
      %get3A_353 = vector.shape_cast %get3A_352 : vector<1x16xf32> to vector<16xf32>
      %sub3A_354 = arith.subf %get3A_349, %get3A_353 : vector<16xf32>
      %add3A_355 = arith.addf %get3A_353, %sub3A_354 : vector<16xf32>
      %swap3A_356 = arith.index_cast %scan3A_264 : i32 to index
      %swap3A_357 = arith.constant 64 : index
      %swap3A_358 = tpu.vector_load %arg8[%swap3A_356, %swap3A_357] {strides = array<i32>} : memref<128x256xf32, #tpu.memory_space<vmem>>, vector<1x16xf32>,
      %swap3A_359 = vector.shape_cast %swap3A_358 : vector<1x16xf32> to vector<16xf32>
      %swap3A_360 = vector.shape_cast %add3A_355 : vector<16xf32> to vector<1x16xf32>
      tpu.vector_store %arg8[%swap3A_356, %swap3A_357], %swap3A_360 {strides = array<i32>} : memref<128x256xf32, #tpu.memory_space<vmem>>, vector<1x16xf32>,
      %mul3A_361 = arith.mulf %sub3A_354, %sub3A_354 : vector<16xf32>
      %swap3A_362 = arith.index_cast %scan3A_264 : i32 to index
      %swap3A_363 = arith.constant 64 : index
      %swap3A_364 = tpu.vector_load %arg9[%swap3A_362, %swap3A_363] {strides = array<i32>} : memref<128x256xf32, #tpu.memory_space<vmem>>, vector<1x16xf32>,
      %swap3A_365 = vector.shape_cast %swap3A_364 : vector<1x16xf32> to vector<16xf32>
      %swap3A_366 = vector.shape_cast %mul3A_361 : vector<16xf32> to vector<1x16xf32>
      tpu.vector_store %arg9[%swap3A_362, %swap3A_363], %swap3A_366 {strides = array<i32>} : memref<128x256xf32, #tpu.memory_space<vmem>>, vector<1x16xf32>,
      %get3A_367 = arith.index_cast %scan3A_264 : i32 to index
      %get3A_368 = arith.constant 80 : index
      %get3A_369 = tpu.vector_load %arg8[%get3A_367, %get3A_368] {strides = array<i32>} : memref<128x256xf32, #tpu.memory_space<vmem>>, vector<1x16xf32>,
      %get3A_370 = vector.shape_cast %get3A_369 : vector<1x16xf32> to vector<16xf32>
      %get3A_371 = arith.index_cast %scan3A_264 : i32 to index
      %get3A_372 = arith.constant 80 : index
      %get3A_373 = tpu.vector_load %arg9[%get3A_371, %get3A_372] {strides = array<i32>} : memref<128x256xf32, #tpu.memory_space<vmem>>, vector<1x16xf32>,
      %get3A_374 = vector.shape_cast %get3A_373 : vector<1x16xf32> to vector<16xf32>
      %sub3A_375 = arith.subf %get3A_370, %get3A_374 : vector<16xf32>
      %add3A_376 = arith.addf %get3A_374, %sub3A_375 : vector<16xf32>
      %swap3A_377 = arith.index_cast %scan3A_264 : i32 to index
      %swap3A_378 = arith.constant 80 : index
      %swap3A_379 = tpu.vector_load %arg8[%swap3A_377, %swap3A_378] {strides = array<i32>} : memref<128x256xf32, #tpu.memory_space<vmem>>, vector<1x16xf32>,
      %swap3A_380 = vector.shape_cast %swap3A_379 : vector<1x16xf32> to vector<16xf32>
      %swap3A_381 = vector.shape_cast %add3A_376 : vector<16xf32> to vector<1x16xf32>
      tpu.vector_store %arg8[%swap3A_377, %swap3A_378], %swap3A_381 {strides = array<i32>} : memref<128x256xf32, #tpu.memory_space<vmem>>, vector<1x16xf32>,
      %mul3A_382 = arith.mulf %sub3A_375, %sub3A_375 : vector<16xf32>
      %swap3A_383 = arith.index_cast %scan3A_264 : i32 to index
      %swap3A_384 = arith.constant 80 : index
      %swap3A_385 = tpu.vector_load %arg9[%swap3A_383, %swap3A_384] {strides = array<i32>} : memref<128x256xf32, #tpu.memory_space<vmem>>, vector<1x16xf32>,
      %swap3A_386 = vector.shape_cast %swap3A_385 : vector<1x16xf32> to vector<16xf32>
      %swap3A_387 = vector.shape_cast %mul3A_382 : vector<16xf32> to vector<1x16xf32>
      tpu.vector_store %arg9[%swap3A_383, %swap3A_384], %swap3A_387 {strides = array<i32>} : memref<128x256xf32, #tpu.memory_space<vmem>>, vector<1x16xf32>,
      %get3A_388 = arith.index_cast %scan3A_264 : i32 to index
      %get3A_389 = arith.constant 96 : index
      %get3A_390 = tpu.vector_load %arg8[%get3A_388, %get3A_389] {strides = array<i32>} : memref<128x256xf32, #tpu.memory_space<vmem>>, vector<1x16xf32>,
      %get3A_391 = vector.shape_cast %get3A_390 : vector<1x16xf32> to vector<16xf32>
      %get3A_392 = arith.index_cast %scan3A_264 : i32 to index
      %get3A_393 = arith.constant 96 : index
      %get3A_394 = tpu.vector_load %arg9[%get3A_392, %get3A_393] {strides = array<i32>} : memref<128x256xf32, #tpu.memory_space<vmem>>, vector<1x16xf32>,
      %get3A_395 = vector.shape_cast %get3A_394 : vector<1x16xf32> to vector<16xf32>
      %sub3A_396 = arith.subf %get3A_391, %get3A_395 : vector<16xf32>
      %add3A_397 = arith.addf %get3A_395, %sub3A_396 : vector<16xf32>
      %swap3A_398 = arith.index_cast %scan3A_264 : i32 to index
      %swap3A_399 = arith.constant 96 : index
      %swap3A_400 = tpu.vector_load %arg8[%swap3A_398, %swap3A_399] {strides = array<i32>} : memref<128x256xf32, #tpu.memory_space<vmem>>, vector<1x16xf32>,
      %swap3A_401 = vector.shape_cast %swap3A_400 : vector<1x16xf32> to vector<16xf32>
      %swap3A_402 = vector.shape_cast %add3A_397 : vector<16xf32> to vector<1x16xf32>
      tpu.vector_store %arg8[%swap3A_398, %swap3A_399], %swap3A_402 {strides = array<i32>} : memref<128x256xf32, #tpu.memory_space<vmem>>, vector<1x16xf32>,
      %mul3A_403 = arith.mulf %sub3A_396, %sub3A_396 : vector<16xf32>
      %swap3A_404 = arith.index_cast %scan3A_264 : i32 to index
      %swap3A_405 = arith.constant 96 : index
      %swap3A_406 = tpu.vector_load %arg9[%swap3A_404, %swap3A_405] {strides = array<i32>} : memref<128x256xf32, #tpu.memory_space<vmem>>, vector<1x16xf32>,
      %swap3A_407 = vector.shape_cast %swap3A_406 : vector<1x16xf32> to vector<16xf32>
      %swap3A_408 = vector.shape_cast %mul3A_403 : vector<16xf32> to vector<1x16xf32>
      tpu.vector_store %arg9[%swap3A_404, %swap3A_405], %swap3A_408 {strides = array<i32>} : memref<128x256xf32, #tpu.memory_space<vmem>>, vector<1x16xf32>,
      %get3A_409 = arith.index_cast %scan3A_264 : i32 to index
      %get3A_410 = arith.constant 112 : index
      %get3A_411 = tpu.vector_load %arg8[%get3A_409, %get3A_410] {strides = array<i32>} : memref<128x256xf32, #tpu.memory_space<vmem>>, vector<1x16xf32>,
      %get3A_412 = vector.shape_cast %get3A_411 : vector<1x16xf32> to vector<16xf32>
      %get3A_413 = arith.index_cast %scan3A_264 : i32 to index
      %get3A_414 = arith.constant 112 : index
      %get3A_415 = tpu.vector_load %arg9[%get3A_413, %get3A_414] {strides = array<i32>} : memref<128x256xf32, #tpu.memory_space<vmem>>, vector<1x16xf32>,
      %get3A_416 = vector.shape_cast %get3A_415 : vector<1x16xf32> to vector<16xf32>
      %sub3A_417 = arith.subf %get3A_412, %get3A_416 : vector<16xf32>
      %add3A_418 = arith.addf %get3A_416, %sub3A_417 : vector<16xf32>
      %swap3A_419 = arith.index_cast %scan3A_264 : i32 to index
      %swap3A_420 = arith.constant 112 : index
      %swap3A_421 = tpu.vector_load %arg8[%swap3A_419, %swap3A_420] {strides = array<i32>} : memref<128x256xf32, #tpu.memory_space<vmem>>, vector<1x16xf32>,
      %swap3A_422 = vector.shape_cast %swap3A_421 : vector<1x16xf32> to vector<16xf32>
      %swap3A_423 = vector.shape_cast %add3A_418 : vector<16xf32> to vector<1x16xf32>
      tpu.vector_store %arg8[%swap3A_419, %swap3A_420], %swap3A_423 {strides = array<i32>} : memref<128x256xf32, #tpu.memory_space<vmem>>, vector<1x16xf32>,
      %mul3A_424 = arith.mulf %sub3A_417, %sub3A_417 : vector<16xf32>
      %swap3A_425 = arith.index_cast %scan3A_264 : i32 to index
      %swap3A_426 = arith.constant 112 : index
      %swap3A_427 = tpu.vector_load %arg9[%swap3A_425, %swap3A_426] {strides = array<i32>} : memref<128x256xf32, #tpu.memory_space<vmem>>, vector<1x16xf32>,
      %swap3A_428 = vector.shape_cast %swap3A_427 : vector<1x16xf32> to vector<16xf32>
      %swap3A_429 = vector.shape_cast %mul3A_424 : vector<16xf32> to vector<1x16xf32>
      tpu.vector_store %arg9[%swap3A_425, %swap3A_426], %swap3A_429 {strides = array<i32>} : memref<128x256xf32, #tpu.memory_space<vmem>>, vector<1x16xf32>,
      %get3A_430 = arith.index_cast %scan3A_264 : i32 to index
      %get3A_431 = arith.constant 128 : index
      %get3A_432 = tpu.vector_load %arg8[%get3A_430, %get3A_431] {strides = array<i32>} : memref<128x256xf32, #tpu.memory_space<vmem>>, vector<1x16xf32>,
      %get3A_433 = vector.shape_cast %get3A_432 : vector<1x16xf32> to vector<16xf32>
      %get3A_434 = arith.index_cast %scan3A_264 : i32 to index
      %get3A_435 = arith.constant 128 : index
      %get3A_436 = tpu.vector_load %arg9[%get3A_434, %get3A_435] {strides = array<i32>} : memref<128x256xf32, #tpu.memory_space<vmem>>, vector<1x16xf32>,
      %get3A_437 = vector.shape_cast %get3A_436 : vector<1x16xf32> to vector<16xf32>
      %sub3A_438 = arith.subf %get3A_433, %get3A_437 : vector<16xf32>
      %add3A_439 = arith.addf %get3A_437, %sub3A_438 : vector<16xf32>
      %swap3A_440 = arith.index_cast %scan3A_264 : i32 to index
      %swap3A_441 = arith.constant 128 : index
      %swap3A_442 = tpu.vector_load %arg8[%swap3A_440, %swap3A_441] {strides = array<i32>} : memref<128x256xf32, #tpu.memory_space<vmem>>, vector<1x16xf32>,
      %swap3A_443 = vector.shape_cast %swap3A_442 : vector<1x16xf32> to vector<16xf32>
      %swap3A_444 = vector.shape_cast %add3A_439 : vector<16xf32> to vector<1x16xf32>
      tpu.vector_store %arg8[%swap3A_440, %swap3A_441], %swap3A_444 {strides = array<i32>} : memref<128x256xf32, #tpu.memory_space<vmem>>, vector<1x16xf32>,
      %mul3A_445 = arith.mulf %sub3A_438, %sub3A_438 : vector<16xf32>
      %swap3A_446 = arith.index_cast %scan3A_264 : i32 to index
      %swap3A_447 = arith.constant 128 : index
      %swap3A_448 = tpu.vector_load %arg9[%swap3A_446, %swap3A_447] {strides = array<i32>} : memref<128x256xf32, #tpu.memory_space<vmem>>, vector<1x16xf32>,
      %swap3A_449 = vector.shape_cast %swap3A_448 : vector<1x16xf32> to vector<16xf32>
      %swap3A_450 = vector.shape_cast %mul3A_445 : vector<16xf32> to vector<1x16xf32>
      tpu.vector_store %arg9[%swap3A_446, %swap3A_447], %swap3A_450 {strides = array<i32>} : memref<128x256xf32, #tpu.memory_space<vmem>>, vector<1x16xf32>,
      %get3A_451 = arith.index_cast %scan3A_264 : i32 to index
      %get3A_452 = arith.constant 144 : index
      %get3A_453 = tpu.vector_load %arg8[%get3A_451, %get3A_452] {strides = array<i32>} : memref<128x256xf32, #tpu.memory_space<vmem>>, vector<1x16xf32>,
      %get3A_454 = vector.shape_cast %get3A_453 : vector<1x16xf32> to vector<16xf32>
      %get3A_455 = arith.index_cast %scan3A_264 : i32 to index
      %get3A_456 = arith.constant 144 : index
      %get3A_457 = tpu.vector_load %arg9[%get3A_455, %get3A_456] {strides = array<i32>} : memref<128x256xf32, #tpu.memory_space<vmem>>, vector<1x16xf32>,
      %get3A_458 = vector.shape_cast %get3A_457 : vector<1x16xf32> to vector<16xf32>
      %sub3A_459 = arith.subf %get3A_454, %get3A_458 : vector<16xf32>
      %add3A_460 = arith.addf %get3A_458, %sub3A_459 : vector<16xf32>
      %swap3A_461 = arith.index_cast %scan3A_264 : i32 to index
      %swap3A_462 = arith.constant 144 : index
      %swap3A_463 = tpu.vector_load %arg8[%swap3A_461, %swap3A_462] {strides = array<i32>} : memref<128x256xf32, #tpu.memory_space<vmem>>, vector<1x16xf32>,
      %swap3A_464 = vector.shape_cast %swap3A_463 : vector<1x16xf32> to vector<16xf32>
      %swap3A_465 = vector.shape_cast %add3A_460 : vector<16xf32> to vector<1x16xf32>
      tpu.vector_store %arg8[%swap3A_461, %swap3A_462], %swap3A_465 {strides = array<i32>} : memref<128x256xf32, #tpu.memory_space<vmem>>, vector<1x16xf32>,
      %mul3A_466 = arith.mulf %sub3A_459, %sub3A_459 : vector<16xf32>
      %swap3A_467 = arith.index_cast %scan3A_264 : i32 to index
      %swap3A_468 = arith.constant 144 : index
      %swap3A_469 = tpu.vector_load %arg9[%swap3A_467, %swap3A_468] {strides = array<i32>} : memref<128x256xf32, #tpu.memory_space<vmem>>, vector<1x16xf32>,
      %swap3A_470 = vector.shape_cast %swap3A_469 : vector<1x16xf32> to vector<16xf32>
      %swap3A_471 = vector.shape_cast %mul3A_466 : vector<16xf32> to vector<1x16xf32>
      tpu.vector_store %arg9[%swap3A_467, %swap3A_468], %swap3A_471 {strides = array<i32>} : memref<128x256xf32, #tpu.memory_space<vmem>>, vector<1x16xf32>,
      %get3A_472 = arith.index_cast %scan3A_264 : i32 to index
      %get3A_473 = arith.constant 160 : index
      %get3A_474 = tpu.vector_load %arg8[%get3A_472, %get3A_473] {strides = array<i32>} : memref<128x256xf32, #tpu.memory_space<vmem>>, vector<1x16xf32>,
      %get3A_475 = vector.shape_cast %get3A_474 : vector<1x16xf32> to vector<16xf32>
      %get3A_476 = arith.index_cast %scan3A_264 : i32 to index
      %get3A_477 = arith.constant 160 : index
      %get3A_478 = tpu.vector_load %arg9[%get3A_476, %get3A_477] {strides = array<i32>} : memref<128x256xf32, #tpu.memory_space<vmem>>, vector<1x16xf32>,
      %get3A_479 = vector.shape_cast %get3A_478 : vector<1x16xf32> to vector<16xf32>
      %sub3A_480 = arith.subf %get3A_475, %get3A_479 : vector<16xf32>
      %add3A_481 = arith.addf %get3A_479, %sub3A_480 : vector<16xf32>
      %swap3A_482 = arith.index_cast %scan3A_264 : i32 to index
      %swap3A_483 = arith.constant 160 : index
      %swap3A_484 = tpu.vector_load %arg8[%swap3A_482, %swap3A_483] {strides = array<i32>} : memref<128x256xf32, #tpu.memory_space<vmem>>, vector<1x16xf32>,
      %swap3A_485 = vector.shape_cast %swap3A_484 : vector<1x16xf32> to vector<16xf32>
      %swap3A_486 = vector.shape_cast %add3A_481 : vector<16xf32> to vector<1x16xf32>
      tpu.vector_store %arg8[%swap3A_482, %swap3A_483], %swap3A_486 {strides = array<i32>} : memref<128x256xf32, #tpu.memory_space<vmem>>, vector<1x16xf32>,
      %mul3A_487 = arith.mulf %sub3A_480, %sub3A_480 : vector<16xf32>
      %swap3A_488 = arith.index_cast %scan3A_264 : i32 to index
      %swap3A_489 = arith.constant 160 : index
      %swap3A_490 = tpu.vector_load %arg9[%swap3A_488, %swap3A_489] {strides = array<i32>} : memref<128x256xf32, #tpu.memory_space<vmem>>, vector<1x16xf32>,
      %swap3A_491 = vector.shape_cast %swap3A_490 : vector<1x16xf32> to vector<16xf32>
      %swap3A_492 = vector.shape_cast %mul3A_487 : vector<16xf32> to vector<1x16xf32>
      tpu.vector_store %arg9[%swap3A_488, %swap3A_489], %swap3A_492 {strides = array<i32>} : memref<128x256xf32, #tpu.memory_space<vmem>>, vector<1x16xf32>,
      %get3A_493 = arith.index_cast %scan3A_264 : i32 to index
      %get3A_494 = arith.constant 176 : index
      %get3A_495 = tpu.vector_load %arg8[%get3A_493, %get3A_494] {strides = array<i32>} : memref<128x256xf32, #tpu.memory_space<vmem>>, vector<1x16xf32>,
      %get3A_496 = vector.shape_cast %get3A_495 : vector<1x16xf32> to vector<16xf32>
      %get3A_497 = arith.index_cast %scan3A_264 : i32 to index
      %get3A_498 = arith.constant 176 : index
      %get3A_499 = tpu.vector_load %arg9[%get3A_497, %get3A_498] {strides = array<i32>} : memref<128x256xf32, #tpu.memory_space<vmem>>, vector<1x16xf32>,
      %get3A_500 = vector.shape_cast %get3A_499 : vector<1x16xf32> to vector<16xf32>
      %sub3A_501 = arith.subf %get3A_496, %get3A_500 : vector<16xf32>
      %add3A_502 = arith.addf %get3A_500, %sub3A_501 : vector<16xf32>
      %swap3A_503 = arith.index_cast %scan3A_264 : i32 to index
      %swap3A_504 = arith.constant 176 : index
      %swap3A_505 = tpu.vector_load %arg8[%swap3A_503, %swap3A_504] {strides = array<i32>} : memref<128x256xf32, #tpu.memory_space<vmem>>, vector<1x16xf32>,
      %swap3A_506 = vector.shape_cast %swap3A_505 : vector<1x16xf32> to vector<16xf32>
      %swap3A_507 = vector.shape_cast %add3A_502 : vector<16xf32> to vector<1x16xf32>
      tpu.vector_store %arg8[%swap3A_503, %swap3A_504], %swap3A_507 {strides = array<i32>} : memref<128x256xf32, #tpu.memory_space<vmem>>, vector<1x16xf32>,
      %mul3A_508 = arith.mulf %sub3A_501, %sub3A_501 : vector<16xf32>
      %swap3A_509 = arith.index_cast %scan3A_264 : i32 to index
      %swap3A_510 = arith.constant 176 : index
      %swap3A_511 = tpu.vector_load %arg9[%swap3A_509, %swap3A_510] {strides = array<i32>} : memref<128x256xf32, #tpu.memory_space<vmem>>, vector<1x16xf32>,
      %swap3A_512 = vector.shape_cast %swap3A_511 : vector<1x16xf32> to vector<16xf32>
      %swap3A_513 = vector.shape_cast %mul3A_508 : vector<16xf32> to vector<1x16xf32>
      tpu.vector_store %arg9[%swap3A_509, %swap3A_510], %swap3A_513 {strides = array<i32>} : memref<128x256xf32, #tpu.memory_space<vmem>>, vector<1x16xf32>,
      %get3A_514 = arith.index_cast %scan3A_264 : i32 to index
      %get3A_515 = arith.constant 192 : index
      %get3A_516 = tpu.vector_load %arg8[%get3A_514, %get3A_515] {strides = array<i32>} : memref<128x256xf32, #tpu.memory_space<vmem>>, vector<1x16xf32>,
      %get3A_517 = vector.shape_cast %get3A_516 : vector<1x16xf32> to vector<16xf32>
      %get3A_518 = arith.index_cast %scan3A_264 : i32 to index
      %get3A_519 = arith.constant 192 : index
      %get3A_520 = tpu.vector_load %arg9[%get3A_518, %get3A_519] {strides = array<i32>} : memref<128x256xf32, #tpu.memory_space<vmem>>, vector<1x16xf32>,
      %get3A_521 = vector.shape_cast %get3A_520 : vector<1x16xf32> to vector<16xf32>
      %sub3A_522 = arith.subf %get3A_517, %get3A_521 : vector<16xf32>
      %add3A_523 = arith.addf %get3A_521, %sub3A_522 : vector<16xf32>
      %swap3A_524 = arith.index_cast %scan3A_264 : i32 to index
      %swap3A_525 = arith.constant 192 : index
      %swap3A_526 = tpu.vector_load %arg8[%swap3A_524, %swap3A_525] {strides = array<i32>} : memref<128x256xf32, #tpu.memory_space<vmem>>, vector<1x16xf32>,
      %swap3A_527 = vector.shape_cast %swap3A_526 : vector<1x16xf32> to vector<16xf32>
      %swap3A_528 = vector.shape_cast %add3A_523 : vector<16xf32> to vector<1x16xf32>
      tpu.vector_store %arg8[%swap3A_524, %swap3A_525], %swap3A_528 {strides = array<i32>} : memref<128x256xf32, #tpu.memory_space<vmem>>, vector<1x16xf32>,
      %mul3A_529 = arith.mulf %sub3A_522, %sub3A_522 : vector<16xf32>
      %swap3A_530 = arith.index_cast %scan3A_264 : i32 to index
      %swap3A_531 = arith.constant 192 : index
      %swap3A_532 = tpu.vector_load %arg9[%swap3A_530, %swap3A_531] {strides = array<i32>} : memref<128x256xf32, #tpu.memory_space<vmem>>, vector<1x16xf32>,
      %swap3A_533 = vector.shape_cast %swap3A_532 : vector<1x16xf32> to vector<16xf32>
      %swap3A_534 = vector.shape_cast %mul3A_529 : vector<16xf32> to vector<1x16xf32>
      tpu.vector_store %arg9[%swap3A_530, %swap3A_531], %swap3A_534 {strides = array<i32>} : memref<128x256xf32, #tpu.memory_space<vmem>>, vector<1x16xf32>,
      %get3A_535 = arith.index_cast %scan3A_264 : i32 to index
      %get3A_536 = arith.constant 208 : index
      %get3A_537 = tpu.vector_load %arg8[%get3A_535, %get3A_536] {strides = array<i32>} : memref<128x256xf32, #tpu.memory_space<vmem>>, vector<1x16xf32>,
      %get3A_538 = vector.shape_cast %get3A_537 : vector<1x16xf32> to vector<16xf32>
      %get3A_539 = arith.index_cast %scan3A_264 : i32 to index
      %get3A_540 = arith.constant 208 : index
      %get3A_541 = tpu.vector_load %arg9[%get3A_539, %get3A_540] {strides = array<i32>} : memref<128x256xf32, #tpu.memory_space<vmem>>, vector<1x16xf32>,
      %get3A_542 = vector.shape_cast %get3A_541 : vector<1x16xf32> to vector<16xf32>
      %sub3A_543 = arith.subf %get3A_538, %get3A_542 : vector<16xf32>
      %add3A_544 = arith.addf %get3A_542, %sub3A_543 : vector<16xf32>
      %swap3A_545 = arith.index_cast %scan3A_264 : i32 to index
      %swap3A_546 = arith.constant 208 : index
      %swap3A_547 = tpu.vector_load %arg8[%swap3A_545, %swap3A_546] {strides = array<i32>} : memref<128x256xf32, #tpu.memory_space<vmem>>, vector<1x16xf32>,
      %swap3A_548 = vector.shape_cast %swap3A_547 : vector<1x16xf32> to vector<16xf32>
      %swap3A_549 = vector.shape_cast %add3A_544 : vector<16xf32> to vector<1x16xf32>
      tpu.vector_store %arg8[%swap3A_545, %swap3A_546], %swap3A_549 {strides = array<i32>} : memref<128x256xf32, #tpu.memory_space<vmem>>, vector<1x16xf32>,
      %mul3A_550 = arith.mulf %sub3A_543, %sub3A_543 : vector<16xf32>
      %swap3A_551 = arith.index_cast %scan3A_264 : i32 to index
      %swap3A_552 = arith.constant 208 : index
      %swap3A_553 = tpu.vector_load %arg9[%swap3A_551, %swap3A_552] {strides = array<i32>} : memref<128x256xf32, #tpu.memory_space<vmem>>, vector<1x16xf32>,
      %swap3A_554 = vector.shape_cast %swap3A_553 : vector<1x16xf32> to vector<16xf32>
      %swap3A_555 = vector.shape_cast %mul3A_550 : vector<16xf32> to vector<1x16xf32>
      tpu.vector_store %arg9[%swap3A_551, %swap3A_552], %swap3A_555 {strides = array<i32>} : memref<128x256xf32, #tpu.memory_space<vmem>>, vector<1x16xf32>,
      %get3A_556 = arith.index_cast %scan3A_264 : i32 to index
      %get3A_557 = arith.constant 224 : index
      %get3A_558 = tpu.vector_load %arg8[%get3A_556, %get3A_557] {strides = array<i32>} : memref<128x256xf32, #tpu.memory_space<vmem>>, vector<1x16xf32>,
      %get3A_559 = vector.shape_cast %get3A_558 : vector<1x16xf32> to vector<16xf32>
      %get3A_560 = arith.index_cast %scan3A_264 : i32 to index
      %get3A_561 = arith.constant 224 : index
      %get3A_562 = tpu.vector_load %arg9[%get3A_560, %get3A_561] {strides = array<i32>} : memref<128x256xf32, #tpu.memory_space<vmem>>, vector<1x16xf32>,
      %get3A_563 = vector.shape_cast %get3A_562 : vector<1x16xf32> to vector<16xf32>
      %sub3A_564 = arith.subf %get3A_559, %get3A_563 : vector<16xf32>
      %add3A_565 = arith.addf %get3A_563, %sub3A_564 : vector<16xf32>
      %swap3A_566 = arith.index_cast %scan3A_264 : i32 to index
      %swap3A_567 = arith.constant 224 : index
      %swap3A_568 = tpu.vector_load %arg8[%swap3A_566, %swap3A_567] {strides = array<i32>} : memref<128x256xf32, #tpu.memory_space<vmem>>, vector<1x16xf32>,
      %swap3A_569 = vector.shape_cast %swap3A_568 : vector<1x16xf32> to vector<16xf32>
      %swap3A_570 = vector.shape_cast %add3A_565 : vector<16xf32> to vector<1x16xf32>
      tpu.vector_store %arg8[%swap3A_566, %swap3A_567], %swap3A_570 {strides = array<i32>} : memref<128x256xf32, #tpu.memory_space<vmem>>, vector<1x16xf32>,
      %mul3A_571 = arith.mulf %sub3A_564, %sub3A_564 : vector<16xf32>
      %swap3A_572 = arith.index_cast %scan3A_264 : i32 to index
      %swap3A_573 = arith.constant 224 : index
      %swap3A_574 = tpu.vector_load %arg9[%swap3A_572, %swap3A_573] {strides = array<i32>} : memref<128x256xf32, #tpu.memory_space<vmem>>, vector<1x16xf32>,
      %swap3A_575 = vector.shape_cast %swap3A_574 : vector<1x16xf32> to vector<16xf32>
      %swap3A_576 = vector.shape_cast %mul3A_571 : vector<16xf32> to vector<1x16xf32>
      tpu.vector_store %arg9[%swap3A_572, %swap3A_573], %swap3A_576 {strides = array<i32>} : memref<128x256xf32, #tpu.memory_space<vmem>>, vector<1x16xf32>,
      %get3A_577 = arith.index_cast %scan3A_264 : i32 to index
      %get3A_578 = arith.constant 240 : index
      %get3A_579 = tpu.vector_load %arg8[%get3A_577, %get3A_578] {strides = array<i32>} : memref<128x256xf32, #tpu.memory_space<vmem>>, vector<1x16xf32>,
      %get3A_580 = vector.shape_cast %get3A_579 : vector<1x16xf32> to vector<16xf32>
      %get3A_581 = arith.index_cast %scan3A_264 : i32 to index
      %get3A_582 = arith.constant 240 : index
      %get3A_583 = tpu.vector_load %arg9[%get3A_581, %get3A_582] {strides = array<i32>} : memref<128x256xf32, #tpu.memory_space<vmem>>, vector<1x16xf32>,
      %get3A_584 = vector.shape_cast %get3A_583 : vector<1x16xf32> to vector<16xf32>
      %sub3A_585 = arith.subf %get3A_580, %get3A_584 : vector<16xf32>
      %add3A_586 = arith.addf %get3A_584, %sub3A_585 : vector<16xf32>
      %swap3A_587 = arith.index_cast %scan3A_264 : i32 to index
      %swap3A_588 = arith.constant 240 : index
      %swap3A_589 = tpu.vector_load %arg8[%swap3A_587, %swap3A_588] {strides = array<i32>} : memref<128x256xf32, #tpu.memory_space<vmem>>, vector<1x16xf32>,
      %swap3A_590 = vector.shape_cast %swap3A_589 : vector<1x16xf32> to vector<16xf32>
      %swap3A_591 = vector.shape_cast %add3A_586 : vector<16xf32> to vector<1x16xf32>
      tpu.vector_store %arg8[%swap3A_587, %swap3A_588], %swap3A_591 {strides = array<i32>} : memref<128x256xf32, #tpu.memory_space<vmem>>, vector<1x16xf32>,
      %mul3A_592 = arith.mulf %sub3A_585, %sub3A_585 : vector<16xf32>
      %swap3A_593 = arith.index_cast %scan3A_264 : i32 to index
      %swap3A_594 = arith.constant 240 : index
      %swap3A_595 = tpu.vector_load %arg9[%swap3A_593, %swap3A_594] {strides = array<i32>} : memref<128x256xf32, #tpu.memory_space<vmem>>, vector<1x16xf32>,
      %swap3A_596 = vector.shape_cast %swap3A_595 : vector<1x16xf32> to vector<16xf32>
      %swap3A_597 = vector.shape_cast %mul3A_592 : vector<16xf32> to vector<1x16xf32>
      tpu.vector_store %arg9[%swap3A_593, %swap3A_594], %swap3A_597 {strides = array<i32>} : memref<128x256xf32, #tpu.memory_space<vmem>>, vector<1x16xf32>,
    }
    %scan3A_125 = arith.constant 32 : i32
    %add3A_126 = arith.constant 64 : i32
    %add3A_127 = arith.addi %mul3A_2, %add3A_126 : i32
    %dma_start3A_128 = arith.constant 64 : i32
    %dma_start3A_129 = arith.constant 0 : i32
    %dma_start3A_130 = tpu.memref_slice %arg8[%dma_start3A_128, %dma_start3A_129] : memref<128x256xf32, #tpu.memory_space<vmem>> -> memref<32x256xf32, #tpu.memory_space<vmem>>
    %dma_start3A_131 = arith.constant 0 : i32
    %dma_start3A_132 = tpu.memref_slice %arg5[%add3A_127, %dma_start3A_131] : memref<4096x256xf32, #tpu.memory_space<hbm>> -> memref<32x256xf32, #tpu.memory_space<hbm>>
    %dma_start3A_133 = arith.constant 0 : i32
    %dma_start3A_134 = tpu.memref_slice %arg5[%add3A_127, %dma_start3A_133] : memref<4096x256xf32, #tpu.memory_space<hbm>> -> memref<32x256xf32, #tpu.memory_space<hbm>>
    %dma_start3A_135 = arith.constant 64 : i32
    %dma_start3A_136 = arith.constant 0 : i32
    %dma_start3A_137 = tpu.memref_slice %arg8[%dma_start3A_135, %dma_start3A_136] : memref<128x256xf32, #tpu.memory_space<vmem>> -> memref<32x256xf32, #tpu.memory_space<vmem>>
    tpu.enqueue_dma source(%dma_start3A_137 : memref<32x256xf32, #tpu.memory_space<vmem>>) target(%dma_start3A_134 : memref<32x256xf32, #tpu.memory_space<hbm>>) target_semaphore(%arg15 : memref<!tpu.dma_semaphore, #tpu.memory_space<semaphore_mem>>)
    %dma_start3A_138 = arith.constant 64 : i32
    %dma_start3A_139 = arith.constant 0 : i32
    %dma_start3A_140 = tpu.memref_slice %arg9[%dma_start3A_138, %dma_start3A_139] : memref<128x256xf32, #tpu.memory_space<vmem>> -> memref<32x256xf32, #tpu.memory_space<vmem>>
    %dma_start3A_141 = arith.constant 0 : i32
    %dma_start3A_142 = tpu.memref_slice %arg6[%add3A_127, %dma_start3A_141] : memref<4096x256xf32, #tpu.memory_space<hbm>> -> memref<32x256xf32, #tpu.memory_space<hbm>>
    %dma_start3A_143 = arith.constant 0 : i32
    %dma_start3A_144 = tpu.memref_slice %arg6[%add3A_127, %dma_start3A_143] : memref<4096x256xf32, #tpu.memory_space<hbm>> -> memref<32x256xf32, #tpu.memory_space<hbm>>
    %dma_start3A_145 = arith.constant 64 : i32
    %dma_start3A_146 = arith.constant 0 : i32
    %dma_start3A_147 = tpu.memref_slice %arg9[%dma_start3A_145, %dma_start3A_146] : memref<128x256xf32, #tpu.memory_space<vmem>> -> memref<32x256xf32, #tpu.memory_space<vmem>>
    tpu.enqueue_dma source(%dma_start3A_147 : memref<32x256xf32, #tpu.memory_space<vmem>>) target(%dma_start3A_144 : memref<32x256xf32, #tpu.memory_space<hbm>>) target_semaphore(%arg15 : memref<!tpu.dma_semaphore, #tpu.memory_space<semaphore_mem>>)
    %dma_wait3A_148 = arith.constant 96 : i32
    %dma_wait3A_149 = arith.constant 0 : i32
    %dma_wait3A_150 = tpu.memref_slice %arg8[%dma_wait3A_148, %dma_wait3A_149] : memref<128x256xf32, #tpu.memory_space<vmem>> -> memref<32x256xf32, #tpu.memory_space<vmem>>
    %dma_wait3A_151 = arith.constant 96 : i32
    %dma_wait3A_152 = tpu.memref_slice %arg7[%dma_wait3A_151] : memref<128xi32, #tpu.memory_space<vmem>> -> memref<32xi32, #tpu.memory_space<vmem>>
    %dma_wait3A_153 = arith.constant 0 : i32
    %dma_wait3A_154 = arith.constant 0 : i32
    %dma_wait3A_155 = tpu.memref_slice %arg2[%dma_wait3A_153, %dma_wait3A_154] : memref<8192x256xf32, #tpu.memory_space<hbm>> -> memref<8192x256xf32, #tpu.memory_space<hbm>>
    tpu.wait_indirect_dma semaphore(%arg13 : memref<!tpu.dma_semaphore, #tpu.memory_space<semaphore_mem>>) src(%dma_wait3A_155 : memref<8192x256xf32, #tpu.memory_space<hbm>>) dst(%dma_wait3A_150 : memref<32x256xf32, #tpu.memory_space<vmem>>)
    %scan3A_156 = arith.constant 0 : i32
    %scan3A_157 = arith.constant 96 : i32
    %scan3A_158 = arith.constant 32 : i32
    %scan3A_159 = arith.addi %scan3A_157, %scan3A_158 : i32
    %scan3A_160 = arith.constant 1 : i32
    scf.for %scan3A_264 = %scan3A_157 to %scan3A_159 step %scan3A_160  : i32 {
      %get3A = arith.index_cast %scan3A_264 : i32 to index
      %get3A_265 = arith.constant 0 : index
      %get3A_266 = tpu.vector_load %arg8[%get3A, %get3A_265] {strides = array<i32>} : memref<128x256xf32, #tpu.memory_space<vmem>>, vector<1x16xf32>,
      %get3A_267 = vector.shape_cast %get3A_266 : vector<1x16xf32> to vector<16xf32>
      %get3A_268 = arith.index_cast %scan3A_264 : i32 to index
      %get3A_269 = arith.constant 0 : index
      %get3A_270 = tpu.vector_load %arg9[%get3A_268, %get3A_269] {strides = array<i32>} : memref<128x256xf32, #tpu.memory_space<vmem>>, vector<1x16xf32>,
      %get3A_271 = vector.shape_cast %get3A_270 : vector<1x16xf32> to vector<16xf32>
      %sub3A = arith.subf %get3A_267, %get3A_271 : vector<16xf32>
      %add3A_272 = arith.addf %get3A_271, %sub3A : vector<16xf32>
      %swap3A = arith.index_cast %scan3A_264 : i32 to index
      %swap3A_273 = arith.constant 0 : index
      %swap3A_274 = tpu.vector_load %arg8[%swap3A, %swap3A_273] {strides = array<i32>} : memref<128x256xf32, #tpu.memory_space<vmem>>, vector<1x16xf32>,
      %swap3A_275 = vector.shape_cast %swap3A_274 : vector<1x16xf32> to vector<16xf32>
      %swap3A_276 = vector.shape_cast %add3A_272 : vector<16xf32> to vector<1x16xf32>
      tpu.vector_store %arg8[%swap3A, %swap3A_273], %swap3A_276 {strides = array<i32>} : memref<128x256xf32, #tpu.memory_space<vmem>>, vector<1x16xf32>,
      %mul3A_277 = arith.mulf %sub3A, %sub3A : vector<16xf32>
      %swap3A_278 = arith.index_cast %scan3A_264 : i32 to index
      %swap3A_279 = arith.constant 0 : index
      %swap3A_280 = tpu.vector_load %arg9[%swap3A_278, %swap3A_279] {strides = array<i32>} : memref<128x256xf32, #tpu.memory_space<vmem>>, vector<1x16xf32>,
      %swap3A_281 = vector.shape_cast %swap3A_280 : vector<1x16xf32> to vector<16xf32>
      %swap3A_282 = vector.shape_cast %mul3A_277 : vector<16xf32> to vector<1x16xf32>
      tpu.vector_store %arg9[%swap3A_278, %swap3A_279], %swap3A_282 {strides = array<i32>} : memref<128x256xf32, #tpu.memory_space<vmem>>, vector<1x16xf32>,
      %get3A_283 = arith.index_cast %scan3A_264 : i32 to index
      %get3A_284 = arith.constant 16 : index
      %get3A_285 = tpu.vector_load %arg8[%get3A_283, %get3A_284] {strides = array<i32>} : memref<128x256xf32, #tpu.memory_space<vmem>>, vector<1x16xf32>,
      %get3A_286 = vector.shape_cast %get3A_285 : vector<1x16xf32> to vector<16xf32>
      %get3A_287 = arith.index_cast %scan3A_264 : i32 to index
      %get3A_288 = arith.constant 16 : index
      %get3A_289 = tpu.vector_load %arg9[%get3A_287, %get3A_288] {strides = array<i32>} : memref<128x256xf32, #tpu.memory_space<vmem>>, vector<1x16xf32>,
      %get3A_290 = vector.shape_cast %get3A_289 : vector<1x16xf32> to vector<16xf32>
      %sub3A_291 = arith.subf %get3A_286, %get3A_290 : vector<16xf32>
      %add3A_292 = arith.addf %get3A_290, %sub3A_291 : vector<16xf32>
      %swap3A_293 = arith.index_cast %scan3A_264 : i32 to index
      %swap3A_294 = arith.constant 16 : index
      %swap3A_295 = tpu.vector_load %arg8[%swap3A_293, %swap3A_294] {strides = array<i32>} : memref<128x256xf32, #tpu.memory_space<vmem>>, vector<1x16xf32>,
      %swap3A_296 = vector.shape_cast %swap3A_295 : vector<1x16xf32> to vector<16xf32>
      %swap3A_297 = vector.shape_cast %add3A_292 : vector<16xf32> to vector<1x16xf32>
      tpu.vector_store %arg8[%swap3A_293, %swap3A_294], %swap3A_297 {strides = array<i32>} : memref<128x256xf32, #tpu.memory_space<vmem>>, vector<1x16xf32>,
      %mul3A_298 = arith.mulf %sub3A_291, %sub3A_291 : vector<16xf32>
      %swap3A_299 = arith.index_cast %scan3A_264 : i32 to index
      %swap3A_300 = arith.constant 16 : index
      %swap3A_301 = tpu.vector_load %arg9[%swap3A_299, %swap3A_300] {strides = array<i32>} : memref<128x256xf32, #tpu.memory_space<vmem>>, vector<1x16xf32>,
      %swap3A_302 = vector.shape_cast %swap3A_301 : vector<1x16xf32> to vector<16xf32>
      %swap3A_303 = vector.shape_cast %mul3A_298 : vector<16xf32> to vector<1x16xf32>
      tpu.vector_store %arg9[%swap3A_299, %swap3A_300], %swap3A_303 {strides = array<i32>} : memref<128x256xf32, #tpu.memory_space<vmem>>, vector<1x16xf32>,
      %get3A_304 = arith.index_cast %scan3A_264 : i32 to index
      %get3A_305 = arith.constant 32 : index
      %get3A_306 = tpu.vector_load %arg8[%get3A_304, %get3A_305] {strides = array<i32>} : memref<128x256xf32, #tpu.memory_space<vmem>>, vector<1x16xf32>,
      %get3A_307 = vector.shape_cast %get3A_306 : vector<1x16xf32> to vector<16xf32>
      %get3A_308 = arith.index_cast %scan3A_264 : i32 to index
      %get3A_309 = arith.constant 32 : index
      %get3A_310 = tpu.vector_load %arg9[%get3A_308, %get3A_309] {strides = array<i32>} : memref<128x256xf32, #tpu.memory_space<vmem>>, vector<1x16xf32>,
      %get3A_311 = vector.shape_cast %get3A_310 : vector<1x16xf32> to vector<16xf32>
      %sub3A_312 = arith.subf %get3A_307, %get3A_311 : vector<16xf32>
      %add3A_313 = arith.addf %get3A_311, %sub3A_312 : vector<16xf32>
      %swap3A_314 = arith.index_cast %scan3A_264 : i32 to index
      %swap3A_315 = arith.constant 32 : index
      %swap3A_316 = tpu.vector_load %arg8[%swap3A_314, %swap3A_315] {strides = array<i32>} : memref<128x256xf32, #tpu.memory_space<vmem>>, vector<1x16xf32>,
      %swap3A_317 = vector.shape_cast %swap3A_316 : vector<1x16xf32> to vector<16xf32>
      %swap3A_318 = vector.shape_cast %add3A_313 : vector<16xf32> to vector<1x16xf32>
      tpu.vector_store %arg8[%swap3A_314, %swap3A_315], %swap3A_318 {strides = array<i32>} : memref<128x256xf32, #tpu.memory_space<vmem>>, vector<1x16xf32>,
      %mul3A_319 = arith.mulf %sub3A_312, %sub3A_312 : vector<16xf32>
      %swap3A_320 = arith.index_cast %scan3A_264 : i32 to index
      %swap3A_321 = arith.constant 32 : index
      %swap3A_322 = tpu.vector_load %arg9[%swap3A_320, %swap3A_321] {strides = array<i32>} : memref<128x256xf32, #tpu.memory_space<vmem>>, vector<1x16xf32>,
      %swap3A_323 = vector.shape_cast %swap3A_322 : vector<1x16xf32> to vector<16xf32>
      %swap3A_324 = vector.shape_cast %mul3A_319 : vector<16xf32> to vector<1x16xf32>
      tpu.vector_store %arg9[%swap3A_320, %swap3A_321], %swap3A_324 {strides = array<i32>} : memref<128x256xf32, #tpu.memory_space<vmem>>, vector<1x16xf32>,
      %get3A_325 = arith.index_cast %scan3A_264 : i32 to index
      %get3A_326 = arith.constant 48 : index
      %get3A_327 = tpu.vector_load %arg8[%get3A_325, %get3A_326] {strides = array<i32>} : memref<128x256xf32, #tpu.memory_space<vmem>>, vector<1x16xf32>,
      %get3A_328 = vector.shape_cast %get3A_327 : vector<1x16xf32> to vector<16xf32>
      %get3A_329 = arith.index_cast %scan3A_264 : i32 to index
      %get3A_330 = arith.constant 48 : index
      %get3A_331 = tpu.vector_load %arg9[%get3A_329, %get3A_330] {strides = array<i32>} : memref<128x256xf32, #tpu.memory_space<vmem>>, vector<1x16xf32>,
      %get3A_332 = vector.shape_cast %get3A_331 : vector<1x16xf32> to vector<16xf32>
      %sub3A_333 = arith.subf %get3A_328, %get3A_332 : vector<16xf32>
      %add3A_334 = arith.addf %get3A_332, %sub3A_333 : vector<16xf32>
      %swap3A_335 = arith.index_cast %scan3A_264 : i32 to index
      %swap3A_336 = arith.constant 48 : index
      %swap3A_337 = tpu.vector_load %arg8[%swap3A_335, %swap3A_336] {strides = array<i32>} : memref<128x256xf32, #tpu.memory_space<vmem>>, vector<1x16xf32>,
      %swap3A_338 = vector.shape_cast %swap3A_337 : vector<1x16xf32> to vector<16xf32>
      %swap3A_339 = vector.shape_cast %add3A_334 : vector<16xf32> to vector<1x16xf32>
      tpu.vector_store %arg8[%swap3A_335, %swap3A_336], %swap3A_339 {strides = array<i32>} : memref<128x256xf32, #tpu.memory_space<vmem>>, vector<1x16xf32>,
      %mul3A_340 = arith.mulf %sub3A_333, %sub3A_333 : vector<16xf32>
      %swap3A_341 = arith.index_cast %scan3A_264 : i32 to index
      %swap3A_342 = arith.constant 48 : index
      %swap3A_343 = tpu.vector_load %arg9[%swap3A_341, %swap3A_342] {strides = array<i32>} : memref<128x256xf32, #tpu.memory_space<vmem>>, vector<1x16xf32>,
      %swap3A_344 = vector.shape_cast %swap3A_343 : vector<1x16xf32> to vector<16xf32>
      %swap3A_345 = vector.shape_cast %mul3A_340 : vector<16xf32> to vector<1x16xf32>
      tpu.vector_store %arg9[%swap3A_341, %swap3A_342], %swap3A_345 {strides = array<i32>} : memref<128x256xf32, #tpu.memory_space<vmem>>, vector<1x16xf32>,
      %get3A_346 = arith.index_cast %scan3A_264 : i32 to index
      %get3A_347 = arith.constant 64 : index
      %get3A_348 = tpu.vector_load %arg8[%get3A_346, %get3A_347] {strides = array<i32>} : memref<128x256xf32, #tpu.memory_space<vmem>>, vector<1x16xf32>,
      %get3A_349 = vector.shape_cast %get3A_348 : vector<1x16xf32> to vector<16xf32>
      %get3A_350 = arith.index_cast %scan3A_264 : i32 to index
      %get3A_351 = arith.constant 64 : index
      %get3A_352 = tpu.vector_load %arg9[%get3A_350, %get3A_351] {strides = array<i32>} : memref<128x256xf32, #tpu.memory_space<vmem>>, vector<1x16xf32>,
      %get3A_353 = vector.shape_cast %get3A_352 : vector<1x16xf32> to vector<16xf32>
      %sub3A_354 = arith.subf %get3A_349, %get3A_353 : vector<16xf32>
      %add3A_355 = arith.addf %get3A_353, %sub3A_354 : vector<16xf32>
      %swap3A_356 = arith.index_cast %scan3A_264 : i32 to index
      %swap3A_357 = arith.constant 64 : index
      %swap3A_358 = tpu.vector_load %arg8[%swap3A_356, %swap3A_357] {strides = array<i32>} : memref<128x256xf32, #tpu.memory_space<vmem>>, vector<1x16xf32>,
      %swap3A_359 = vector.shape_cast %swap3A_358 : vector<1x16xf32> to vector<16xf32>
      %swap3A_360 = vector.shape_cast %add3A_355 : vector<16xf32> to vector<1x16xf32>
      tpu.vector_store %arg8[%swap3A_356, %swap3A_357], %swap3A_360 {strides = array<i32>} : memref<128x256xf32, #tpu.memory_space<vmem>>, vector<1x16xf32>,
      %mul3A_361 = arith.mulf %sub3A_354, %sub3A_354 : vector<16xf32>
      %swap3A_362 = arith.index_cast %scan3A_264 : i32 to index
      %swap3A_363 = arith.constant 64 : index
      %swap3A_364 = tpu.vector_load %arg9[%swap3A_362, %swap3A_363] {strides = array<i32>} : memref<128x256xf32, #tpu.memory_space<vmem>>, vector<1x16xf32>,
      %swap3A_365 = vector.shape_cast %swap3A_364 : vector<1x16xf32> to vector<16xf32>
      %swap3A_366 = vector.shape_cast %mul3A_361 : vector<16xf32> to vector<1x16xf32>
      tpu.vector_store %arg9[%swap3A_362, %swap3A_363], %swap3A_366 {strides = array<i32>} : memref<128x256xf32, #tpu.memory_space<vmem>>, vector<1x16xf32>,
      %get3A_367 = arith.index_cast %scan3A_264 : i32 to index
      %get3A_368 = arith.constant 80 : index
      %get3A_369 = tpu.vector_load %arg8[%get3A_367, %get3A_368] {strides = array<i32>} : memref<128x256xf32, #tpu.memory_space<vmem>>, vector<1x16xf32>,
      %get3A_370 = vector.shape_cast %get3A_369 : vector<1x16xf32> to vector<16xf32>
      %get3A_371 = arith.index_cast %scan3A_264 : i32 to index
      %get3A_372 = arith.constant 80 : index
      %get3A_373 = tpu.vector_load %arg9[%get3A_371, %get3A_372] {strides = array<i32>} : memref<128x256xf32, #tpu.memory_space<vmem>>, vector<1x16xf32>,
      %get3A_374 = vector.shape_cast %get3A_373 : vector<1x16xf32> to vector<16xf32>
      %sub3A_375 = arith.subf %get3A_370, %get3A_374 : vector<16xf32>
      %add3A_376 = arith.addf %get3A_374, %sub3A_375 : vector<16xf32>
      %swap3A_377 = arith.index_cast %scan3A_264 : i32 to index
      %swap3A_378 = arith.constant 80 : index
      %swap3A_379 = tpu.vector_load %arg8[%swap3A_377, %swap3A_378] {strides = array<i32>} : memref<128x256xf32, #tpu.memory_space<vmem>>, vector<1x16xf32>,
      %swap3A_380 = vector.shape_cast %swap3A_379 : vector<1x16xf32> to vector<16xf32>
      %swap3A_381 = vector.shape_cast %add3A_376 : vector<16xf32> to vector<1x16xf32>
      tpu.vector_store %arg8[%swap3A_377, %swap3A_378], %swap3A_381 {strides = array<i32>} : memref<128x256xf32, #tpu.memory_space<vmem>>, vector<1x16xf32>,
      %mul3A_382 = arith.mulf %sub3A_375, %sub3A_375 : vector<16xf32>
      %swap3A_383 = arith.index_cast %scan3A_264 : i32 to index
      %swap3A_384 = arith.constant 80 : index
      %swap3A_385 = tpu.vector_load %arg9[%swap3A_383, %swap3A_384] {strides = array<i32>} : memref<128x256xf32, #tpu.memory_space<vmem>>, vector<1x16xf32>,
      %swap3A_386 = vector.shape_cast %swap3A_385 : vector<1x16xf32> to vector<16xf32>
      %swap3A_387 = vector.shape_cast %mul3A_382 : vector<16xf32> to vector<1x16xf32>
      tpu.vector_store %arg9[%swap3A_383, %swap3A_384], %swap3A_387 {strides = array<i32>} : memref<128x256xf32, #tpu.memory_space<vmem>>, vector<1x16xf32>,
      %get3A_388 = arith.index_cast %scan3A_264 : i32 to index
      %get3A_389 = arith.constant 96 : index
      %get3A_390 = tpu.vector_load %arg8[%get3A_388, %get3A_389] {strides = array<i32>} : memref<128x256xf32, #tpu.memory_space<vmem>>, vector<1x16xf32>,
      %get3A_391 = vector.shape_cast %get3A_390 : vector<1x16xf32> to vector<16xf32>
      %get3A_392 = arith.index_cast %scan3A_264 : i32 to index
      %get3A_393 = arith.constant 96 : index
      %get3A_394 = tpu.vector_load %arg9[%get3A_392, %get3A_393] {strides = array<i32>} : memref<128x256xf32, #tpu.memory_space<vmem>>, vector<1x16xf32>,
      %get3A_395 = vector.shape_cast %get3A_394 : vector<1x16xf32> to vector<16xf32>
      %sub3A_396 = arith.subf %get3A_391, %get3A_395 : vector<16xf32>
      %add3A_397 = arith.addf %get3A_395, %sub3A_396 : vector<16xf32>
      %swap3A_398 = arith.index_cast %scan3A_264 : i32 to index
      %swap3A_399 = arith.constant 96 : index
      %swap3A_400 = tpu.vector_load %arg8[%swap3A_398, %swap3A_399] {strides = array<i32>} : memref<128x256xf32, #tpu.memory_space<vmem>>, vector<1x16xf32>,
      %swap3A_401 = vector.shape_cast %swap3A_400 : vector<1x16xf32> to vector<16xf32>
      %swap3A_402 = vector.shape_cast %add3A_397 : vector<16xf32> to vector<1x16xf32>
      tpu.vector_store %arg8[%swap3A_398, %swap3A_399], %swap3A_402 {strides = array<i32>} : memref<128x256xf32, #tpu.memory_space<vmem>>, vector<1x16xf32>,
      %mul3A_403 = arith.mulf %sub3A_396, %sub3A_396 : vector<16xf32>
      %swap3A_404 = arith.index_cast %scan3A_264 : i32 to index
      %swap3A_405 = arith.constant 96 : index
      %swap3A_406 = tpu.vector_load %arg9[%swap3A_404, %swap3A_405] {strides = array<i32>} : memref<128x256xf32, #tpu.memory_space<vmem>>, vector<1x16xf32>,
      %swap3A_407 = vector.shape_cast %swap3A_406 : vector<1x16xf32> to vector<16xf32>
      %swap3A_408 = vector.shape_cast %mul3A_403 : vector<16xf32> to vector<1x16xf32>
      tpu.vector_store %arg9[%swap3A_404, %swap3A_405], %swap3A_408 {strides = array<i32>} : memref<128x256xf32, #tpu.memory_space<vmem>>, vector<1x16xf32>,
      %get3A_409 = arith.index_cast %scan3A_264 : i32 to index
      %get3A_410 = arith.constant 112 : index
      %get3A_411 = tpu.vector_load %arg8[%get3A_409, %get3A_410] {strides = array<i32>} : memref<128x256xf32, #tpu.memory_space<vmem>>, vector<1x16xf32>,
      %get3A_412 = vector.shape_cast %get3A_411 : vector<1x16xf32> to vector<16xf32>
      %get3A_413 = arith.index_cast %scan3A_264 : i32 to index
      %get3A_414 = arith.constant 112 : index
      %get3A_415 = tpu.vector_load %arg9[%get3A_413, %get3A_414] {strides = array<i32>} : memref<128x256xf32, #tpu.memory_space<vmem>>, vector<1x16xf32>,
      %get3A_416 = vector.shape_cast %get3A_415 : vector<1x16xf32> to vector<16xf32>
      %sub3A_417 = arith.subf %get3A_412, %get3A_416 : vector<16xf32>
      %add3A_418 = arith.addf %get3A_416, %sub3A_417 : vector<16xf32>
      %swap3A_419 = arith.index_cast %scan3A_264 : i32 to index
      %swap3A_420 = arith.constant 112 : index
      %swap3A_421 = tpu.vector_load %arg8[%swap3A_419, %swap3A_420] {strides = array<i32>} : memref<128x256xf32, #tpu.memory_space<vmem>>, vector<1x16xf32>,
      %swap3A_422 = vector.shape_cast %swap3A_421 : vector<1x16xf32> to vector<16xf32>
      %swap3A_423 = vector.shape_cast %add3A_418 : vector<16xf32> to vector<1x16xf32>
      tpu.vector_store %arg8[%swap3A_419, %swap3A_420], %swap3A_423 {strides = array<i32>} : memref<128x256xf32, #tpu.memory_space<vmem>>, vector<1x16xf32>,
      %mul3A_424 = arith.mulf %sub3A_417, %sub3A_417 : vector<16xf32>
      %swap3A_425 = arith.index_cast %scan3A_264 : i32 to index
      %swap3A_426 = arith.constant 112 : index
      %swap3A_427 = tpu.vector_load %arg9[%swap3A_425, %swap3A_426] {strides = array<i32>} : memref<128x256xf32, #tpu.memory_space<vmem>>, vector<1x16xf32>,
      %swap3A_428 = vector.shape_cast %swap3A_427 : vector<1x16xf32> to vector<16xf32>
      %swap3A_429 = vector.shape_cast %mul3A_424 : vector<16xf32> to vector<1x16xf32>
      tpu.vector_store %arg9[%swap3A_425, %swap3A_426], %swap3A_429 {strides = array<i32>} : memref<128x256xf32, #tpu.memory_space<vmem>>, vector<1x16xf32>,
      %get3A_430 = arith.index_cast %scan3A_264 : i32 to index
      %get3A_431 = arith.constant 128 : index
      %get3A_432 = tpu.vector_load %arg8[%get3A_430, %get3A_431] {strides = array<i32>} : memref<128x256xf32, #tpu.memory_space<vmem>>, vector<1x16xf32>,
      %get3A_433 = vector.shape_cast %get3A_432 : vector<1x16xf32> to vector<16xf32>
      %get3A_434 = arith.index_cast %scan3A_264 : i32 to index
      %get3A_435 = arith.constant 128 : index
      %get3A_436 = tpu.vector_load %arg9[%get3A_434, %get3A_435] {strides = array<i32>} : memref<128x256xf32, #tpu.memory_space<vmem>>, vector<1x16xf32>,
      %get3A_437 = vector.shape_cast %get3A_436 : vector<1x16xf32> to vector<16xf32>
      %sub3A_438 = arith.subf %get3A_433, %get3A_437 : vector<16xf32>
      %add3A_439 = arith.addf %get3A_437, %sub3A_438 : vector<16xf32>
      %swap3A_440 = arith.index_cast %scan3A_264 : i32 to index
      %swap3A_441 = arith.constant 128 : index
      %swap3A_442 = tpu.vector_load %arg8[%swap3A_440, %swap3A_441] {strides = array<i32>} : memref<128x256xf32, #tpu.memory_space<vmem>>, vector<1x16xf32>,
      %swap3A_443 = vector.shape_cast %swap3A_442 : vector<1x16xf32> to vector<16xf32>
      %swap3A_444 = vector.shape_cast %add3A_439 : vector<16xf32> to vector<1x16xf32>
      tpu.vector_store %arg8[%swap3A_440, %swap3A_441], %swap3A_444 {strides = array<i32>} : memref<128x256xf32, #tpu.memory_space<vmem>>, vector<1x16xf32>,
      %mul3A_445 = arith.mulf %sub3A_438, %sub3A_438 : vector<16xf32>
      %swap3A_446 = arith.index_cast %scan3A_264 : i32 to index
      %swap3A_447 = arith.constant 128 : index
      %swap3A_448 = tpu.vector_load %arg9[%swap3A_446, %swap3A_447] {strides = array<i32>} : memref<128x256xf32, #tpu.memory_space<vmem>>, vector<1x16xf32>,
      %swap3A_449 = vector.shape_cast %swap3A_448 : vector<1x16xf32> to vector<16xf32>
      %swap3A_450 = vector.shape_cast %mul3A_445 : vector<16xf32> to vector<1x16xf32>
      tpu.vector_store %arg9[%swap3A_446, %swap3A_447], %swap3A_450 {strides = array<i32>} : memref<128x256xf32, #tpu.memory_space<vmem>>, vector<1x16xf32>,
      %get3A_451 = arith.index_cast %scan3A_264 : i32 to index
      %get3A_452 = arith.constant 144 : index
      %get3A_453 = tpu.vector_load %arg8[%get3A_451, %get3A_452] {strides = array<i32>} : memref<128x256xf32, #tpu.memory_space<vmem>>, vector<1x16xf32>,
      %get3A_454 = vector.shape_cast %get3A_453 : vector<1x16xf32> to vector<16xf32>
      %get3A_455 = arith.index_cast %scan3A_264 : i32 to index
      %get3A_456 = arith.constant 144 : index
      %get3A_457 = tpu.vector_load %arg9[%get3A_455, %get3A_456] {strides = array<i32>} : memref<128x256xf32, #tpu.memory_space<vmem>>, vector<1x16xf32>,
      %get3A_458 = vector.shape_cast %get3A_457 : vector<1x16xf32> to vector<16xf32>
      %sub3A_459 = arith.subf %get3A_454, %get3A_458 : vector<16xf32>
      %add3A_460 = arith.addf %get3A_458, %sub3A_459 : vector<16xf32>
      %swap3A_461 = arith.index_cast %scan3A_264 : i32 to index
      %swap3A_462 = arith.constant 144 : index
      %swap3A_463 = tpu.vector_load %arg8[%swap3A_461, %swap3A_462] {strides = array<i32>} : memref<128x256xf32, #tpu.memory_space<vmem>>, vector<1x16xf32>,
      %swap3A_464 = vector.shape_cast %swap3A_463 : vector<1x16xf32> to vector<16xf32>
      %swap3A_465 = vector.shape_cast %add3A_460 : vector<16xf32> to vector<1x16xf32>
      tpu.vector_store %arg8[%swap3A_461, %swap3A_462], %swap3A_465 {strides = array<i32>} : memref<128x256xf32, #tpu.memory_space<vmem>>, vector<1x16xf32>,
      %mul3A_466 = arith.mulf %sub3A_459, %sub3A_459 : vector<16xf32>
      %swap3A_467 = arith.index_cast %scan3A_264 : i32 to index
      %swap3A_468 = arith.constant 144 : index
      %swap3A_469 = tpu.vector_load %arg9[%swap3A_467, %swap3A_468] {strides = array<i32>} : memref<128x256xf32, #tpu.memory_space<vmem>>, vector<1x16xf32>,
      %swap3A_470 = vector.shape_cast %swap3A_469 : vector<1x16xf32> to vector<16xf32>
      %swap3A_471 = vector.shape_cast %mul3A_466 : vector<16xf32> to vector<1x16xf32>
      tpu.vector_store %arg9[%swap3A_467, %swap3A_468], %swap3A_471 {strides = array<i32>} : memref<128x256xf32, #tpu.memory_space<vmem>>, vector<1x16xf32>,
      %get3A_472 = arith.index_cast %scan3A_264 : i32 to index
      %get3A_473 = arith.constant 160 : index
      %get3A_474 = tpu.vector_load %arg8[%get3A_472, %get3A_473] {strides = array<i32>} : memref<128x256xf32, #tpu.memory_space<vmem>>, vector<1x16xf32>,
      %get3A_475 = vector.shape_cast %get3A_474 : vector<1x16xf32> to vector<16xf32>
      %get3A_476 = arith.index_cast %scan3A_264 : i32 to index
      %get3A_477 = arith.constant 160 : index
      %get3A_478 = tpu.vector_load %arg9[%get3A_476, %get3A_477] {strides = array<i32>} : memref<128x256xf32, #tpu.memory_space<vmem>>, vector<1x16xf32>,
      %get3A_479 = vector.shape_cast %get3A_478 : vector<1x16xf32> to vector<16xf32>
      %sub3A_480 = arith.subf %get3A_475, %get3A_479 : vector<16xf32>
      %add3A_481 = arith.addf %get3A_479, %sub3A_480 : vector<16xf32>
      %swap3A_482 = arith.index_cast %scan3A_264 : i32 to index
      %swap3A_483 = arith.constant 160 : index
      %swap3A_484 = tpu.vector_load %arg8[%swap3A_482, %swap3A_483] {strides = array<i32>} : memref<128x256xf32, #tpu.memory_space<vmem>>, vector<1x16xf32>,
      %swap3A_485 = vector.shape_cast %swap3A_484 : vector<1x16xf32> to vector<16xf32>
      %swap3A_486 = vector.shape_cast %add3A_481 : vector<16xf32> to vector<1x16xf32>
      tpu.vector_store %arg8[%swap3A_482, %swap3A_483], %swap3A_486 {strides = array<i32>} : memref<128x256xf32, #tpu.memory_space<vmem>>, vector<1x16xf32>,
      %mul3A_487 = arith.mulf %sub3A_480, %sub3A_480 : vector<16xf32>
      %swap3A_488 = arith.index_cast %scan3A_264 : i32 to index
      %swap3A_489 = arith.constant 160 : index
      %swap3A_490 = tpu.vector_load %arg9[%swap3A_488, %swap3A_489] {strides = array<i32>} : memref<128x256xf32, #tpu.memory_space<vmem>>, vector<1x16xf32>,
      %swap3A_491 = vector.shape_cast %swap3A_490 : vector<1x16xf32> to vector<16xf32>
      %swap3A_492 = vector.shape_cast %mul3A_487 : vector<16xf32> to vector<1x16xf32>
      tpu.vector_store %arg9[%swap3A_488, %swap3A_489], %swap3A_492 {strides = array<i32>} : memref<128x256xf32, #tpu.memory_space<vmem>>, vector<1x16xf32>,
      %get3A_493 = arith.index_cast %scan3A_264 : i32 to index
      %get3A_494 = arith.constant 176 : index
      %get3A_495 = tpu.vector_load %arg8[%get3A_493, %get3A_494] {strides = array<i32>} : memref<128x256xf32, #tpu.memory_space<vmem>>, vector<1x16xf32>,
      %get3A_496 = vector.shape_cast %get3A_495 : vector<1x16xf32> to vector<16xf32>
      %get3A_497 = arith.index_cast %scan3A_264 : i32 to index
      %get3A_498 = arith.constant 176 : index
      %get3A_499 = tpu.vector_load %arg9[%get3A_497, %get3A_498] {strides = array<i32>} : memref<128x256xf32, #tpu.memory_space<vmem>>, vector<1x16xf32>,
      %get3A_500 = vector.shape_cast %get3A_499 : vector<1x16xf32> to vector<16xf32>
      %sub3A_501 = arith.subf %get3A_496, %get3A_500 : vector<16xf32>
      %add3A_502 = arith.addf %get3A_500, %sub3A_501 : vector<16xf32>
      %swap3A_503 = arith.index_cast %scan3A_264 : i32 to index
      %swap3A_504 = arith.constant 176 : index
      %swap3A_505 = tpu.vector_load %arg8[%swap3A_503, %swap3A_504] {strides = array<i32>} : memref<128x256xf32, #tpu.memory_space<vmem>>, vector<1x16xf32>,
      %swap3A_506 = vector.shape_cast %swap3A_505 : vector<1x16xf32> to vector<16xf32>
      %swap3A_507 = vector.shape_cast %add3A_502 : vector<16xf32> to vector<1x16xf32>
      tpu.vector_store %arg8[%swap3A_503, %swap3A_504], %swap3A_507 {strides = array<i32>} : memref<128x256xf32, #tpu.memory_space<vmem>>, vector<1x16xf32>,
      %mul3A_508 = arith.mulf %sub3A_501, %sub3A_501 : vector<16xf32>
      %swap3A_509 = arith.index_cast %scan3A_264 : i32 to index
      %swap3A_510 = arith.constant 176 : index
      %swap3A_511 = tpu.vector_load %arg9[%swap3A_509, %swap3A_510] {strides = array<i32>} : memref<128x256xf32, #tpu.memory_space<vmem>>, vector<1x16xf32>,
      %swap3A_512 = vector.shape_cast %swap3A_511 : vector<1x16xf32> to vector<16xf32>
      %swap3A_513 = vector.shape_cast %mul3A_508 : vector<16xf32> to vector<1x16xf32>
      tpu.vector_store %arg9[%swap3A_509, %swap3A_510], %swap3A_513 {strides = array<i32>} : memref<128x256xf32, #tpu.memory_space<vmem>>, vector<1x16xf32>,
      %get3A_514 = arith.index_cast %scan3A_264 : i32 to index
      %get3A_515 = arith.constant 192 : index
      %get3A_516 = tpu.vector_load %arg8[%get3A_514, %get3A_515] {strides = array<i32>} : memref<128x256xf32, #tpu.memory_space<vmem>>, vector<1x16xf32>,
      %get3A_517 = vector.shape_cast %get3A_516 : vector<1x16xf32> to vector<16xf32>
      %get3A_518 = arith.index_cast %scan3A_264 : i32 to index
      %get3A_519 = arith.constant 192 : index
      %get3A_520 = tpu.vector_load %arg9[%get3A_518, %get3A_519] {strides = array<i32>} : memref<128x256xf32, #tpu.memory_space<vmem>>, vector<1x16xf32>,
      %get3A_521 = vector.shape_cast %get3A_520 : vector<1x16xf32> to vector<16xf32>
      %sub3A_522 = arith.subf %get3A_517, %get3A_521 : vector<16xf32>
      %add3A_523 = arith.addf %get3A_521, %sub3A_522 : vector<16xf32>
      %swap3A_524 = arith.index_cast %scan3A_264 : i32 to index
      %swap3A_525 = arith.constant 192 : index
      %swap3A_526 = tpu.vector_load %arg8[%swap3A_524, %swap3A_525] {strides = array<i32>} : memref<128x256xf32, #tpu.memory_space<vmem>>, vector<1x16xf32>,
      %swap3A_527 = vector.shape_cast %swap3A_526 : vector<1x16xf32> to vector<16xf32>
      %swap3A_528 = vector.shape_cast %add3A_523 : vector<16xf32> to vector<1x16xf32>
      tpu.vector_store %arg8[%swap3A_524, %swap3A_525], %swap3A_528 {strides = array<i32>} : memref<128x256xf32, #tpu.memory_space<vmem>>, vector<1x16xf32>,
      %mul3A_529 = arith.mulf %sub3A_522, %sub3A_522 : vector<16xf32>
      %swap3A_530 = arith.index_cast %scan3A_264 : i32 to index
      %swap3A_531 = arith.constant 192 : index
      %swap3A_532 = tpu.vector_load %arg9[%swap3A_530, %swap3A_531] {strides = array<i32>} : memref<128x256xf32, #tpu.memory_space<vmem>>, vector<1x16xf32>,
      %swap3A_533 = vector.shape_cast %swap3A_532 : vector<1x16xf32> to vector<16xf32>
      %swap3A_534 = vector.shape_cast %mul3A_529 : vector<16xf32> to vector<1x16xf32>
      tpu.vector_store %arg9[%swap3A_530, %swap3A_531], %swap3A_534 {strides = array<i32>} : memref<128x256xf32, #tpu.memory_space<vmem>>, vector<1x16xf32>,
      %get3A_535 = arith.index_cast %scan3A_264 : i32 to index
      %get3A_536 = arith.constant 208 : index
      %get3A_537 = tpu.vector_load %arg8[%get3A_535, %get3A_536] {strides = array<i32>} : memref<128x256xf32, #tpu.memory_space<vmem>>, vector<1x16xf32>,
      %get3A_538 = vector.shape_cast %get3A_537 : vector<1x16xf32> to vector<16xf32>
      %get3A_539 = arith.index_cast %scan3A_264 : i32 to index
      %get3A_540 = arith.constant 208 : index
      %get3A_541 = tpu.vector_load %arg9[%get3A_539, %get3A_540] {strides = array<i32>} : memref<128x256xf32, #tpu.memory_space<vmem>>, vector<1x16xf32>,
      %get3A_542 = vector.shape_cast %get3A_541 : vector<1x16xf32> to vector<16xf32>
      %sub3A_543 = arith.subf %get3A_538, %get3A_542 : vector<16xf32>
      %add3A_544 = arith.addf %get3A_542, %sub3A_543 : vector<16xf32>
      %swap3A_545 = arith.index_cast %scan3A_264 : i32 to index
      %swap3A_546 = arith.constant 208 : index
      %swap3A_547 = tpu.vector_load %arg8[%swap3A_545, %swap3A_546] {strides = array<i32>} : memref<128x256xf32, #tpu.memory_space<vmem>>, vector<1x16xf32>,
      %swap3A_548 = vector.shape_cast %swap3A_547 : vector<1x16xf32> to vector<16xf32>
      %swap3A_549 = vector.shape_cast %add3A_544 : vector<16xf32> to vector<1x16xf32>
      tpu.vector_store %arg8[%swap3A_545, %swap3A_546], %swap3A_549 {strides = array<i32>} : memref<128x256xf32, #tpu.memory_space<vmem>>, vector<1x16xf32>,
      %mul3A_550 = arith.mulf %sub3A_543, %sub3A_543 : vector<16xf32>
      %swap3A_551 = arith.index_cast %scan3A_264 : i32 to index
      %swap3A_552 = arith.constant 208 : index
      %swap3A_553 = tpu.vector_load %arg9[%swap3A_551, %swap3A_552] {strides = array<i32>} : memref<128x256xf32, #tpu.memory_space<vmem>>, vector<1x16xf32>,
      %swap3A_554 = vector.shape_cast %swap3A_553 : vector<1x16xf32> to vector<16xf32>
      %swap3A_555 = vector.shape_cast %mul3A_550 : vector<16xf32> to vector<1x16xf32>
      tpu.vector_store %arg9[%swap3A_551, %swap3A_552], %swap3A_555 {strides = array<i32>} : memref<128x256xf32, #tpu.memory_space<vmem>>, vector<1x16xf32>,
      %get3A_556 = arith.index_cast %scan3A_264 : i32 to index
      %get3A_557 = arith.constant 224 : index
      %get3A_558 = tpu.vector_load %arg8[%get3A_556, %get3A_557] {strides = array<i32>} : memref<128x256xf32, #tpu.memory_space<vmem>>, vector<1x16xf32>,
      %get3A_559 = vector.shape_cast %get3A_558 : vector<1x16xf32> to vector<16xf32>
      %get3A_560 = arith.index_cast %scan3A_264 : i32 to index
      %get3A_561 = arith.constant 224 : index
      %get3A_562 = tpu.vector_load %arg9[%get3A_560, %get3A_561] {strides = array<i32>} : memref<128x256xf32, #tpu.memory_space<vmem>>, vector<1x16xf32>,
      %get3A_563 = vector.shape_cast %get3A_562 : vector<1x16xf32> to vector<16xf32>
      %sub3A_564 = arith.subf %get3A_559, %get3A_563 : vector<16xf32>
      %add3A_565 = arith.addf %get3A_563, %sub3A_564 : vector<16xf32>
      %swap3A_566 = arith.index_cast %scan3A_264 : i32 to index
      %swap3A_567 = arith.constant 224 : index
      %swap3A_568 = tpu.vector_load %arg8[%swap3A_566, %swap3A_567] {strides = array<i32>} : memref<128x256xf32, #tpu.memory_space<vmem>>, vector<1x16xf32>,
      %swap3A_569 = vector.shape_cast %swap3A_568 : vector<1x16xf32> to vector<16xf32>
      %swap3A_570 = vector.shape_cast %add3A_565 : vector<16xf32> to vector<1x16xf32>
      tpu.vector_store %arg8[%swap3A_566, %swap3A_567], %swap3A_570 {strides = array<i32>} : memref<128x256xf32, #tpu.memory_space<vmem>>, vector<1x16xf32>,
      %mul3A_571 = arith.mulf %sub3A_564, %sub3A_564 : vector<16xf32>
      %swap3A_572 = arith.index_cast %scan3A_264 : i32 to index
      %swap3A_573 = arith.constant 224 : index
      %swap3A_574 = tpu.vector_load %arg9[%swap3A_572, %swap3A_573] {strides = array<i32>} : memref<128x256xf32, #tpu.memory_space<vmem>>, vector<1x16xf32>,
      %swap3A_575 = vector.shape_cast %swap3A_574 : vector<1x16xf32> to vector<16xf32>
      %swap3A_576 = vector.shape_cast %mul3A_571 : vector<16xf32> to vector<1x16xf32>
      tpu.vector_store %arg9[%swap3A_572, %swap3A_573], %swap3A_576 {strides = array<i32>} : memref<128x256xf32, #tpu.memory_space<vmem>>, vector<1x16xf32>,
      %get3A_577 = arith.index_cast %scan3A_264 : i32 to index
      %get3A_578 = arith.constant 240 : index
      %get3A_579 = tpu.vector_load %arg8[%get3A_577, %get3A_578] {strides = array<i32>} : memref<128x256xf32, #tpu.memory_space<vmem>>, vector<1x16xf32>,
      %get3A_580 = vector.shape_cast %get3A_579 : vector<1x16xf32> to vector<16xf32>
      %get3A_581 = arith.index_cast %scan3A_264 : i32 to index
      %get3A_582 = arith.constant 240 : index
      %get3A_583 = tpu.vector_load %arg9[%get3A_581, %get3A_582] {strides = array<i32>} : memref<128x256xf32, #tpu.memory_space<vmem>>, vector<1x16xf32>,
      %get3A_584 = vector.shape_cast %get3A_583 : vector<1x16xf32> to vector<16xf32>
      %sub3A_585 = arith.subf %get3A_580, %get3A_584 : vector<16xf32>
      %add3A_586 = arith.addf %get3A_584, %sub3A_585 : vector<16xf32>
      %swap3A_587 = arith.index_cast %scan3A_264 : i32 to index
      %swap3A_588 = arith.constant 240 : index
      %swap3A_589 = tpu.vector_load %arg8[%swap3A_587, %swap3A_588] {strides = array<i32>} : memref<128x256xf32, #tpu.memory_space<vmem>>, vector<1x16xf32>,
      %swap3A_590 = vector.shape_cast %swap3A_589 : vector<1x16xf32> to vector<16xf32>
      %swap3A_591 = vector.shape_cast %add3A_586 : vector<16xf32> to vector<1x16xf32>
      tpu.vector_store %arg8[%swap3A_587, %swap3A_588], %swap3A_591 {strides = array<i32>} : memref<128x256xf32, #tpu.memory_space<vmem>>, vector<1x16xf32>,
      %mul3A_592 = arith.mulf %sub3A_585, %sub3A_585 : vector<16xf32>
      %swap3A_593 = arith.index_cast %scan3A_264 : i32 to index
      %swap3A_594 = arith.constant 240 : index
      %swap3A_595 = tpu.vector_load %arg9[%swap3A_593, %swap3A_594] {strides = array<i32>} : memref<128x256xf32, #tpu.memory_space<vmem>>, vector<1x16xf32>,
      %swap3A_596 = vector.shape_cast %swap3A_595 : vector<1x16xf32> to vector<16xf32>
      %swap3A_597 = vector.shape_cast %mul3A_592 : vector<16xf32> to vector<1x16xf32>
      tpu.vector_store %arg9[%swap3A_593, %swap3A_594], %swap3A_597 {strides = array<i32>} : memref<128x256xf32, #tpu.memory_space<vmem>>, vector<1x16xf32>,
    }
    %scan3A_161 = arith.constant 32 : i32
    %add3A_162 = arith.constant 96 : i32
    %add3A_163 = arith.addi %mul3A_2, %add3A_162 : i32
    %dma_start3A_164 = arith.constant 96 : i32
    %dma_start3A_165 = arith.constant 0 : i32
    %dma_start3A_166 = tpu.memref_slice %arg8[%dma_start3A_164, %dma_start3A_165] : memref<128x256xf32, #tpu.memory_space<vmem>> -> memref<32x256xf32, #tpu.memory_space<vmem>>
    %dma_start3A_167 = arith.constant 0 : i32
    %dma_start3A_168 = tpu.memref_slice %arg5[%add3A_163, %dma_start3A_167] : memref<4096x256xf32, #tpu.memory_space<hbm>> -> memref<32x256xf32, #tpu.memory_space<hbm>>
    %dma_start3A_169 = arith.constant 0 : i32
    %dma_start3A_170 = tpu.memref_slice %arg5[%add3A_163, %dma_start3A_169] : memref<4096x256xf32, #tpu.memory_space<hbm>> -> memref<32x256xf32, #tpu.memory_space<hbm>>
    %dma_start3A_171 = arith.constant 96 : i32
    %dma_start3A_172 = arith.constant 0 : i32
    %dma_start3A_173 = tpu.memref_slice %arg8[%dma_start3A_171, %dma_start3A_172] : memref<128x256xf32, #tpu.memory_space<vmem>> -> memref<32x256xf32, #tpu.memory_space<vmem>>
    tpu.enqueue_dma source(%dma_start3A_173 : memref<32x256xf32, #tpu.memory_space<vmem>>) target(%dma_start3A_170 : memref<32x256xf32, #tpu.memory_space<hbm>>) target_semaphore(%arg15 : memref<!tpu.dma_semaphore, #tpu.memory_space<semaphore_mem>>)
    %dma_start3A_174 = arith.constant 96 : i32
    %dma_start3A_175 = arith.constant 0 : i32
    %dma_start3A_176 = tpu.memref_slice %arg9[%dma_start3A_174, %dma_start3A_175] : memref<128x256xf32, #tpu.memory_space<vmem>> -> memref<32x256xf32, #tpu.memory_space<vmem>>
    %dma_start3A_177 = arith.constant 0 : i32
    %dma_start3A_178 = tpu.memref_slice %arg6[%add3A_163, %dma_start3A_177] : memref<4096x256xf32, #tpu.memory_space<hbm>> -> memref<32x256xf32, #tpu.memory_space<hbm>>
    %dma_start3A_179 = arith.constant 0 : i32
    %dma_start3A_180 = tpu.memref_slice %arg6[%add3A_163, %dma_start3A_179] : memref<4096x256xf32, #tpu.memory_space<hbm>> -> memref<32x256xf32, #tpu.memory_space<hbm>>
    %dma_start3A_181 = arith.constant 96 : i32
    %dma_start3A_182 = arith.constant 0 : i32
    %dma_start3A_183 = tpu.memref_slice %arg9[%dma_start3A_181, %dma_start3A_182] : memref<128x256xf32, #tpu.memory_space<vmem>> -> memref<32x256xf32, #tpu.memory_space<vmem>>
    tpu.enqueue_dma source(%dma_start3A_183 : memref<32x256xf32, #tpu.memory_space<vmem>>) target(%dma_start3A_180 : memref<32x256xf32, #tpu.memory_space<hbm>>) target_semaphore(%arg15 : memref<!tpu.dma_semaphore, #tpu.memory_space<semaphore_mem>>)
    %dma_wait3A_184 = arith.constant 0 : i32
    %dma_wait3A_185 = arith.constant 0 : i32
    %dma_wait3A_186 = tpu.memref_slice %arg8[%dma_wait3A_184, %dma_wait3A_185] : memref<128x256xf32, #tpu.memory_space<vmem>> -> memref<32x256xf32, #tpu.memory_space<vmem>>
    %dma_wait3A_187 = arith.constant 0 : i32
    %dma_wait3A_188 = tpu.memref_slice %arg5[%add3A_55, %dma_wait3A_187] : memref<4096x256xf32, #tpu.memory_space<hbm>> -> memref<32x256xf32, #tpu.memory_space<hbm>>
    %dma_wait3A_189 = arith.constant 0 : i32
    %dma_wait3A_190 = tpu.memref_slice %arg5[%add3A_55, %dma_wait3A_189] : memref<4096x256xf32, #tpu.memory_space<hbm>> -> memref<32x256xf32, #tpu.memory_space<hbm>>
    %dma_wait3A_191 = arith.constant 0 : i32
    %dma_wait3A_192 = arith.constant 0 : i32
    %dma_wait3A_193 = tpu.memref_slice %arg8[%dma_wait3A_191, %dma_wait3A_192] : memref<128x256xf32, #tpu.memory_space<vmem>> -> memref<32x256xf32, #tpu.memory_space<vmem>>
    tpu.wait_dma2 semaphore(%arg15 : memref<!tpu.dma_semaphore, #tpu.memory_space<semaphore_mem>>) src(%dma_wait3A_193 : memref<32x256xf32, #tpu.memory_space<vmem>>) dst(%dma_wait3A_190 : memref<32x256xf32, #tpu.memory_space<hbm>>)
    %dma_wait3A_194 = arith.constant 0 : i32
    %dma_wait3A_195 = arith.constant 0 : i32
    %dma_wait3A_196 = tpu.memref_slice %arg9[%dma_wait3A_194, %dma_wait3A_195] : memref<128x256xf32, #tpu.memory_space<vmem>> -> memref<32x256xf32, #tpu.memory_space<vmem>>
    %dma_wait3A_197 = arith.constant 0 : i32
    %dma_wait3A_198 = tpu.memref_slice %arg6[%add3A_55, %dma_wait3A_197] : memref<4096x256xf32, #tpu.memory_space<hbm>> -> memref<32x256xf32, #tpu.memory_space<hbm>>
    %dma_wait3A_199 = arith.constant 0 : i32
    %dma_wait3A_200 = tpu.memref_slice %arg6[%add3A_55, %dma_wait3A_199] : memref<4096x256xf32, #tpu.memory_space<hbm>> -> memref<32x256xf32, #tpu.memory_space<hbm>>
    %dma_wait3A_201 = arith.constant 0 : i32
    %dma_wait3A_202 = arith.constant 0 : i32
    %dma_wait3A_203 = tpu.memref_slice %arg9[%dma_wait3A_201, %dma_wait3A_202] : memref<128x256xf32, #tpu.memory_space<vmem>> -> memref<32x256xf32, #tpu.memory_space<vmem>>
    tpu.wait_dma2 semaphore(%arg15 : memref<!tpu.dma_semaphore, #tpu.memory_space<semaphore_mem>>) src(%dma_wait3A_203 : memref<32x256xf32, #tpu.memory_space<vmem>>) dst(%dma_wait3A_200 : memref<32x256xf32, #tpu.memory_space<hbm>>)
    %dma_wait3A_204 = arith.constant 32 : i32
    %dma_wait3A_205 = arith.constant 0 : i32
    %dma_wait3A_206 = tpu.memref_slice %arg8[%dma_wait3A_204, %dma_wait3A_205] : memref<128x256xf32, #tpu.memory_space<vmem>> -> memref<32x256xf32, #tpu.memory_space<vmem>>
    %dma_wait3A_207 = arith.constant 0 : i32
    %dma_wait3A_208 = tpu.memref_slice %arg5[%add3A_91, %dma_wait3A_207] : memref<4096x256xf32, #tpu.memory_space<hbm>> -> memref<32x256xf32, #tpu.memory_space<hbm>>
    %dma_wait3A_209 = arith.constant 0 : i32
    %dma_wait3A_210 = tpu.memref_slice %arg5[%add3A_91, %dma_wait3A_209] : memref<4096x256xf32, #tpu.memory_space<hbm>> -> memref<32x256xf32, #tpu.memory_space<hbm>>
    %dma_wait3A_211 = arith.constant 32 : i32
    %dma_wait3A_212 = arith.constant 0 : i32
    %dma_wait3A_213 = tpu.memref_slice %arg8[%dma_wait3A_211, %dma_wait3A_212] : memref<128x256xf32, #tpu.memory_space<vmem>> -> memref<32x256xf32, #tpu.memory_space<vmem>>
    tpu.wait_dma2 semaphore(%arg15 : memref<!tpu.dma_semaphore, #tpu.memory_space<semaphore_mem>>) src(%dma_wait3A_213 : memref<32x256xf32, #tpu.memory_space<vmem>>) dst(%dma_wait3A_210 : memref<32x256xf32, #tpu.memory_space<hbm>>)
    %dma_wait3A_214 = arith.constant 32 : i32
    %dma_wait3A_215 = arith.constant 0 : i32
    %dma_wait3A_216 = tpu.memref_slice %arg9[%dma_wait3A_214, %dma_wait3A_215] : memref<128x256xf32, #tpu.memory_space<vmem>> -> memref<32x256xf32, #tpu.memory_space<vmem>>
    %dma_wait3A_217 = arith.constant 0 : i32
    %dma_wait3A_218 = tpu.memref_slice %arg6[%add3A_91, %dma_wait3A_217] : memref<4096x256xf32, #tpu.memory_space<hbm>> -> memref<32x256xf32, #tpu.memory_space<hbm>>
    %dma_wait3A_219 = arith.constant 0 : i32
    %dma_wait3A_220 = tpu.memref_slice %arg6[%add3A_91, %dma_wait3A_219] : memref<4096x256xf32, #tpu.memory_space<hbm>> -> memref<32x256xf32, #tpu.memory_space<hbm>>
    %dma_wait3A_221 = arith.constant 32 : i32
    %dma_wait3A_222 = arith.constant 0 : i32
    %dma_wait3A_223 = tpu.memref_slice %arg9[%dma_wait3A_221, %dma_wait3A_222] : memref<128x256xf32, #tpu.memory_space<vmem>> -> memref<32x256xf32, #tpu.memory_space<vmem>>
    tpu.wait_dma2 semaphore(%arg15 : memref<!tpu.dma_semaphore, #tpu.memory_space<semaphore_mem>>) src(%dma_wait3A_223 : memref<32x256xf32, #tpu.memory_space<vmem>>) dst(%dma_wait3A_220 : memref<32x256xf32, #tpu.memory_space<hbm>>)
    %dma_wait3A_224 = arith.constant 64 : i32
    %dma_wait3A_225 = arith.constant 0 : i32
    %dma_wait3A_226 = tpu.memref_slice %arg8[%dma_wait3A_224, %dma_wait3A_225] : memref<128x256xf32, #tpu.memory_space<vmem>> -> memref<32x256xf32, #tpu.memory_space<vmem>>
    %dma_wait3A_227 = arith.constant 0 : i32
    %dma_wait3A_228 = tpu.memref_slice %arg5[%add3A_127, %dma_wait3A_227] : memref<4096x256xf32, #tpu.memory_space<hbm>> -> memref<32x256xf32, #tpu.memory_space<hbm>>
    %dma_wait3A_229 = arith.constant 0 : i32
    %dma_wait3A_230 = tpu.memref_slice %arg5[%add3A_127, %dma_wait3A_229] : memref<4096x256xf32, #tpu.memory_space<hbm>> -> memref<32x256xf32, #tpu.memory_space<hbm>>
    %dma_wait3A_231 = arith.constant 64 : i32
    %dma_wait3A_232 = arith.constant 0 : i32
    %dma_wait3A_233 = tpu.memref_slice %arg8[%dma_wait3A_231, %dma_wait3A_232] : memref<128x256xf32, #tpu.memory_space<vmem>> -> memref<32x256xf32, #tpu.memory_space<vmem>>
    tpu.wait_dma2 semaphore(%arg15 : memref<!tpu.dma_semaphore, #tpu.memory_space<semaphore_mem>>) src(%dma_wait3A_233 : memref<32x256xf32, #tpu.memory_space<vmem>>) dst(%dma_wait3A_230 : memref<32x256xf32, #tpu.memory_space<hbm>>)
    %dma_wait3A_234 = arith.constant 64 : i32
    %dma_wait3A_235 = arith.constant 0 : i32
    %dma_wait3A_236 = tpu.memref_slice %arg9[%dma_wait3A_234, %dma_wait3A_235] : memref<128x256xf32, #tpu.memory_space<vmem>> -> memref<32x256xf32, #tpu.memory_space<vmem>>
    %dma_wait3A_237 = arith.constant 0 : i32
    %dma_wait3A_238 = tpu.memref_slice %arg6[%add3A_127, %dma_wait3A_237] : memref<4096x256xf32, #tpu.memory_space<hbm>> -> memref<32x256xf32, #tpu.memory_space<hbm>>
    %dma_wait3A_239 = arith.constant 0 : i32
    %dma_wait3A_240 = tpu.memref_slice %arg6[%add3A_127, %dma_wait3A_239] : memref<4096x256xf32, #tpu.memory_space<hbm>> -> memref<32x256xf32, #tpu.memory_space<hbm>>
    %dma_wait3A_241 = arith.constant 64 : i32
    %dma_wait3A_242 = arith.constant 0 : i32
    %dma_wait3A_243 = tpu.memref_slice %arg9[%dma_wait3A_241, %dma_wait3A_242] : memref<128x256xf32, #tpu.memory_space<vmem>> -> memref<32x256xf32, #tpu.memory_space<vmem>>
    tpu.wait_dma2 semaphore(%arg15 : memref<!tpu.dma_semaphore, #tpu.memory_space<semaphore_mem>>) src(%dma_wait3A_243 : memref<32x256xf32, #tpu.memory_space<vmem>>) dst(%dma_wait3A_240 : memref<32x256xf32, #tpu.memory_space<hbm>>)
    %dma_wait3A_244 = arith.constant 96 : i32
    %dma_wait3A_245 = arith.constant 0 : i32
    %dma_wait3A_246 = tpu.memref_slice %arg8[%dma_wait3A_244, %dma_wait3A_245] : memref<128x256xf32, #tpu.memory_space<vmem>> -> memref<32x256xf32, #tpu.memory_space<vmem>>
    %dma_wait3A_247 = arith.constant 0 : i32
    %dma_wait3A_248 = tpu.memref_slice %arg5[%add3A_163, %dma_wait3A_247] : memref<4096x256xf32, #tpu.memory_space<hbm>> -> memref<32x256xf32, #tpu.memory_space<hbm>>
    %dma_wait3A_249 = arith.constant 0 : i32
    %dma_wait3A_250 = tpu.memref_slice %arg5[%add3A_163, %dma_wait3A_249] : memref<4096x256xf32, #tpu.memory_space<hbm>> -> memref<32x256xf32, #tpu.memory_space<hbm>>
    %dma_wait3A_251 = arith.constant 96 : i32
    %dma_wait3A_252 = arith.constant 0 : i32
    %dma_wait3A_253 = tpu.memref_slice %arg8[%dma_wait3A_251, %dma_wait3A_252] : memref<128x256xf32, #tpu.memory_space<vmem>> -> memref<32x256xf32, #tpu.memory_space<vmem>>
    tpu.wait_dma2 semaphore(%arg15 : memref<!tpu.dma_semaphore, #tpu.memory_space<semaphore_mem>>) src(%dma_wait3A_253 : memref<32x256xf32, #tpu.memory_space<vmem>>) dst(%dma_wait3A_250 : memref<32x256xf32, #tpu.memory_space<hbm>>)
    %dma_wait3A_254 = arith.constant 96 : i32
    %dma_wait3A_255 = arith.constant 0 : i32
    %dma_wait3A_256 = tpu.memref_slice %arg9[%dma_wait3A_254, %dma_wait3A_255] : memref<128x256xf32, #tpu.memory_space<vmem>> -> memref<32x256xf32, #tpu.memory_space<vmem>>
    %dma_wait3A_257 = arith.constant 0 : i32
    %dma_wait3A_258 = tpu.memref_slice %arg6[%add3A_163, %dma_wait3A_257] : memref<4096x256xf32, #tpu.memory_space<hbm>> -> memref<32x256xf32, #tpu.memory_space<hbm>>
    %dma_wait3A_259 = arith.constant 0 : i32
    %dma_wait3A_260 = tpu.memref_slice %arg6[%add3A_163, %dma_wait3A_259] : memref<4096x256xf32, #tpu.memory_space<hbm>> -> memref<32x256xf32, #tpu.memory_space<hbm>>
    %dma_wait3A_261 = arith.constant 96 : i32
    %dma_wait3A_262 = arith.constant 0 : i32
    %dma_wait3A_263 = tpu.memref_slice %arg9[%dma_wait3A_261, %dma_wait3A_262] : memref<128x256xf32, #tpu.memory_space<vmem>> -> memref<32x256xf32, #tpu.memory_space<vmem>>
    tpu.wait_dma2 semaphore(%arg15 : memref<!tpu.dma_semaphore, #tpu.memory_space<semaphore_mem>>) src(%dma_wait3A_263 : memref<32x256xf32, #tpu.memory_space<vmem>>) dst(%dma_wait3A_260 : memref<32x256xf32, #tpu.memory_space<hbm>>)
    return
  }
}

module attributes {stable_mosaic.version = 14 : i64} {
  func.func @_argmin_onehot_body(%arg0: i32, %arg1: memref<256x256xf32, #tpu.memory_space<vmem>>, %arg2: memref<256x8192xf32, #tpu.memory_space<vmem>>, %arg3: memref<256x1xi32, #tpu.memory_space<vmem>>, %arg4: memref<256x8192xf32, #tpu.memory_space<vmem>>, %arg5: memref<1x8192xf32, #tpu.memory_space<vmem>>) attributes {dimension_semantics = [#tpu.dimension_semantics<arbitrary>], iteration_bounds = array<i64: 16>, scalar_prefetch = 0 : i64, scratch_operands = 1 : i64, tpu.core_type = #tpu.core_type<tc>, window_params = [{transform_indices = @transform_0, window_bounds = array<i64: 256, 256>}, {pipeline_mode = #tpu.pipeline_mode<synchronous>, transform_indices = @transform_1, window_bounds = array<i64: 256, 8192>}, {transform_indices = @transform_2, window_bounds = array<i64: 256, 1>}, {transform_indices = @transform_3, window_bounds = array<i64: 256, 8192>}]} {
    %eq3A = arith.constant 0 : i32
    %eq3A_0 = arith.cmpi eq, %arg0, %eq3A : i32
    %convert_element_type3A = arith.extui %eq3A_0 : i1 to i32
    %cond3A = arith.constant 0 : i32
    %cond3A_1 = arith.cmpi ne, %convert_element_type3A, %cond3A : i32
    scf.if %cond3A_1 {
      %get3A_37 = arith.constant 0 : index
      %get3A_38 = arith.constant 0 : index
      %get3A_39 = vector.load %arg2[%get3A_37, %get3A_38] : memref<256x8192xf32, #tpu.memory_space<vmem>>, vector<256x8192xf32>
      %mul3A_40 = arith.mulf %get3A_39, %get3A_39 : vector<256x8192xf32>
      %reduce_sum3A_41 = arith.constant dense<0.000000e+00> : vector<8192xf32>
      %reduce_sum3A_42 = vector.multi_reduction <add>, %mul3A_40, %reduce_sum3A_41 [0] : vector<256x8192xf32> to vector<8192xf32>
      %broadcast_in_dim3A_43 = vector.shape_cast %reduce_sum3A_42 : vector<8192xf32> to vector<1x8192xf32>
      %swap3A_44 = arith.constant 0 : index
      %swap3A_45 = arith.constant 0 : index
      %swap3A_46 = vector.load %arg5[%swap3A_44, %swap3A_45] : memref<1x8192xf32, #tpu.memory_space<vmem>>, vector<1x8192xf32>
      tpu.vector_store %arg5[%swap3A_44, %swap3A_45], %broadcast_in_dim3A_43 {strides = array<i32>} : memref<1x8192xf32, #tpu.memory_space<vmem>>, vector<1x8192xf32>,
    } else {
    }
    %get3A = arith.constant 0 : index
    %get3A_2 = arith.constant 0 : index
    %get3A_3 = vector.load %arg1[%get3A, %get3A_2] : memref<256x256xf32, #tpu.memory_space<vmem>>, vector<256x256xf32>
    %mul3A = arith.mulf %get3A_3, %get3A_3 : vector<256x256xf32>
    %reduce_sum3A = arith.constant dense<0.000000e+00> : vector<256xf32>
    %reduce_sum3A_4 = vector.multi_reduction <add>, %mul3A, %reduce_sum3A [1] : vector<256x256xf32> to vector<256xf32>
    %broadcast_in_dim3A = vector.shape_cast %reduce_sum3A_4 : vector<256xf32> to vector<256x1xf32>
    %mul3A_5 = arith.constant -2.000000e+00 : f32
    %mul3A_6 = vector.broadcast %mul3A_5 : f32 to vector<256x256xf32>
    %mul3A_7 = arith.mulf %get3A_3, %mul3A_6 : vector<256x256xf32>
    %get3A_8 = arith.constant 0 : index
    %get3A_9 = arith.constant 0 : index
    %get3A_10 = vector.load %arg2[%get3A_8, %get3A_9] : memref<256x8192xf32, #tpu.memory_space<vmem>>, vector<256x8192xf32>
    %dot_general3A = arith.constant dense<0.000000e+00> : vector<256x8192xf32>
    %dot_general3A_11 = tpu.matmul %mul3A_7, %get3A_10, %dot_general3A {dimension_numbers = #tpu.dot_dimension_numbers<[1], [0], [0], [1], [0, 0, 1, 1], [], []>, transpose_lhs_hint = false} : vector<256x256xf32>, vector<256x8192xf32>, vector<256x8192xf32> -> vector<256x8192xf32>
    %add3A = vector.broadcast %broadcast_in_dim3A : vector<256x1xf32> to vector<256x8192xf32>
    %add3A_12 = arith.addf %add3A, %dot_general3A_11 : vector<256x8192xf32>
    %get3A_13 = arith.constant 0 : index
    %get3A_14 = arith.constant 0 : index
    %get3A_15 = vector.load %arg5[%get3A_13, %get3A_14] : memref<1x8192xf32, #tpu.memory_space<vmem>>, vector<1x8192xf32>
    %add3A_16 = vector.broadcast %get3A_15 : vector<1x8192xf32> to vector<256x8192xf32>
    %add3A_17 = arith.addf %add3A_12, %add3A_16 : vector<256x8192xf32>
    %reduce_min3A = arith.constant dense<0x7F800000> : vector<256xf32>
    %reduce_min3A_18 = vector.multi_reduction <minimumf>, %add3A_17, %reduce_min3A [1] : vector<256x8192xf32> to vector<256xf32>
    %broadcast_in_dim3A_19 = vector.shape_cast %reduce_min3A_18 : vector<256xf32> to vector<256x1xf32>
    %iota3A = tpu.iota {dimensions = array<i32: 1>} : vector<256x8192xi32>
    %convert_element_type3A_20 = arith.sitofp %iota3A : vector<256x8192xi32> to vector<256x8192xf32>
    %eq3A_21 = vector.broadcast %broadcast_in_dim3A_19 : vector<256x1xf32> to vector<256x8192xf32>
    %eq3A_22 = arith.cmpf oeq, %add3A_17, %eq3A_21 : vector<256x8192xf32>
    %jit3A = arith.constant 8.192000e+03 : f32
    %broadcast_in_dim3A_23 = vector.broadcast %jit3A : f32 to vector<256x8192xf32>
    %select_n3A = arith.select %eq3A_22, %convert_element_type3A_20, %broadcast_in_dim3A_23 : vector<256x8192xi1>, vector<256x8192xf32>
    %reduce_min3A_24 = arith.constant dense<0x7F800000> : vector<256xf32>
    %reduce_min3A_25 = vector.multi_reduction <minimumf>, %select_n3A, %reduce_min3A_24 [1] : vector<256x8192xf32> to vector<256xf32>
    %broadcast_in_dim3A_26 = vector.shape_cast %reduce_min3A_25 : vector<256xf32> to vector<256x1xf32>
    %convert_element_type3A_27 = arith.fptosi %broadcast_in_dim3A_26 : vector<256x1xf32> to vector<256x1xi32>
    %swap3A = arith.constant 0 : index
    %swap3A_28 = arith.constant 0 : index
    %swap3A_29 = vector.load %arg3[%swap3A, %swap3A_28] : memref<256x1xi32, #tpu.memory_space<vmem>>, vector<256x1xi32>
    tpu.vector_store %arg3[%swap3A, %swap3A_28], %convert_element_type3A_27 {strides = array<i32>} : memref<256x1xi32, #tpu.memory_space<vmem>>, vector<256x1xi32>,
    %eq3A_30 = vector.broadcast %broadcast_in_dim3A_26 : vector<256x1xf32> to vector<256x8192xf32>
    %eq3A_31 = arith.cmpf oeq, %convert_element_type3A_20, %eq3A_30 : vector<256x8192xf32>
    %convert_element_type3A_32 = arith.extui %eq3A_31 : vector<256x8192xi1> to vector<256x8192xi32>
    %convert_element_type3A_33 = arith.sitofp %convert_element_type3A_32 : vector<256x8192xi32> to vector<256x8192xf32>
    %swap3A_34 = arith.constant 0 : index
    %swap3A_35 = arith.constant 0 : index
    %swap3A_36 = vector.load %arg4[%swap3A_34, %swap3A_35] : memref<256x8192xf32, #tpu.memory_space<vmem>>, vector<256x8192xf32>
    tpu.vector_store %arg4[%swap3A_34, %swap3A_35], %convert_element_type3A_33 {strides = array<i32>} : memref<256x8192xf32, #tpu.memory_space<vmem>>, vector<256x8192xf32>,
    return
  }
  func.func @transform_0(%arg0: i32) -> (i32, i32) {
    %c0_i32 = arith.constant 0 : i32
    %c0_i32_0 = arith.constant 0 : i32
    return %arg0, %c0_i32 : i32, i32
  }
  func.func @transform_1(%arg0: i32) -> (i32, i32) {
    %c0_i32 = arith.constant 0 : i32
    %c0_i32_0 = arith.constant 0 : i32
    %c0_i32_1 = arith.constant 0 : i32
    return %c0_i32, %c0_i32_0 : i32, i32
  }
  func.func @transform_2(%arg0: i32) -> (i32, i32) {
    %c0_i32 = arith.constant 0 : i32
    %c0_i32_0 = arith.constant 0 : i32
    return %arg0, %c0_i32 : i32, i32
  }
  func.func @transform_3(%arg0: i32) -> (i32, i32) {
    %c0_i32 = arith.constant 0 : i32
    %c0_i32_0 = arith.constant 0 : i32
    return %arg0, %c0_i32 : i32, i32
  }
}

</mosaic_0001>

<sc_bundles>
// kernel: kernel.4.cloned.1.call-start
scs
__scs_entry_jumppad:
0x0: {  	(pc) =	sbr.rel $0x88, $3  }
0x1: {  	(tag) =	ssettag $0x0;
	lr =	simm.s32 $0x1  }
0x2: {  	[smem:$0x3F9F] =	sst lr;
	_ =	strace $0xD0000000  }
0x3: {  	_ = 	snop  }
0x4: {  	_ = 	snop  }
0x5: {  	_ = 	snop  }
0x6: {  	_ = 	snop  }
0x7: {  	_ = 	snop  }
__scs_overlays_trampoline_lowered:
0x8: {  	[smem:$0x3FAE] =	sst s0  }
0x9: {  	[smem:$0x3FAF] =	sst s1  }
0xa: {  	[smem:$0x3FB0] =	sst s2  }
0xb: {  	[smem:$0x3FB1] =	sst s3  }
0xc: {  	[smem:$0x3FB2] =	sst s4  }
0xd: {  	[smem:$0x3FB3] =	sst s5  }
0xe: {  	[smem:$0x3FB4] =	sst s6  }
0xf: {  	[smem:$0x3FB5] =	sst s7  }
0x10: {  	[smem:$0x3FB6] =	sst s8  }
0x11: {  	[smem:$0x3FB7] =	sst s9;
	s0 =	simm.s32 @!p0 $0x0  }
0x12: {  	s1 =	sld [smem:$0x3F9D];
	s0 =	simm.s32 @p0 $0x1  }
0x13: {  	[smem:$0x3FB8] =	sst s0;
	s0 =	simm.s32 @!p1 $0x0  }
0x14: {  	s2 =	sld [smem:$0x3F9C];
	s0 =	simm.s32 @p1 $0x1  }
0x15: {  	[smem:$0x3FB9] =	sst s0;
	s0 =	simm.s32 @!p2 $0x0  }
0x16: {  	s3 =	sld [smem:$0x3FDB];
	s0 =	simm.s32 @p2 $0x1  }
0x17: {  	s4 =	simm.s32 $0x1BF5;
	[smem:$0x3FBB] =	sst s0  }
0x18: {  	s0 =	sld [smem:$0x3F9E];
	_ =	swait.ge [sflag:s4], $0x0  }
0x19: {  	s7 =	sld [smem:$0x3F9F]  }
0x1a: {  	s8 =	sadd.s32 $0xFFFFE003, lr  }
0x1b: {  	s9 =	sadd.s32 $0xFFFFFEF7, lr;
	s5 =	simm.s32 $0xFFFFFFFF;
	p2 =	slt.u32 s8, $0xFFFFF086  }
0x1c: {  	p1 =	slt.u32 s9, $0xF7A;
	s5 =	simm.s32 @!p2 $0x0  }
0x1d: {  	s5 =	simm.s32 @p1 $0x1;
	p0 =	seq.s32 s7, s2  }
0x1e: {  	s7 =	smul.u32 @!p0 $0xF7A, s2;
	p2 =	seq.s32 @!p0 s5, $0x0  }
0x1f: {  	s9 =	smul.u32 $0xF7A, s1;
	s8 =	simm.s32 @!p0 $0x1BF5;
	p2 =	por !p2, p0  }
0x20: {  	[sflag:s8] =	ssyncset.s32 @!p0 $0xFFFFF086;
	s6 =	sadd.s32 @!p0 s3, s7;
	s7 =	simm.s32 @!p0 $0x108  }
0x21: {  	s3 =	sadd.s32 s3, s9;
	s6 =	sadd.s32 @!p0 $0x88, s6;
	s7 =	simm.s32 @p2 $0x1082  }
0x22: {  	[simem:s7], [sflag:s8] =	dma.local @!p0 [hbm:s6], $0xF7A  }
0x23: {  	s9 =	sor.u32 $0xD0000000, s2;
	s6 =	simm.s32 $0x108;
	_ =	swait.ge @!p0 [sflag:s8], $0x0  }
0x24: {  	s3 =	sadd.s32 $0x88, s3;
	s6 =	simm.s32 @!p1 $0x1082;
	[sflag:s4] =	ssyncset.s32 $0xFFFFF086  }
0x25: {  	[simem:s6], [sflag:s4] =	dma.local [hbm:s3], $0xF7A  }
0x26: {  	[smem:$0x3F9F] =	sst s1;
	(tag) =	ssettag s2;
	_ =	strace s9  }
0x27: {  	s1 =	sld [smem:$0x3FAF]  }
0x28: {  	s2 =	sld [smem:$0x3FB0]  }
0x29: {  	s4 =	sld [smem:$0x3FB2]  }
0x2a: {  	p0 =	seq.s32 s5, $0x0;
	s5 =	sld [smem:$0x3FB3]  }
0x2b: {  	s6 =	sld [smem:$0x3FB4]  }
0x2c: {  	s7 =	sld [smem:$0x3FB5]  }
0x2d: {  	s3 =	simm.s32 $0x108;
	s8 =	sld [smem:$0x3FB6]  }
0x2e: {  	s3 =	simm.s32 @!p0 $0x1082;
	s9 =	sld [smem:$0x3FB7]  }
0x2f: {  	lr =	sadd.s32 s0, s3;
	s0 =	sld [smem:$0x3FAE]  }
0x30: {  	s3 =	sld [smem:$0x3FB1]  }
0x31: {  	[smem:$0x3FBA] =	sst s10  }
0x32: {  	s10 =	sld [smem:$0x3FB8];
	_ =	sdelay $0x3  }
0x33: {  	p0 =	seq.s32 s10, $0x1;
	s10 =	sld [smem:$0x3FBA];
	_ =	sdelay $0x3  }
0x34: {  	[smem:$0x3FBA] =	sst s10  }
0x35: {  	s10 =	sld [smem:$0x3FB9];
	_ =	sdelay $0x3  }
0x36: {  	p1 =	seq.s32 s10, $0x1;
	s10 =	sld [smem:$0x3FBA];
	_ =	sdelay $0x3  }
0x37: {  	[smem:$0x3FBA] =	sst s10  }
0x38: {  	s10 =	sld [smem:$0x3FBB]  }
0x39: {  	_ = 	snop;
	(pc) =	sbr.ind lr, $3  }
0x3a: {  	_ = 	snop  }
0x3b: {  	_ = 	snop  }
0x3c: {  	p2 =	seq.s32 s10, $0x1;
	s10 =	sld [smem:$0x3FBA]  }
0x3d: {  	_ =	shalt  }
0x3e: {  	_ =	shalt  }
0x3f: {  	_ =	shalt  }
0x40: {  	_ =	shalt  }
0x41: {  	_ =	shalt  }
0x42: {  	_ =	shalt  }
0x43: {  	_ =	shalt  }
0x44: {  	_ =	shalt  }
0x45: {  	_ =	shalt  }
0x46: {  	_ =	shalt  }
0x47: {  	_ =	shalt  }
0x48: {  	_ =	shalt  }
0x49: {  	_ =	shalt  }
0x4a: {  	_ =	shalt  }
0x4b: {  	_ =	shalt  }
0x4c: {  	_ =	shalt  }
0x4d: {  	_ =	shalt  }
0x4e: {  	_ =	shalt  }
0x4f: {  	_ =	shalt  }
0x50: {  	_ =	shalt  }
0x51: {  	_ =	shalt  }
0x52: {  	_ =	shalt  }
0x53: {  	_ =	shalt  }
0x54: {  	_ =	shalt  }
0x55: {  	_ =	shalt  }
0x56: {  	_ =	shalt  }
0x57: {  	_ =	shalt  }
0x58: {  	_ =	shalt  }
0x59: {  	_ =	shalt  }
0x5a: {  	_ =	shalt  }
0x5b: {  	_ =	shalt  }
0x5c: {  	_ =	shalt  }
0x5d: {  	_ =	shalt  }
0x5e: {  	_ =	shalt  }
0x5f: {  	_ =	shalt  }
0x60: {  	_ =	shalt  }
0x61: {  	_ =	shalt  }
0x62: {  	_ =	shalt  }
0x63: {  	_ =	shalt  }
0x64: {  	_ =	shalt  }
0x65: {  	_ =	shalt  }
0x66: {  	_ =	shalt  }
0x67: {  	_ =	shalt  }
0x68: {  	_ =	shalt  }
0x69: {  	_ =	shalt  }
0x6a: {  	_ =	shalt  }
0x6b: {  	_ =	shalt  }
0x6c: {  	_ =	shalt  }
0x6d: {  	_ =	shalt  }
0x6e: {  	_ =	shalt  }
0x6f: {  	_ =	shalt  }
0x70: {  	_ =	shalt  }
0x71: {  	_ =	shalt  }
0x72: {  	_ =	shalt  }
0x73: {  	_ =	shalt  }
0x74: {  	_ =	shalt  }
0x75: {  	_ =	shalt  }
0x76: {  	_ =	shalt  }
0x77: {  	_ =	shalt  }
0x78: {  	_ =	shalt  }
0x79: {  	_ =	shalt  }
0x7a: {  	_ =	shalt  }
0x7b: {  	_ =	shalt  }
0x7c: {  	_ =	shalt  }
0x7d: {  	_ =	shalt  }
0x7e: {  	_ =	shalt  }
0x7f: {  	_ =	shalt  }
0x80: {  	_ =	shalt  }
0x81: {  	_ =	shalt  }
0x82: {  	_ =	shalt  }
0x83: {  	_ =	shalt  }
0x84: {  	_ =	shalt  }
0x85: {  	_ =	shalt  }
0x86: {  	_ =	shalt  }
0x87: {  	_ =	shalt  }
.Lfunc_end0:
.L_simem_size_0:
called_computation_lowered:
.L_overlay_start_0:
0x88: {  	s2 =	sld [smem:$0x3FD9]  }
0x89: {  	s3 =	sld [smem:$0x3FFE];
	_ =	sdelay $0x1  }
0x8a: {  	s1 =	srdreg.scid  }
0x8b: {  	s0 =	sand.u32 $0x1, s1  }
0x8c: {  	s14 =	sshll.u32 s0, $0xA;
	s2 =	sadd.s32 s3, s2  }
0x8d: {  	s2 =	sadd.s32 s2, s14  }
0x8e: {  	[smem:$0x3FC6] =	sst s2  }
0x8f: {  	_ = 	snop  }
0x90: {  	s2 =	sld [smem:$0x3FD0];
	_ =	sdelay $0x2  }
0x91: {  	s4 =	simm.s32 $0xA;
	s5 =	simm.s32 $0x10;
	s15 =	sld [smem:$0x3FC9]  }
0x92: {  	[smem:s5], [sflag:s4] =	dma.local [hbm:s2], $0x1  }
0x93: {  	_ =	swait.eq [sflag:s4], $0x1  }
0x94: {  	[sflag:s4] =	ssyncset.done $0x0  }
0x95: {  	s16 =	sld [smem:$0x10];
	[sflag:s4] =	ssyncadd.s32 $0xFFFFFFFF  }
0x96: {  	s17 =	sld [smem:$0x13];
	(tm) =	ssettm $0x1  }
0x97: {  	s18 =	sld [smem:$0x3FFB];
	_ =	sdelay $0x3  }
0x98: {  	_ =	strace s18  }
0x99: {  	s5 =	sld [smem:$0x3FFC];
	_ =	sdelay $0x3  }
0x9a: {  	_ =	strace s5  }
0x9b: {  	s5 =	sld [smem:$0x3FFD];
	_ =	sdelay $0x3  }
0x9c: {  	_ =	strace s5  }
0x9d: {  	_ =	strace $0x8FFFFFFF  }
0x9e: {  	s19 =	sld [smem:$0x3FDB];
	_ =	sdelay $0x1  }
0x9f: {  	s6 =	simm.s32 $_scs_section_size  }
0xa0: {  	s7 =	simm.s32 $_size__tile_overlayer_lowered;
	s8 =	simm.s32 $_tile_overlayer_lowered  }
0xa1: {  	s22 =	simm.s32 $0x1BFF;
	s21 =	sshll.u32 s8, $0x1;
	s5 =	sadd.s32 s6, s19  }
0xa2: {  	s9 =	simm.s32 $0x0;
	s20 =	sshll.u32 s7, $0x1;
	s7 =	sadd.s32 s21, s5  }
0xa3: {  	[timem:s9], [sflag:s22] =	dma.local [hbm:s7], s20  }
0xa4: {  	_ =	swait.ge [sflag:s22], s20  }
0xa5: {  	s6 =	ssub.s32 $0x0, s20;
	[sflag:s22] =	ssyncset.done $0x0  }
0xa6: {  	[sflag:s22] =	ssyncadd.s32 s6;
	_ =	sdelay $0x1  }
0xa7: {  	s23 =	simm.s32 $0x1B8B  }
0xa8: {  	_ =	swait.ge [sflag:s23], $0x1  }
0xa9: {  	[sflag:s23] =	ssyncset.done $0x0  }
0xaa: {  	s25 =	simm.s32 $0x1B8E;
	s24 =	sld [smem:$0x3FFE];
	[sflag:s23] =	ssyncadd.s32 $0xFFFFFFFF  }
0xab: {  	s26 =	simm.s32 $execute0_lowered;
	[smem:$0x3FD2] =	sst s25  }
0xac: {  	s7 =	sshll.u32 s26, $0x1;
	_ =	strace $0x80000046;
	[dreg:$0x1] =	wrdreg $0xFFFFFFFF  }
0xad: {  	s28 =	simm.s32 $_size_execute0_lowered;
	s5 =	sadd.s32 s5, s7;
	[dreg:$0x0] =	wrdreg $0x0  }
0xae: {  	s7 =	sshll.u32 s28, $0x1;
	[dreg:$0x2] =	wrdreg s5  }
0xaf: {  	[dreg:$0x3] =	wrdreg s7  }
0xb0: {  	[dreg:$0x4] =	wrdreg $0xC0  }
0xb1: {  	_ =	task [dreg:s9], $0x5FFFF  }
0xb2: {  	[dreg:$0x1] =	wrdreg $0xFFFFFFFF  }
0xb3: {  	[dreg:$0x0] =	wrdreg $0x60  }
0xb4: {  	[dreg:$0x2] =	wrdreg s24  }
0xb5: {  	[dreg:$0x3] =	wrdreg s15  }
0xb6: {  	[dreg:$0x4] =	wrdreg s16  }
0xb7: {  	[dreg:$0x5] =	wrdreg s17  }
0xb8: {  	[dreg:$0x6] =	wrdreg $0x9  }
0xb9: {  	_ =	task.clear_ibuf [dreg:s9], $0x7FFFF;
	_ =	strace $0x90000046  }
0xba: {  	s29 =	simm.s32 $0x9;
	_ =	strace $0x80000048  }
0xbb: {  	_ =	swait.ge [sflag:s29], $0x1  }
0xbc: {  	[sflag:s29] =	ssyncadd.s32 $0xFFFFFFFF  }
0xbd: {  	_ =	strace $0x90000048  }
0xbe: {  	_ =	sfence  }
0xbf: {  	s30 =	sld [smem:$0x0];
	_ =	sdelay $0x2  }
0xc0: {  	s31 =	sshll.u32 s1, $0xD;
	s1 =	sshrl.u32 s1, $0x2  }
0xc1: {  	s3 =	sand.u32 $0x4000, s31;
	s1 =	sadd.s32 s1, s30  }
0xc2: {  	s0 =	sor.u32 s3, s0;
	s1 =	sshll.u32 s1, $0x11  }
0xc3: {  	s0 =	sor.u32 s1, s0  }
0xc4: {  	s0 =	sadd.s32 $0x8F2B, s0  }
0xc5: {  	[sflag:s0] =	ssyncadd.remote.s32 $0x1  }
0xc6: {  	_ =	sfence.sel $0xFFFF  }
0xc7: {  	[dreg:$0x0] =	wrdreg $0xFFFFFFFF;
	(pc) =	sbr.abs _section_cstart, $3  }
0xc8: {  	[dreg:$0x1] =	wrdreg $0xFFFFFFFF  }
0xc9: {  	_ =	task.clear_ibuf [dreg:s9], $0x2FFFF;
	_ =	strace $0x9FFFFFFF  }
0xca: {  	(tm) =	ssettm $0x7FFFFFFF  }
0xcb: {  	_ =	shalt  }
tec
execute0_lowered:
.L_overlay_start_1:
0x0: {  	(tag) =	ssettag $0x1  }
0x1: {  	s0 =	rddreg [dreg:$0x0]  }
0x2: {  	s1 =	rddreg [dreg:$0x1]  }
0x3: {  	s12 =	rddreg [dreg:$0x2]  }
0x4: {  	s13 =	rddreg [dreg:$0x3]  }
0x5: {  	s3 =	srdreg.scid;
	s2 =	simm.s32 $0x0;
	s4 =	stileid.u32  }
0x6: {  	s15 =	simm.s32 $0x7;
	s17 =	simm.s32 $0x80;
	s21 =	simm.s32 $0x2080  }
0x7: {  	s30 =	simm.s32 $0x6080;
	s18 =	simm.s32 $0x5;
	s19 =	simm.s32 $0x1  }
0x8: {  	s20 =	simm.s32 $0x2;
	s23 =	simm.s32 $0x3;
	s29 =	simm.s32 $0x6  }
0x9: {  	s31 =	simm.s32 $0x0;
	s3 =	sand.u32 $0x1, s3;
	[smem:$0x7FF] =	sst s2  }
0xa: {  	s4 =	sshll.u32 s4, $0x8;
	s5 =	sshll.u32 s3, $0x7;
	_ =	strace $0x80000047  }
0xb: {  	s24 =	ssub.s32 $0x2, s3;
	s3 =	sadd.s32 $0xA00, s0;
	s4 =	sor.u32 s5, s4  }
0xc: {  	s7 =	sshrl.u32 s24, $0x1;
	s6 =	sshrl.u32 s4, $0x3;
	s10 =	sshll.u32 s4, $0x5  }
0xd: {  	s14 =	ssub.s32 s24, s7;
	s0 =	sadd.s32 s6, s0;
	s5 =	sadd.s32 s1, s10  }
0xe: {  	s25 =	sor.u32 $0x400, s10;
	s6 =	sadd.s32 s12, s10;
	s7 =	sadd.s32 s13, s10  }
0xf: {  	s26 =	sor.u32 $0x800, s10;
	s28 =	sor.u32 $0xC00, s10;
	s14 =	smax.u32 s14, $0x1  }
0x10: {  	v2 =	vlaneseq.u32;
	s4 =	sadd.s32 $0x40A00, s0;
	s8 =	sadd.s32 s12, s25;
	s9 =	sadd.s32 s13, s25  }
0x11: {  	vm0 =	vmmov $0xffff;
	v1 =	vshrl.u32 v2, $0x3;
	s10 =	sadd.s32 s12, s26;
	s11 =	sadd.s32 s13, s26;
	s12 =	sadd.s32 s12, s28  }
0x12: {  	v0 =	vand.u32 $0x7, v2;
	v2 =	vor.u32 $0x8, v2;
	v1 =	vmul.u32 $0x8, v1;
	s13 =	sadd.s32 s13, s28;
	s25 =	simm.s32 $0x4080;
	s26 =	simm.s32 $0x4  }
.LBB2_1:
0x13: {  	[tilespmem:s2], [sflag:$0x7] =	stream.linear.gather [hbm4b:s4+s2], $0x80, $0x38;
	[tilespmem:$0x10080] =	vst v63  }
0x14: {  	_ =	swait.ge [sflag:s15], $0x80  }
0x15: {  	[sflag:s15] =	ssyncset.done $0x0  }
0x16: {  	s0 =	simm.s32 $0x8080;
	[sflag:s15] =	ssyncadd.s32 $0xFFFFFF80  }
0x17: {  	[tilespmem:s0], [sflag:$0x5] =	stream.linear.gather [hbm4b:s5+s2], $0x8000, $0x38;
	[tilespmem:$0x10080] =	vst v63  }
0x18: {  	v3 =	vld [tilespmem:$0x0];
	_ =	sdelay $0x4  }
0x19: {  	v4 =	vshll.u32 v3, $0x1  }
0x1a: {  	v3 =	vand.u32 $0x7, v3;
	v4 =	vand.u32 $0xFFFFFFF0, v4  }
0x1b: {  	v3 =	vor.u32 v3, v4  }
0x1c: {  	v4 =	vperm.xlane v3, v0;
	_ =	sdelay $0x1  }
0x1d: {  	v3 =	vperm.xlane v3, v2;
	v4 =	vadd.s32 v1, v4;
	_ =	sdelay $0x1  }
0x1e: {  	v3 =	vadd.s32 v1, v3;
	_ =	sdelay $0x2  }
0x1f: {  	[tilespmem:s17], [sflag:$0x1] =	stream.indirect_vreg.gather [hbm4b:s3+s2], $0x80, v4, vm0, $0xb8;
	[tilespmem:$0x10080] =	vst v63  }
0x20: {  	s22 =	simm.s32 $0x880  }
0x21: {  	[tilespmem:s22], [sflag:$0x1] =	stream.indirect_vreg.gather [hbm4b:s3+s2], $0x80, v3, vm0, $0xb8;
	[tilespmem:$0x10080] =	vst v63  }
0x22: {  	v3 =	vld [tilespmem:$0x10];
	_ =	sdelay $0x4  }
0x23: {  	v4 =	vshll.u32 v3, $0x1  }
0x24: {  	v3 =	vand.u32 $0x7, v3;
	v4 =	vand.u32 $0xFFFFFFF0, v4  }
0x25: {  	v3 =	vor.u32 v3, v4  }
0x26: {  	v4 =	vperm.xlane v3, v0;
	_ =	sdelay $0x1  }
0x27: {  	v3 =	vperm.xlane v3, v2;
	v4 =	vadd.s32 v1, v4;
	_ =	sdelay $0x1  }
0x28: {  	v3 =	vadd.s32 v1, v3;
	_ =	sdelay $0x1  }
0x29: {  	s24 =	simm.s32 $0x1080  }
0x2a: {  	[tilespmem:s24], [sflag:$0x1] =	stream.indirect_vreg.gather [hbm4b:s3+s2], $0x80, v4, vm0, $0xb8;
	[tilespmem:$0x10080] =	vst v63  }
0x2b: {  	s28 =	simm.s32 $0x1880  }
0x2c: {  	[tilespmem:s28], [sflag:$0x1] =	stream.indirect_vreg.gather [hbm4b:s3+s2], $0x80, v3, vm0, $0xb8;
	[tilespmem:$0x10080] =	vst v63  }
0x2d: {  	v3 =	vld [tilespmem:$0x20];
	_ =	sdelay $0x4  }
0x2e: {  	v4 =	vshll.u32 v3, $0x1  }
0x2f: {  	v3 =	vand.u32 $0x7, v3;
	v4 =	vand.u32 $0xFFFFFFF0, v4  }
0x30: {  	v3 =	vor.u32 v3, v4  }
0x31: {  	v4 =	vperm.xlane v3, v0;
	_ =	sdelay $0x1  }
0x32: {  	v3 =	vperm.xlane v3, v2;
	v4 =	vadd.s32 v1, v4;
	_ =	sdelay $0x1  }
0x33: {  	v3 =	vadd.s32 v1, v3;
	_ =	sdelay $0x2  }
0x34: {  	[tilespmem:s21], [sflag:$0x2] =	stream.indirect_vreg.gather [hbm4b:s3+s2], $0x80, v4, vm0, $0xb8;
	[tilespmem:$0x10080] =	vst v63  }
0x35: {  	s1 =	simm.s32 $0x2880  }
0x36: {  	[tilespmem:s1], [sflag:$0x2] =	stream.indirect_vreg.gather [hbm4b:s3+s2], $0x80, v3, vm0, $0xb8;
	[tilespmem:$0x10080] =	vst v63  }
0x37: {  	v3 =	vld [tilespmem:$0x30];
	_ =	sdelay $0x4  }
0x38: {  	v4 =	vshll.u32 v3, $0x1  }
0x39: {  	v3 =	vand.u32 $0x7, v3;
	v4 =	vand.u32 $0xFFFFFFF0, v4  }
0x3a: {  	v3 =	vor.u32 v3, v4  }
0x3b: {  	v4 =	vperm.xlane v3, v0;
	_ =	sdelay $0x1  }
0x3c: {  	v3 =	vperm.xlane v3, v2;
	v4 =	vadd.s32 v1, v4;
	_ =	sdelay $0x1  }
0x3d: {  	v3 =	vadd.s32 v1, v3;
	_ =	sdelay $0x1  }
0x3e: {  	s16 =	simm.s32 $0x3080  }
0x3f: {  	[tilespmem:s16], [sflag:$0x2] =	stream.indirect_vreg.gather [hbm4b:s3+s2], $0x80, v4, vm0, $0xb8;
	[tilespmem:$0x10080] =	vst v63  }
0x40: {  	s22 =	simm.s32 $0x3880  }
0x41: {  	[tilespmem:s22], [sflag:$0x2] =	stream.indirect_vreg.gather [hbm4b:s3+s2], $0x80, v3, vm0, $0xb8;
	[tilespmem:$0x10080] =	vst v63  }
0x42: {  	v3 =	vld [tilespmem:$0x40];
	_ =	sdelay $0x4  }
0x43: {  	v4 =	vshll.u32 v3, $0x1  }
0x44: {  	v3 =	vand.u32 $0x7, v3;
	v4 =	vand.u32 $0xFFFFFFF0, v4  }
0x45: {  	v3 =	vor.u32 v3, v4  }
0x46: {  	v4 =	vperm.xlane v3, v0;
	_ =	sdelay $0x1  }
0x47: {  	v3 =	vperm.xlane v3, v2;
	v4 =	vadd.s32 v1, v4;
	_ =	sdelay $0x1  }
0x48: {  	v3 =	vadd.s32 v1, v3;
	_ =	sdelay $0x2  }
0x49: {  	[tilespmem:s25], [sflag:$0x3] =	stream.indirect_vreg.gather [hbm4b:s3+s2], $0x80, v4, vm0, $0xb8;
	[tilespmem:$0x10080] =	vst v63  }
0x4a: {  	s24 =	simm.s32 $0x4880  }
0x4b: {  	[tilespmem:s24], [sflag:$0x3] =	stream.indirect_vreg.gather [hbm4b:s3+s2], $0x80, v3, vm0, $0xb8;
	[tilespmem:$0x10080] =	vst v63  }
0x4c: {  	v3 =	vld [tilespmem:$0x50];
	_ =	sdelay $0x4  }
0x4d: {  	v4 =	vshll.u32 v3, $0x1  }
0x4e: {  	v3 =	vand.u32 $0x7, v3;
	v4 =	vand.u32 $0xFFFFFFF0, v4  }
0x4f: {  	v3 =	vor.u32 v3, v4  }
0x50: {  	v4 =	vperm.xlane v3, v0;
	_ =	sdelay $0x1  }
0x51: {  	v3 =	vperm.xlane v3, v2;
	v4 =	vadd.s32 v1, v4;
	_ =	sdelay $0x1  }
0x52: {  	v3 =	vadd.s32 v1, v3;
	_ =	sdelay $0x1  }
0x53: {  	s28 =	simm.s32 $0x5080  }
0x54: {  	[tilespmem:s28], [sflag:$0x3] =	stream.indirect_vreg.gather [hbm4b:s3+s2], $0x80, v4, vm0, $0xb8;
	[tilespmem:$0x10080] =	vst v63  }
0x55: {  	s1 =	simm.s32 $0x5880  }
0x56: {  	[tilespmem:s1], [sflag:$0x3] =	stream.indirect_vreg.gather [hbm4b:s3+s2], $0x80, v3, vm0, $0xb8;
	[tilespmem:$0x10080] =	vst v63  }
0x57: {  	v3 =	vld [tilespmem:$0x60];
	_ =	sdelay $0x4  }
0x58: {  	v4 =	vshll.u32 v3, $0x1  }
0x59: {  	v3 =	vand.u32 $0x7, v3;
	v4 =	vand.u32 $0xFFFFFFF0, v4  }
0x5a: {  	v3 =	vor.u32 v3, v4  }
0x5b: {  	v4 =	vperm.xlane v3, v0;
	_ =	sdelay $0x1  }
0x5c: {  	v3 =	vperm.xlane v3, v2;
	v4 =	vadd.s32 v1, v4;
	_ =	sdelay $0x1  }
0x5d: {  	v3 =	vadd.s32 v1, v3;
	_ =	sdelay $0x2  }
0x5e: {  	[tilespmem:s30], [sflag:$0x4] =	stream.indirect_vreg.gather [hbm4b:s3+s2], $0x80, v4, vm0, $0xb8;
	[tilespmem:$0x10080] =	vst v63  }
0x5f: {  	s16 =	simm.s32 $0x6880  }
0x60: {  	[tilespmem:s16], [sflag:$0x4] =	stream.indirect_vreg.gather [hbm4b:s3+s2], $0x80, v3, vm0, $0xb8;
	[tilespmem:$0x10080] =	vst v63  }
0x61: {  	v3 =	vld [tilespmem:$0x70];
	_ =	sdelay $0x4  }
0x62: {  	v4 =	vshll.u32 v3, $0x1  }
0x63: {  	v3 =	vand.u32 $0x7, v3;
	v4 =	vand.u32 $0xFFFFFFF0, v4  }
0x64: {  	v3 =	vor.u32 v3, v4  }
0x65: {  	v4 =	vperm.xlane v3, v0;
	_ =	sdelay $0x1  }
0x66: {  	v3 =	vperm.xlane v3, v2;
	v4 =	vadd.s32 v1, v4;
	_ =	sdelay $0x1  }
0x67: {  	v3 =	vadd.s32 v1, v3;
	_ =	sdelay $0x1  }
0x68: {  	s22 =	simm.s32 $0x7080  }
0x69: {  	[tilespmem:s22], [sflag:$0x4] =	stream.indirect_vreg.gather [hbm4b:s3+s2], $0x80, v4, vm0, $0xb8;
	[tilespmem:$0x10080] =	vst v63  }
0x6a: {  	s24 =	simm.s32 $0x7880  }
0x6b: {  	[tilespmem:s24], [sflag:$0x4] =	stream.indirect_vreg.gather [hbm4b:s3+s2], $0x80, v3, vm0, $0xb8;
	[tilespmem:$0x10080] =	vst v63  }
0x6c: {  	_ =	swait.ge [sflag:s18], $0x8000  }
0x6d: {  	[sflag:s18] =	ssyncset.done $0x0  }
0x6e: {  	[sflag:s18] =	ssyncadd.s32 $0xFFFF8000  }
0x6f: {  	_ =	swait.ge [sflag:s19], $0x2000  }
0x70: {  	s28 =	sand.u32 $0x1800, s2;
	s1 =	sand.u32 $0x380, s2;
	[sflag:s19] =	ssyncset.done $0x0  }
0x71: {  	s0 =	sor.u32 s1, s28;
	[sflag:s19] =	ssyncadd.s32 $0xFFFFE000  }
0x72: {  	v6 =	vld [tilespmem:s0+$0x80F0]  }
0x73: {  	v5 =	vld [tilespmem:s0+$0x84F0]  }
0x74: {  	v7 =	vld [tilespmem:s0+$0x84C0]  }
0x75: {  	v8 =	vld [tilespmem:s0+$0x84B0]  }
0x76: {  	v9 =	vld [tilespmem:s0+$0x4C0]  }
0x77: {  	v10 =	vld [tilespmem:s0+$0x84E0]  }
0x78: {  	v4 =	vld [tilespmem:s0+$0x4B0]  }
0x79: {  	v11 =	vld [tilespmem:s0+$0x4F0]  }
0x7a: {  	v12 =	vld [tilespmem:s0+$0x8480]  }
0x7b: {  	v13 =	vld [tilespmem:s0+$0x4E0]  }
0x7c: {  	v14 =	vld [tilespmem:s0+$0x480]  }
0x7d: {  	v3 =	vld [tilespmem:s0+$0x80C0]  }
0x7e: {  	v15 =	vld [tilespmem:s0+$0x490]  }
0x7f: {  	v19 =	vld [tilespmem:s0+$0x8490];
	v16 =	vsub.f32 v4, v8  }
0x80: {  	v17 =	vld [tilespmem:s0+$0xF0];
	v13 =	vsub.f32 v13, v10  }
0x81: {  	v20 =	vld [tilespmem:s0+$0x80E0];
	v11 =	vsub.f32 v11, v5;
	v8 =	vadd.f32 v16, v8  }
0x82: {  	v63 =	vld [tilespmem:s0+$0x80B0];
	v18 =	vmul.f32 v13, v13  }
0x83: {  	v22 =	vld [tilespmem:s0+$0xA0];
	v9 =	vsub.f32 v9, v7;
	v21 =	vadd.f32 v11, v5;
	[tilespmem:s0+$0x4B0] =	vst v8  }
0x84: {  	v4 =	vld [tilespmem:s0+$0xD0];
	v10 =	vadd.f32 v13, v10;
	[tilespmem:s0+$0x84E0] =	vst v18  }
0x85: {  	v5 =	vld [tilespmem:s0+$0x84A0];
	v13 =	vmul.f32 v9, v9;
	[tilespmem:s0+$0x4F0] =	vst v21  }
0x86: {  	v7 =	vadd.f32 v9, v7;
	v8 =	vld [tilespmem:s0+$0xE0];
	[tilespmem:s0+$0x4E0] =	vst v10  }
0x87: {  	v16 =	vmul.f32 v16, v16;
	v18 =	vld [tilespmem:s0+$0x4A0];
	[tilespmem:s0+$0x84C0] =	vst v13;
	v10 =	vmul.f32 v11, v11;
	v11 =	vsub.f32 v17, v6  }
0x88: {  	v13 =	vld [tilespmem:s0+$0xB0];
	[tilespmem:s0+$0x4C0] =	vst v7  }
0x89: {  	v9 =	vld [tilespmem:s0+$0x80A0];
	v7 =	vsub.f32 v14, v12;
	[tilespmem:s0+$0x84B0] =	vst v16;
	v6 =	vadd.f32 v11, v6  }
0x8a: {  	v16 =	vld [tilespmem:s0+$0x90];
	[tilespmem:s0+$0x84F0] =	vst v10;
	v11 =	vmul.f32 v11, v11  }
0x8b: {  	v10 =	vld [tilespmem:s0+$0x8090];
	v14 =	vadd.f32 v7, v12;
	[tilespmem:s0+$0xF0] =	vst v6;
	v8 =	vsub.f32 v8, v20  }
0x8c: {  	v7 =	vmul.f32 v7, v7;
	v12 =	vld [tilespmem:s0+$0x4D0];
	[tilespmem:s0+$0x80F0] =	vst v11;
	v11 =	vsub.f32 v15, v19  }
0x8d: {  	[tilespmem:s0+$0x480] =	vst v14;
	v14 =	vld [tilespmem:s0+$0xC0];
	v6 =	vsub.f32 v18, v5;
	v18 =	vsub.f32 v13, v63;
	v23 =	vmul.f32 v8, v8  }
0x8e: {  	[tilespmem:s0+$0x8480] =	vst v7;
	v7 =	vmul.f32 v11, v11;
	v17 =	vadd.f32 v8, v20;
	v8 =	vadd.f32 v11, v19;
	v11 =	vld [tilespmem:s0+$0x84D0]  }
0x8f: {  	s1 =	simm.s32 $0x80;
	s22 =	simm.s32 $0x100;
	v15 =	vsub.f32 v22, v9;
	v13 =	vld [tilespmem:s0+$0x80D0];
	v19 =	vadd.f32 v18, v63;
	[tilespmem:s0+$0x80E0] =	vst v23  }
.LBB2_2:
0x90: {  	s28 =	smov.u32 s22  }
0x91: {  	s24 =	sand.u32 $0x1800, s22;
	s16 =	sand.u32 $0x380, s1;
	v20 =	vld [tilespmem:s0+$0x8080];
	v16 =	vsub.f32 v16, v10;
	v18 =	vmul.f32 v18, v18;
	[tilespmem:s0+$0xE0] =	vst v17;
	v5 =	vadd.f32 v6, v5;
	s28 =	sadd.s32 $0x100, s22  }
0x92: {  	p0 =	sne.s32 s22, $0x1F00;
	v9 =	vadd.f32 v15, v9;
	s24 =	sor.u32 s16, s24;
	v17 =	vld [tilespmem:s0+$0x80];
	[tilespmem:s0+$0xB0] =	vst v19  }
0x93: {  	v10 =	vadd.f32 v16, v10;
	v12 =	vsub.f32 v12, v11;
	v19 =	vld [tilespmem:s24+$0x80F0];
	[tilespmem:s0+$0x80B0] =	vst v18  }
0x94: {  	v16 =	vmul.f32 v16, v16;
	v18 =	vld [tilespmem:s24+$0x84F0];
	[tilespmem:s0+$0xA0] =	vst v9;
	v9 =	vsub.f32 v14, v3  }
0x95: {  	v4 =	vsub.f32 v4, v13;
	v11 =	vadd.f32 v12, v11;
	v14 =	vld [tilespmem:s24+$0x84C0];
	[tilespmem:s0+$0x90] =	vst v10;
	v10 =	vmul.f32 v15, v15  }
0x96: {  	v15 =	vld [tilespmem:s24+$0x84B0];
	[tilespmem:s0+$0x8090] =	vst v16;
	v3 =	vadd.f32 v9, v3;
	v9 =	vmul.f32 v9, v9  }
0x97: {  	v12 =	vmul.f32 v12, v12;
	v16 =	vld [tilespmem:s24+$0x4C0];
	v17 =	vsub.f32 v17, v20;
	[tilespmem:s0+$0x80A0] =	vst v10;
	v10 =	vadd.f32 v4, v13  }
0x98: {  	v13 =	vld [tilespmem:s24+$0x84E0];
	[tilespmem:s0+$0xC0] =	vst v3;
	v3 =	vmul.f32 v4, v4  }
0x99: {  	v4 =	vld [tilespmem:s24+$0x4B0];
	v20 =	vadd.f32 v17, v20;
	[tilespmem:s0+$0xD0] =	vst v10  }
0x9a: {  	v6 =	vmul.f32 v6, v6;
	v17 =	vmul.f32 v17, v17;
	v10 =	vld [tilespmem:s24+$0x4F0];
	[tilespmem:s0+$0x490] =	vst v8  }
0x9b: {  	v8 =	vld [tilespmem:s24+$0x8480];
	[tilespmem:s0+$0x80D0] =	vst v3  }
0x9c: {  	v16 =	vsub.f32 v16, v14;
	v21 =	vld [tilespmem:s24+$0x4E0];
	[tilespmem:s0+$0x8490] =	vst v7  }
0x9d: {  	v7 =	vld [tilespmem:s24+$0x480];
	[tilespmem:s0+$0x80C0] =	vst v9  }
0x9e: {  	v3 =	vld [tilespmem:s24+$0x80C0];
	v9 =	vsub.f32 v4, v15;
	v14 =	vadd.f32 v16, v14;
	v16 =	vmul.f32 v16, v16;
	[tilespmem:s0+$0x8080] =	vst v17  }
0x9f: {  	v17 =	vld [tilespmem:s24+$0x490];
	v10 =	vsub.f32 v10, v18;
	[tilespmem:s0+$0x84D0] =	vst v12  }
0xa0: {  	v4 =	vld [tilespmem:s24+$0xD0];
	v12 =	vadd.f32 v9, v15;
	v15 =	vmul.f32 v9, v9;
	[tilespmem:s0+$0x80] =	vst v20  }
0xa1: {  	v20 =	vld [tilespmem:s24+$0x8490];
	v9 =	vsub.f32 v21, v13;
	v18 =	vadd.f32 v10, v18;
	v10 =	vmul.f32 v10, v10;
	[tilespmem:s0+$0x4A0] =	vst v5  }
0xa2: {  	v21 =	vld [tilespmem:s24+$0xF0];
	[tilespmem:s0+$0x4D0] =	vst v11  }
0xa3: {  	v11 =	vld [tilespmem:s24+$0x80E0];
	v13 =	vadd.f32 v9, v13;
	v9 =	vmul.f32 v9, v9;
	[tilespmem:s0+$0x84A0] =	vst v6;
	s0 =	smov.u32 s24  }
0xa4: {  	v6 =	vld [tilespmem:s0+$0xE0];
	[tilespmem:s0+$0x4B0] =	vst v12  }
0xa5: {  	v5 =	vld [tilespmem:s0+$0x84A0];
	[tilespmem:s0+$0x84E0] =	vst v9  }
0xa6: {  	v12 =	vld [tilespmem:s0+$0x4A0];
	[tilespmem:s0+$0x4F0] =	vst v18  }
0xa7: {  	v22 =	vld [tilespmem:s0+$0x80B0];
	[tilespmem:s0+$0x4E0] =	vst v13  }
0xa8: {  	v13 =	vsub.f32 v21, v19;
	v9 =	vld [tilespmem:s0+$0x80A0];
	[tilespmem:s0+$0x84C0] =	vst v16  }
0xa9: {  	v7 =	vsub.f32 v7, v8;
	v18 =	vld [tilespmem:s0+$0xB0];
	v21 =	vsub.f32 v6, v11;
	[tilespmem:s0+$0x4C0] =	vst v14  }
0xaa: {  	v23 =	vsub.f32 v17, v20;
	v19 =	vadd.f32 v13, v19;
	v14 =	vld [tilespmem:s0+$0xA0];
	[tilespmem:s0+$0x84F0] =	vst v10  }
0xab: {  	v24 =	vadd.f32 v7, v8;
	v13 =	vmul.f32 v13, v13;
	v10 =	vld [tilespmem:s0+$0x8090];
	v6 =	vsub.f32 v12, v5;
	[tilespmem:s0+$0x84B0] =	vst v15  }
.Ltmp0:
0xac: {  	v17 =	vadd.f32 v21, v11;
	v16 =	vld [tilespmem:s0+$0x90];
	[tilespmem:s0+$0xF0] =	vst v19;
	v19 =	vmul.f32 v7, v7;
	(pc) =	sbr.rel @p0 .LBB2_2-.Ltmp0, $4  }
0xad: {  	v8 =	vadd.f32 v23, v20;
	[tilespmem:s0+$0x80F0] =	vst v13;
	v12 =	vld [tilespmem:s0+$0x4D0]  }
0xae: {  	v20 =	vmul.f32 v21, v21;
	v7 =	vmul.f32 v23, v23;
	v18 =	vsub.f32 v18, v22;
	[tilespmem:s0+$0x480] =	vst v24;
	v11 =	vld [tilespmem:s0+$0x84D0]  }
0xaf: {  	v15 =	vsub.f32 v14, v9;
	v14 =	vld [tilespmem:s0+$0xC0];
	[tilespmem:s0+$0x8480] =	vst v19  }
0xb0: {  	s1 =	sadd.s32 $0x80, s1;
	s22 =	smov.u32 s28;
	v19 =	vadd.f32 v18, v22;
	v13 =	vld [tilespmem:s0+$0x80D0];
	[tilespmem:s0+$0x80E0] =	vst v20  }
0xb1: {  	[tilespmem:s0+$0xE0] =	vst v17  }
0xb2: {  	[tilespmem:s0+$0x490] =	vst v8  }
0xb3: {  	v16 =	vsub.f32 v16, v10;
	v18 =	vmul.f32 v18, v18;
	[tilespmem:s0+$0x8490] =	vst v7  }
0xb4: {  	v9 =	vadd.f32 v15, v9;
	[tilespmem:s0+$0xB0] =	vst v19  }
0xb5: {  	v20 =	vld [tilespmem:s0+$0x8080];
	v10 =	vadd.f32 v16, v10;
	[tilespmem:s0+$0x80B0] =	vst v18  }
0xb6: {  	v17 =	vld [tilespmem:s0+$0x80];
	v16 =	vmul.f32 v16, v16;
	[tilespmem:s0+$0xA0] =	vst v9;
	v8 =	vsub.f32 v12, v11  }
0xb7: {  	v9 =	vsub.f32 v14, v3;
	[tilespmem:s0+$0x90] =	vst v10;
	v10 =	vmul.f32 v15, v15  }
0xb8: {  	[tilespmem:s0+$0x8090] =	vst v16;
	v7 =	vmul.f32 v8, v8  }
0xb9: {  	v4 =	vsub.f32 v4, v13;
	v3 =	vadd.f32 v9, v3;
	[tilespmem:s0+$0x80A0] =	vst v10  }
0xba: {  	v9 =	vmul.f32 v9, v9;
	[tilespmem:s0+$0x84D0] =	vst v7  }
0xbb: {  	v10 =	vadd.f32 v4, v13;
	[tilespmem:s0+$0xC0] =	vst v3;
	v3 =	vmul.f32 v4, v4;
	v4 =	vsub.f32 v17, v20  }
0xbc: {  	[tilespmem:s0+$0x80C0] =	vst v9  }
0xbd: {  	[tilespmem:s0+$0x80D0] =	vst v3;
	v3 =	vmul.f32 v4, v4  }
0xbe: {  	[tilespmem:s0+$0xD0] =	vst v10;
	v4 =	vadd.f32 v4, v20  }
0xbf: {  	[tilespmem:s0+$0x8080] =	vst v3;
	v3 =	vadd.f32 v6, v5  }
0xc0: {  	v5 =	vadd.f32 v8, v11;
	[tilespmem:s0+$0x80] =	vst v4  }
0xc1: {  	v4 =	vmul.f32 v6, v6;
	[tilespmem:s0+$0x4A0] =	vst v3  }
0xc2: {  	[tilespmem:s0+$0x4D0] =	vst v5  }
0xc3: {  	[tilespmem:s0+$0x84A0] =	vst v4  }
0xc4: {  	[hbm4b:s6+s2] =	stream.linear.scatter [tilespmem:s17], [sflag:$0x6], $0x2000, $0x38;
	[tilespmem:$0x10080] =	vst v63  }
0xc5: {  	s22 =	simm.s32 $0x8080  }
0xc6: {  	[hbm4b:s7+s2] =	stream.linear.scatter [tilespmem:s22], [sflag:$0x6], $0x2000, $0x38;
	[tilespmem:$0x10080] =	vst v63  }
0xc7: {  	s24 =	simm.s32 $0x2000;
	s1 =	simm.s32 $0x1000;
	_ =	swait.ge [sflag:s20], $0x2000  }
0xc8: {  	s1 =	sand.u32 $0x380, s1;
	s0 =	sand.u32 $0x3800, s24;
	[sflag:s20] =	ssyncset.done $0x0  }
0xc9: {  	s0 =	sor.u32 s1, s0;
	[sflag:s20] =	ssyncadd.s32 $0xFFFFE000  }
0xca: {  	v6 =	vld [tilespmem:s0+$0x80F0]  }
0xcb: {  	v5 =	vld [tilespmem:s0+$0x84F0]  }
0xcc: {  	v7 =	vld [tilespmem:s0+$0x84C0]  }
0xcd: {  	v8 =	vld [tilespmem:s0+$0x84B0]  }
0xce: {  	v9 =	vld [tilespmem:s0+$0x4C0]  }
0xcf: {  	v10 =	vld [tilespmem:s0+$0x84E0]  }
0xd0: {  	v4 =	vld [tilespmem:s0+$0x4B0]  }
0xd1: {  	v11 =	vld [tilespmem:s0+$0x4F0]  }
0xd2: {  	v12 =	vld [tilespmem:s0+$0x8480]  }
0xd3: {  	v13 =	vld [tilespmem:s0+$0x4E0]  }
0xd4: {  	v14 =	vld [tilespmem:s0+$0x480]  }
0xd5: {  	v3 =	vld [tilespmem:s0+$0x80C0]  }
0xd6: {  	v15 =	vld [tilespmem:s0+$0x490]  }
0xd7: {  	v19 =	vld [tilespmem:s0+$0x8490];
	v16 =	vsub.f32 v4, v8  }
0xd8: {  	v17 =	vld [tilespmem:s0+$0xF0];
	v13 =	vsub.f32 v13, v10  }
0xd9: {  	v20 =	vld [tilespmem:s0+$0x80E0];
	v11 =	vsub.f32 v11, v5;
	v8 =	vadd.f32 v16, v8  }
0xda: {  	v63 =	vld [tilespmem:s0+$0x80B0];
	v18 =	vmul.f32 v13, v13  }
0xdb: {  	v22 =	vld [tilespmem:s0+$0xA0];
	v9 =	vsub.f32 v9, v7;
	v21 =	vadd.f32 v11, v5;
	[tilespmem:s0+$0x4B0] =	vst v8  }
0xdc: {  	v4 =	vld [tilespmem:s0+$0xD0];
	v10 =	vadd.f32 v13, v10;
	[tilespmem:s0+$0x84E0] =	vst v18  }
0xdd: {  	v5 =	vld [tilespmem:s0+$0x84A0];
	v13 =	vmul.f32 v9, v9;
	[tilespmem:s0+$0x4F0] =	vst v21  }
0xde: {  	v7 =	vadd.f32 v9, v7;
	v8 =	vld [tilespmem:s0+$0xE0];
	[tilespmem:s0+$0x4E0] =	vst v10  }
0xdf: {  	v16 =	vmul.f32 v16, v16;
	v18 =	vld [tilespmem:s0+$0x4A0];
	[tilespmem:s0+$0x84C0] =	vst v13;
	v10 =	vmul.f32 v11, v11;
	v11 =	vsub.f32 v17, v6  }
0xe0: {  	v13 =	vld [tilespmem:s0+$0xB0];
	[tilespmem:s0+$0x4C0] =	vst v7  }
0xe1: {  	v9 =	vld [tilespmem:s0+$0x80A0];
	v7 =	vsub.f32 v14, v12;
	[tilespmem:s0+$0x84B0] =	vst v16;
	v6 =	vadd.f32 v11, v6  }
0xe2: {  	v16 =	vld [tilespmem:s0+$0x90];
	[tilespmem:s0+$0x84F0] =	vst v10;
	v11 =	vmul.f32 v11, v11  }
0xe3: {  	v10 =	vld [tilespmem:s0+$0x8090];
	v14 =	vadd.f32 v7, v12;
	[tilespmem:s0+$0xF0] =	vst v6;
	v8 =	vsub.f32 v8, v20  }
0xe4: {  	v7 =	vmul.f32 v7, v7;
	v12 =	vld [tilespmem:s0+$0x4D0];
	[tilespmem:s0+$0x80F0] =	vst v11;
	v11 =	vsub.f32 v15, v19  }
0xe5: {  	[tilespmem:s0+$0x480] =	vst v14;
	v14 =	vld [tilespmem:s0+$0xC0];
	v6 =	vsub.f32 v18, v5;
	v18 =	vsub.f32 v13, v63;
	v23 =	vmul.f32 v8, v8  }
0xe6: {  	[tilespmem:s0+$0x8480] =	vst v7;
	v7 =	vmul.f32 v11, v11;
	v17 =	vadd.f32 v8, v20;
	v8 =	vadd.f32 v11, v19;
	v11 =	vld [tilespmem:s0+$0x84D0]  }
0xe7: {  	s28 =	simm.s32 $0x2100;
	s1 =	simm.s32 $0x1080;
	v15 =	vsub.f32 v22, v9;
	v13 =	vld [tilespmem:s0+$0x80D0];
	v19 =	vadd.f32 v18, v63;
	[tilespmem:s0+$0x80E0] =	vst v23  }
.LBB2_4:
0xe8: {  	s22 =	smov.u32 s28  }
0xe9: {  	s16 =	sand.u32 $0x3800, s28;
	s24 =	sand.u32 $0x380, s1;
	v20 =	vld [tilespmem:s0+$0x8080];
	v16 =	vsub.f32 v16, v10;
	v18 =	vmul.f32 v18, v18;
	[tilespmem:s0+$0xE0] =	vst v17;
	v5 =	vadd.f32 v6, v5;
	s22 =	sadd.s32 $0x100, s28  }
0xea: {  	p0 =	sne.s32 s28, $0x3F00;
	v9 =	vadd.f32 v15, v9;
	s24 =	sor.u32 s24, s16;
	v17 =	vld [tilespmem:s0+$0x80];
	[tilespmem:s0+$0xB0] =	vst v19  }
0xeb: {  	v10 =	vadd.f32 v16, v10;
	v12 =	vsub.f32 v12, v11;
	v19 =	vld [tilespmem:s24+$0x80F0];
	[tilespmem:s0+$0x80B0] =	vst v18  }
0xec: {  	v16 =	vmul.f32 v16, v16;
	v18 =	vld [tilespmem:s24+$0x84F0];
	[tilespmem:s0+$0xA0] =	vst v9;
	v9 =	vsub.f32 v14, v3  }
0xed: {  	v4 =	vsub.f32 v4, v13;
	v11 =	vadd.f32 v12, v11;
	v14 =	vld [tilespmem:s24+$0x84C0];
	[tilespmem:s0+$0x90] =	vst v10;
	v10 =	vmul.f32 v15, v15  }
0xee: {  	v15 =	vld [tilespmem:s24+$0x84B0];
	[tilespmem:s0+$0x8090] =	vst v16;
	v3 =	vadd.f32 v9, v3;
	v9 =	vmul.f32 v9, v9  }
0xef: {  	v12 =	vmul.f32 v12, v12;
	v16 =	vld [tilespmem:s24+$0x4C0];
	v17 =	vsub.f32 v17, v20;
	[tilespmem:s0+$0x80A0] =	vst v10;
	v10 =	vadd.f32 v4, v13  }
0xf0: {  	v13 =	vld [tilespmem:s24+$0x84E0];
	[tilespmem:s0+$0xC0] =	vst v3;
	v3 =	vmul.f32 v4, v4  }
0xf1: {  	v4 =	vld [tilespmem:s24+$0x4B0];
	v20 =	vadd.f32 v17, v20;
	[tilespmem:s0+$0xD0] =	vst v10  }
0xf2: {  	v6 =	vmul.f32 v6, v6;
	v17 =	vmul.f32 v17, v17;
	v10 =	vld [tilespmem:s24+$0x4F0];
	[tilespmem:s0+$0x490] =	vst v8  }
0xf3: {  	v8 =	vld [tilespmem:s24+$0x8480];
	[tilespmem:s0+$0x80D0] =	vst v3  }
0xf4: {  	v16 =	vsub.f32 v16, v14;
	v21 =	vld [tilespmem:s24+$0x4E0];
	[tilespmem:s0+$0x8490] =	vst v7  }
0xf5: {  	v7 =	vld [tilespmem:s24+$0x480];
	[tilespmem:s0+$0x80C0] =	vst v9  }
0xf6: {  	v3 =	vld [tilespmem:s24+$0x80C0];
	v9 =	vsub.f32 v4, v15;
	v14 =	vadd.f32 v16, v14;
	v16 =	vmul.f32 v16, v16;
	[tilespmem:s0+$0x8080] =	vst v17  }
0xf7: {  	v17 =	vld [tilespmem:s24+$0x490];
	v10 =	vsub.f32 v10, v18;
	[tilespmem:s0+$0x84D0] =	vst v12  }
0xf8: {  	v4 =	vld [tilespmem:s24+$0xD0];
	v12 =	vadd.f32 v9, v15;
	v15 =	vmul.f32 v9, v9;
	[tilespmem:s0+$0x80] =	vst v20  }
0xf9: {  	v20 =	vld [tilespmem:s24+$0x8490];
	v9 =	vsub.f32 v21, v13;
	v18 =	vadd.f32 v10, v18;
	v10 =	vmul.f32 v10, v10;
	[tilespmem:s0+$0x4A0] =	vst v5  }
0xfa: {  	v21 =	vld [tilespmem:s24+$0xF0];
	[tilespmem:s0+$0x4D0] =	vst v11  }
0xfb: {  	v11 =	vld [tilespmem:s24+$0x80E0];
	v13 =	vadd.f32 v9, v13;
	v9 =	vmul.f32 v9, v9;
	[tilespmem:s0+$0x84A0] =	vst v6;
	s0 =	smov.u32 s24  }
0xfc: {  	v6 =	vld [tilespmem:s0+$0xE0];
	[tilespmem:s0+$0x4B0] =	vst v12  }
0xfd: {  	v5 =	vld [tilespmem:s0+$0x84A0];
	[tilespmem:s0+$0x84E0] =	vst v9  }
0xfe: {  	v12 =	vld [tilespmem:s0+$0x4A0];
	[tilespmem:s0+$0x4F0] =	vst v18  }
0xff: {  	v22 =	vld [tilespmem:s0+$0x80B0];
	[tilespmem:s0+$0x4E0] =	vst v13  }
0x100: {  	v13 =	vsub.f32 v21, v19;
	v9 =	vld [tilespmem:s0+$0x80A0];
	[tilespmem:s0+$0x84C0] =	vst v16  }
0x101: {  	v7 =	vsub.f32 v7, v8;
	v18 =	vld [tilespmem:s0+$0xB0];
	v21 =	vsub.f32 v6, v11;
	[tilespmem:s0+$0x4C0] =	vst v14  }
0x102: {  	v23 =	vsub.f32 v17, v20;
	v19 =	vadd.f32 v13, v19;
	v14 =	vld [tilespmem:s0+$0xA0];
	[tilespmem:s0+$0x84F0] =	vst v10  }
0x103: {  	v24 =	vadd.f32 v7, v8;
	v13 =	vmul.f32 v13, v13;
	v10 =	vld [tilespmem:s0+$0x8090];
	v6 =	vsub.f32 v12, v5;
	[tilespmem:s0+$0x84B0] =	vst v15  }
.Ltmp1:
0x104: {  	v17 =	vadd.f32 v21, v11;
	v16 =	vld [tilespmem:s0+$0x90];
	[tilespmem:s0+$0xF0] =	vst v19;
	v19 =	vmul.f32 v7, v7;
	(pc) =	sbr.rel @p0 .LBB2_4-.Ltmp1, $4  }
0x105: {  	v8 =	vadd.f32 v23, v20;
	[tilespmem:s0+$0x80F0] =	vst v13;
	v12 =	vld [tilespmem:s0+$0x4D0]  }
0x106: {  	v20 =	vmul.f32 v21, v21;
	v7 =	vmul.f32 v23, v23;
	v18 =	vsub.f32 v18, v22;
	[tilespmem:s0+$0x480] =	vst v24;
	v11 =	vld [tilespmem:s0+$0x84D0]  }
0x107: {  	v15 =	vsub.f32 v14, v9;
	v14 =	vld [tilespmem:s0+$0xC0];
	[tilespmem:s0+$0x8480] =	vst v19  }
0x108: {  	s1 =	sadd.s32 $0x80, s1;
	s28 =	smov.u32 s22;
	v19 =	vadd.f32 v18, v22;
	v13 =	vld [tilespmem:s0+$0x80D0];
	[tilespmem:s0+$0x80E0] =	vst v20  }
0x109: {  	[tilespmem:s0+$0xE0] =	vst v17  }
0x10a: {  	[tilespmem:s0+$0x490] =	vst v8  }
0x10b: {  	v16 =	vsub.f32 v16, v10;
	v18 =	vmul.f32 v18, v18;
	[tilespmem:s0+$0x8490] =	vst v7  }
0x10c: {  	v9 =	vadd.f32 v15, v9;
	[tilespmem:s0+$0xB0] =	vst v19  }
0x10d: {  	v20 =	vld [tilespmem:s0+$0x8080];
	v10 =	vadd.f32 v16, v10;
	[tilespmem:s0+$0x80B0] =	vst v18  }
0x10e: {  	v17 =	vld [tilespmem:s0+$0x80];
	v16 =	vmul.f32 v16, v16;
	[tilespmem:s0+$0xA0] =	vst v9;
	v8 =	vsub.f32 v12, v11  }
0x10f: {  	v9 =	vsub.f32 v14, v3;
	[tilespmem:s0+$0x90] =	vst v10;
	v10 =	vmul.f32 v15, v15  }
0x110: {  	[tilespmem:s0+$0x8090] =	vst v16;
	v7 =	vmul.f32 v8, v8  }
0x111: {  	v4 =	vsub.f32 v4, v13;
	v3 =	vadd.f32 v9, v3;
	[tilespmem:s0+$0x80A0] =	vst v10  }
0x112: {  	v9 =	vmul.f32 v9, v9;
	[tilespmem:s0+$0x84D0] =	vst v7  }
0x113: {  	v10 =	vadd.f32 v4, v13;
	[tilespmem:s0+$0xC0] =	vst v3;
	v3 =	vmul.f32 v4, v4;
	v4 =	vsub.f32 v17, v20  }
0x114: {  	[tilespmem:s0+$0x80C0] =	vst v9  }
0x115: {  	[tilespmem:s0+$0x80D0] =	vst v3;
	v3 =	vmul.f32 v4, v4  }
0x116: {  	[tilespmem:s0+$0xD0] =	vst v10;
	v4 =	vadd.f32 v4, v20  }
0x117: {  	[tilespmem:s0+$0x8080] =	vst v3;
	v3 =	vadd.f32 v6, v5  }
0x118: {  	v5 =	vadd.f32 v8, v11;
	[tilespmem:s0+$0x80] =	vst v4  }
0x119: {  	v4 =	vmul.f32 v6, v6;
	[tilespmem:s0+$0x4A0] =	vst v3  }
0x11a: {  	[tilespmem:s0+$0x4D0] =	vst v5  }
0x11b: {  	[tilespmem:s0+$0x84A0] =	vst v4  }
0x11c: {  	[hbm4b:s8+s2] =	stream.linear.scatter [tilespmem:s21], [sflag:$0x6], $0x2000, $0x38;
	[tilespmem:$0x10080] =	vst v63  }
0x11d: {  	s22 =	simm.s32 $0xA080  }
0x11e: {  	[hbm4b:s9+s2] =	stream.linear.scatter [tilespmem:s22], [sflag:$0x6], $0x2000, $0x38;
	[tilespmem:$0x10080] =	vst v63  }
0x11f: {  	s24 =	simm.s32 $0x4000;
	s1 =	simm.s32 $0x2000;
	_ =	swait.ge [sflag:s23], $0x2000  }
0x120: {  	s1 =	sand.u32 $0x380, s1;
	s0 =	sand.u32 $0x7800, s24;
	[sflag:s23] =	ssyncset.done $0x0  }
0x121: {  	s0 =	sor.u32 s1, s0;
	[sflag:s23] =	ssyncadd.s32 $0xFFFFE000  }
0x122: {  	v6 =	vld [tilespmem:s0+$0x80F0]  }
0x123: {  	v5 =	vld [tilespmem:s0+$0x84F0]  }
0x124: {  	v7 =	vld [tilespmem:s0+$0x84C0]  }
0x125: {  	v8 =	vld [tilespmem:s0+$0x84B0]  }
0x126: {  	v9 =	vld [tilespmem:s0+$0x4C0]  }
0x127: {  	v10 =	vld [tilespmem:s0+$0x84E0]  }
0x128: {  	v4 =	vld [tilespmem:s0+$0x4B0]  }
0x129: {  	v11 =	vld [tilespmem:s0+$0x4F0]  }
0x12a: {  	v12 =	vld [tilespmem:s0+$0x8480]  }
0x12b: {  	v13 =	vld [tilespmem:s0+$0x4E0]  }
0x12c: {  	v14 =	vld [tilespmem:s0+$0x480]  }
0x12d: {  	v3 =	vld [tilespmem:s0+$0x80C0]  }
0x12e: {  	v15 =	vld [tilespmem:s0+$0x490]  }
0x12f: {  	v19 =	vld [tilespmem:s0+$0x8490];
	v16 =	vsub.f32 v4, v8  }
0x130: {  	v17 =	vld [tilespmem:s0+$0xF0];
	v13 =	vsub.f32 v13, v10  }
0x131: {  	v20 =	vld [tilespmem:s0+$0x80E0];
	v11 =	vsub.f32 v11, v5;
	v8 =	vadd.f32 v16, v8  }
0x132: {  	v63 =	vld [tilespmem:s0+$0x80B0];
	v18 =	vmul.f32 v13, v13  }
0x133: {  	v22 =	vld [tilespmem:s0+$0xA0];
	v9 =	vsub.f32 v9, v7;
	v21 =	vadd.f32 v11, v5;
	[tilespmem:s0+$0x4B0] =	vst v8  }
0x134: {  	v4 =	vld [tilespmem:s0+$0xD0];
	v10 =	vadd.f32 v13, v10;
	[tilespmem:s0+$0x84E0] =	vst v18  }
0x135: {  	v5 =	vld [tilespmem:s0+$0x84A0];
	v13 =	vmul.f32 v9, v9;
	[tilespmem:s0+$0x4F0] =	vst v21  }
0x136: {  	v7 =	vadd.f32 v9, v7;
	v8 =	vld [tilespmem:s0+$0xE0];
	[tilespmem:s0+$0x4E0] =	vst v10  }
0x137: {  	v16 =	vmul.f32 v16, v16;
	v18 =	vld [tilespmem:s0+$0x4A0];
	[tilespmem:s0+$0x84C0] =	vst v13;
	v10 =	vmul.f32 v11, v11;
	v11 =	vsub.f32 v17, v6  }
0x138: {  	v13 =	vld [tilespmem:s0+$0xB0];
	[tilespmem:s0+$0x4C0] =	vst v7  }
0x139: {  	v9 =	vld [tilespmem:s0+$0x80A0];
	v7 =	vsub.f32 v14, v12;
	[tilespmem:s0+$0x84B0] =	vst v16;
	v6 =	vadd.f32 v11, v6  }
0x13a: {  	v16 =	vld [tilespmem:s0+$0x90];
	[tilespmem:s0+$0x84F0] =	vst v10;
	v11 =	vmul.f32 v11, v11  }
0x13b: {  	v10 =	vld [tilespmem:s0+$0x8090];
	v14 =	vadd.f32 v7, v12;
	[tilespmem:s0+$0xF0] =	vst v6;
	v8 =	vsub.f32 v8, v20  }
0x13c: {  	v7 =	vmul.f32 v7, v7;
	v12 =	vld [tilespmem:s0+$0x4D0];
	[tilespmem:s0+$0x80F0] =	vst v11;
	v11 =	vsub.f32 v15, v19  }
0x13d: {  	[tilespmem:s0+$0x480] =	vst v14;
	v14 =	vld [tilespmem:s0+$0xC0];
	v6 =	vsub.f32 v18, v5;
	v18 =	vsub.f32 v13, v63;
	v23 =	vmul.f32 v8, v8  }
0x13e: {  	[tilespmem:s0+$0x8480] =	vst v7;
	v7 =	vmul.f32 v11, v11;
	v17 =	vadd.f32 v8, v20;
	v8 =	vadd.f32 v11, v19;
	v11 =	vld [tilespmem:s0+$0x84D0]  }
0x13f: {  	s28 =	simm.s32 $0x4100;
	s1 =	simm.s32 $0x2080;
	v15 =	vsub.f32 v22, v9;
	v13 =	vld [tilespmem:s0+$0x80D0];
	v19 =	vadd.f32 v18, v63;
	[tilespmem:s0+$0x80E0] =	vst v23  }
.LBB2_6:
0x140: {  	s22 =	smov.u32 s28  }
0x141: {  	s16 =	sand.u32 $0x7800, s28;
	s24 =	sand.u32 $0x380, s1;
	v20 =	vld [tilespmem:s0+$0x8080];
	v16 =	vsub.f32 v16, v10;
	v18 =	vmul.f32 v18, v18;
	[tilespmem:s0+$0xE0] =	vst v17;
	v5 =	vadd.f32 v6, v5;
	s22 =	sadd.s32 $0x100, s28  }
0x142: {  	p0 =	sne.s32 s28, $0x5F00;
	v9 =	vadd.f32 v15, v9;
	s24 =	sor.u32 s24, s16;
	v17 =	vld [tilespmem:s0+$0x80];
	[tilespmem:s0+$0xB0] =	vst v19  }
0x143: {  	v10 =	vadd.f32 v16, v10;
	v12 =	vsub.f32 v12, v11;
	v19 =	vld [tilespmem:s24+$0x80F0];
	[tilespmem:s0+$0x80B0] =	vst v18  }
0x144: {  	v16 =	vmul.f32 v16, v16;
	v18 =	vld [tilespmem:s24+$0x84F0];
	[tilespmem:s0+$0xA0] =	vst v9;
	v9 =	vsub.f32 v14, v3  }
0x145: {  	v4 =	vsub.f32 v4, v13;
	v11 =	vadd.f32 v12, v11;
	v14 =	vld [tilespmem:s24+$0x84C0];
	[tilespmem:s0+$0x90] =	vst v10;
	v10 =	vmul.f32 v15, v15  }
0x146: {  	v15 =	vld [tilespmem:s24+$0x84B0];
	[tilespmem:s0+$0x8090] =	vst v16;
	v3 =	vadd.f32 v9, v3;
	v9 =	vmul.f32 v9, v9  }
0x147: {  	v12 =	vmul.f32 v12, v12;
	v16 =	vld [tilespmem:s24+$0x4C0];
	v17 =	vsub.f32 v17, v20;
	[tilespmem:s0+$0x80A0] =	vst v10;
	v10 =	vadd.f32 v4, v13  }
0x148: {  	v13 =	vld [tilespmem:s24+$0x84E0];
	[tilespmem:s0+$0xC0] =	vst v3;
	v3 =	vmul.f32 v4, v4  }
0x149: {  	v4 =	vld [tilespmem:s24+$0x4B0];
	v20 =	vadd.f32 v17, v20;
	[tilespmem:s0+$0xD0] =	vst v10  }
0x14a: {  	v6 =	vmul.f32 v6, v6;
	v17 =	vmul.f32 v17, v17;
	v10 =	vld [tilespmem:s24+$0x4F0];
	[tilespmem:s0+$0x490] =	vst v8  }
0x14b: {  	v8 =	vld [tilespmem:s24+$0x8480];
	[tilespmem:s0+$0x80D0] =	vst v3  }
0x14c: {  	v16 =	vsub.f32 v16, v14;
	v21 =	vld [tilespmem:s24+$0x4E0];
	[tilespmem:s0+$0x8490] =	vst v7  }
0x14d: {  	v7 =	vld [tilespmem:s24+$0x480];
	[tilespmem:s0+$0x80C0] =	vst v9  }
0x14e: {  	v3 =	vld [tilespmem:s24+$0x80C0];
	v9 =	vsub.f32 v4, v15;
	v14 =	vadd.f32 v16, v14;
	v16 =	vmul.f32 v16, v16;
	[tilespmem:s0+$0x8080] =	vst v17  }
0x14f: {  	v17 =	vld [tilespmem:s24+$0x490];
	v10 =	vsub.f32 v10, v18;
	[tilespmem:s0+$0x84D0] =	vst v12  }
0x150: {  	v4 =	vld [tilespmem:s24+$0xD0];
	v12 =	vadd.f32 v9, v15;
	v15 =	vmul.f32 v9, v9;
	[tilespmem:s0+$0x80] =	vst v20  }
0x151: {  	v20 =	vld [tilespmem:s24+$0x8490];
	v9 =	vsub.f32 v21, v13;
	v18 =	vadd.f32 v10, v18;
	v10 =	vmul.f32 v10, v10;
	[tilespmem:s0+$0x4A0] =	vst v5  }
0x152: {  	v21 =	vld [tilespmem:s24+$0xF0];
	[tilespmem:s0+$0x4D0] =	vst v11  }
0x153: {  	v11 =	vld [tilespmem:s24+$0x80E0];
	v13 =	vadd.f32 v9, v13;
	v9 =	vmul.f32 v9, v9;
	[tilespmem:s0+$0x84A0] =	vst v6;
	s0 =	smov.u32 s24  }
0x154: {  	v6 =	vld [tilespmem:s0+$0xE0];
	[tilespmem:s0+$0x4B0] =	vst v12  }
0x155: {  	v5 =	vld [tilespmem:s0+$0x84A0];
	[tilespmem:s0+$0x84E0] =	vst v9  }
0x156: {  	v12 =	vld [tilespmem:s0+$0x4A0];
	[tilespmem:s0+$0x4F0] =	vst v18  }
0x157: {  	v22 =	vld [tilespmem:s0+$0x80B0];
	[tilespmem:s0+$0x4E0] =	vst v13  }
0x158: {  	v13 =	vsub.f32 v21, v19;
	v9 =	vld [tilespmem:s0+$0x80A0];
	[tilespmem:s0+$0x84C0] =	vst v16  }
0x159: {  	v7 =	vsub.f32 v7, v8;
	v18 =	vld [tilespmem:s0+$0xB0];
	v21 =	vsub.f32 v6, v11;
	[tilespmem:s0+$0x4C0] =	vst v14  }
0x15a: {  	v23 =	vsub.f32 v17, v20;
	v19 =	vadd.f32 v13, v19;
	v14 =	vld [tilespmem:s0+$0xA0];
	[tilespmem:s0+$0x84F0] =	vst v10  }
0x15b: {  	v24 =	vadd.f32 v7, v8;
	v13 =	vmul.f32 v13, v13;
	v10 =	vld [tilespmem:s0+$0x8090];
	v6 =	vsub.f32 v12, v5;
	[tilespmem:s0+$0x84B0] =	vst v15  }
.Ltmp2:
0x15c: {  	v17 =	vadd.f32 v21, v11;
	v16 =	vld [tilespmem:s0+$0x90];
	[tilespmem:s0+$0xF0] =	vst v19;
	v19 =	vmul.f32 v7, v7;
	(pc) =	sbr.rel @p0 .LBB2_6-.Ltmp2, $4  }
0x15d: {  	v8 =	vadd.f32 v23, v20;
	[tilespmem:s0+$0x80F0] =	vst v13;
	v12 =	vld [tilespmem:s0+$0x4D0]  }
0x15e: {  	v20 =	vmul.f32 v21, v21;
	v7 =	vmul.f32 v23, v23;
	v18 =	vsub.f32 v18, v22;
	[tilespmem:s0+$0x480] =	vst v24;
	v11 =	vld [tilespmem:s0+$0x84D0]  }
0x15f: {  	v15 =	vsub.f32 v14, v9;
	v14 =	vld [tilespmem:s0+$0xC0];
	[tilespmem:s0+$0x8480] =	vst v19  }
0x160: {  	s1 =	sadd.s32 $0x80, s1;
	s28 =	smov.u32 s22;
	v19 =	vadd.f32 v18, v22;
	v13 =	vld [tilespmem:s0+$0x80D0];
	[tilespmem:s0+$0x80E0] =	vst v20  }
0x161: {  	[tilespmem:s0+$0xE0] =	vst v17  }
0x162: {  	[tilespmem:s0+$0x490] =	vst v8  }
0x163: {  	v16 =	vsub.f32 v16, v10;
	v18 =	vmul.f32 v18, v18;
	[tilespmem:s0+$0x8490] =	vst v7  }
0x164: {  	v9 =	vadd.f32 v15, v9;
	[tilespmem:s0+$0xB0] =	vst v19  }
0x165: {  	v20 =	vld [tilespmem:s0+$0x8080];
	v10 =	vadd.f32 v16, v10;
	[tilespmem:s0+$0x80B0] =	vst v18  }
0x166: {  	v17 =	vld [tilespmem:s0+$0x80];
	v16 =	vmul.f32 v16, v16;
	[tilespmem:s0+$0xA0] =	vst v9;
	v8 =	vsub.f32 v12, v11  }
0x167: {  	v9 =	vsub.f32 v14, v3;
	[tilespmem:s0+$0x90] =	vst v10;
	v10 =	vmul.f32 v15, v15  }
0x168: {  	[tilespmem:s0+$0x8090] =	vst v16;
	v7 =	vmul.f32 v8, v8  }
0x169: {  	v4 =	vsub.f32 v4, v13;
	v3 =	vadd.f32 v9, v3;
	[tilespmem:s0+$0x80A0] =	vst v10  }
0x16a: {  	v9 =	vmul.f32 v9, v9;
	[tilespmem:s0+$0x84D0] =	vst v7  }
0x16b: {  	v10 =	vadd.f32 v4, v13;
	[tilespmem:s0+$0xC0] =	vst v3;
	v3 =	vmul.f32 v4, v4;
	v4 =	vsub.f32 v17, v20  }
0x16c: {  	[tilespmem:s0+$0x80C0] =	vst v9  }
0x16d: {  	[tilespmem:s0+$0x80D0] =	vst v3;
	v3 =	vmul.f32 v4, v4  }
0x16e: {  	[tilespmem:s0+$0xD0] =	vst v10;
	v4 =	vadd.f32 v4, v20  }
0x16f: {  	[tilespmem:s0+$0x8080] =	vst v3;
	v3 =	vadd.f32 v6, v5  }
0x170: {  	v5 =	vadd.f32 v8, v11;
	[tilespmem:s0+$0x80] =	vst v4  }
0x171: {  	v4 =	vmul.f32 v6, v6;
	[tilespmem:s0+$0x4A0] =	vst v3  }
0x172: {  	[tilespmem:s0+$0x4D0] =	vst v5  }
0x173: {  	[tilespmem:s0+$0x84A0] =	vst v4  }
0x174: {  	[hbm4b:s10+s2] =	stream.linear.scatter [tilespmem:s25], [sflag:$0x6], $0x2000, $0x38;
	[tilespmem:$0x10080] =	vst v63  }
0x175: {  	s22 =	simm.s32 $0xC080  }
0x176: {  	[hbm4b:s11+s2] =	stream.linear.scatter [tilespmem:s22], [sflag:$0x6], $0x2000, $0x38;
	[tilespmem:$0x10080] =	vst v63  }
0x177: {  	s24 =	simm.s32 $0x6000;
	s1 =	simm.s32 $0x3000;
	_ =	swait.ge [sflag:s26], $0x2000  }
0x178: {  	s1 =	sand.u32 $0x380, s1;
	s0 =	sand.u32 $0x7800, s24;
	[sflag:s26] =	ssyncset.done $0x0  }
0x179: {  	s0 =	sor.u32 s1, s0;
	[sflag:s26] =	ssyncadd.s32 $0xFFFFE000  }
0x17a: {  	v6 =	vld [tilespmem:s0+$0x80F0]  }
0x17b: {  	v5 =	vld [tilespmem:s0+$0x84F0]  }
0x17c: {  	v7 =	vld [tilespmem:s0+$0x84C0]  }
0x17d: {  	v8 =	vld [tilespmem:s0+$0x84B0]  }
0x17e: {  	v9 =	vld [tilespmem:s0+$0x4C0]  }
0x17f: {  	v10 =	vld [tilespmem:s0+$0x84E0]  }
0x180: {  	v4 =	vld [tilespmem:s0+$0x4B0]  }
0x181: {  	v11 =	vld [tilespmem:s0+$0x4F0]  }
0x182: {  	v12 =	vld [tilespmem:s0+$0x8480]  }
0x183: {  	v13 =	vld [tilespmem:s0+$0x4E0]  }
0x184: {  	v14 =	vld [tilespmem:s0+$0x480]  }
0x185: {  	v3 =	vld [tilespmem:s0+$0x80C0]  }
0x186: {  	v15 =	vld [tilespmem:s0+$0x490]  }
0x187: {  	v19 =	vld [tilespmem:s0+$0x8490];
	v16 =	vsub.f32 v4, v8  }
0x188: {  	v17 =	vld [tilespmem:s0+$0xF0];
	v13 =	vsub.f32 v13, v10  }
0x189: {  	v20 =	vld [tilespmem:s0+$0x80E0];
	v11 =	vsub.f32 v11, v5;
	v8 =	vadd.f32 v16, v8  }
0x18a: {  	v63 =	vld [tilespmem:s0+$0x80B0];
	v18 =	vmul.f32 v13, v13  }
0x18b: {  	v22 =	vld [tilespmem:s0+$0xA0];
	v9 =	vsub.f32 v9, v7;
	v21 =	vadd.f32 v11, v5;
	[tilespmem:s0+$0x4B0] =	vst v8  }
0x18c: {  	v4 =	vld [tilespmem:s0+$0xD0];
	v10 =	vadd.f32 v13, v10;
	[tilespmem:s0+$0x84E0] =	vst v18  }
0x18d: {  	v5 =	vld [tilespmem:s0+$0x84A0];
	v13 =	vmul.f32 v9, v9;
	[tilespmem:s0+$0x4F0] =	vst v21  }
0x18e: {  	v7 =	vadd.f32 v9, v7;
	v8 =	vld [tilespmem:s0+$0xE0];
	[tilespmem:s0+$0x4E0] =	vst v10  }
0x18f: {  	v16 =	vmul.f32 v16, v16;
	v18 =	vld [tilespmem:s0+$0x4A0];
	[tilespmem:s0+$0x84C0] =	vst v13;
	v10 =	vmul.f32 v11, v11;
	v11 =	vsub.f32 v17, v6  }
0x190: {  	v13 =	vld [tilespmem:s0+$0xB0];
	[tilespmem:s0+$0x4C0] =	vst v7  }
0x191: {  	v9 =	vld [tilespmem:s0+$0x80A0];
	v7 =	vsub.f32 v14, v12;
	[tilespmem:s0+$0x84B0] =	vst v16;
	v6 =	vadd.f32 v11, v6  }
0x192: {  	v16 =	vld [tilespmem:s0+$0x90];
	[tilespmem:s0+$0x84F0] =	vst v10;
	v11 =	vmul.f32 v11, v11  }
0x193: {  	v10 =	vld [tilespmem:s0+$0x8090];
	v14 =	vadd.f32 v7, v12;
	[tilespmem:s0+$0xF0] =	vst v6;
	v8 =	vsub.f32 v8, v20  }
0x194: {  	v7 =	vmul.f32 v7, v7;
	v12 =	vld [tilespmem:s0+$0x4D0];
	[tilespmem:s0+$0x80F0] =	vst v11;
	v11 =	vsub.f32 v15, v19  }
0x195: {  	[tilespmem:s0+$0x480] =	vst v14;
	v14 =	vld [tilespmem:s0+$0xC0];
	v6 =	vsub.f32 v18, v5;
	v18 =	vsub.f32 v13, v63;
	v23 =	vmul.f32 v8, v8  }
0x196: {  	[tilespmem:s0+$0x8480] =	vst v7;
	v7 =	vmul.f32 v11, v11;
	v17 =	vadd.f32 v8, v20;
	v8 =	vadd.f32 v11, v19;
	v11 =	vld [tilespmem:s0+$0x84D0]  }
0x197: {  	s28 =	simm.s32 $0x6100;
	s1 =	simm.s32 $0x3080;
	v15 =	vsub.f32 v22, v9;
	v13 =	vld [tilespmem:s0+$0x80D0];
	v19 =	vadd.f32 v18, v63;
	[tilespmem:s0+$0x80E0] =	vst v23  }
.LBB2_8:
0x198: {  	s22 =	smov.u32 s28  }
0x199: {  	s16 =	sand.u32 $0x7800, s28;
	s24 =	sand.u32 $0x380, s1;
	v20 =	vld [tilespmem:s0+$0x8080];
	v16 =	vsub.f32 v16, v10;
	v18 =	vmul.f32 v18, v18;
	[tilespmem:s0+$0xE0] =	vst v17;
	v5 =	vadd.f32 v6, v5;
	s22 =	sadd.s32 $0x100, s28  }
0x19a: {  	p0 =	sne.s32 s28, $0x7F00;
	v9 =	vadd.f32 v15, v9;
	s24 =	sor.u32 s24, s16;
	v17 =	vld [tilespmem:s0+$0x80];
	[tilespmem:s0+$0xB0] =	vst v19  }
0x19b: {  	v10 =	vadd.f32 v16, v10;
	v12 =	vsub.f32 v12, v11;
	v19 =	vld [tilespmem:s24+$0x80F0];
	[tilespmem:s0+$0x80B0] =	vst v18  }
0x19c: {  	v16 =	vmul.f32 v16, v16;
	v18 =	vld [tilespmem:s24+$0x84F0];
	[tilespmem:s0+$0xA0] =	vst v9;
	v9 =	vsub.f32 v14, v3  }
0x19d: {  	v4 =	vsub.f32 v4, v13;
	v11 =	vadd.f32 v12, v11;
	v14 =	vld [tilespmem:s24+$0x84C0];
	[tilespmem:s0+$0x90] =	vst v10;
	v10 =	vmul.f32 v15, v15  }
0x19e: {  	v15 =	vld [tilespmem:s24+$0x84B0];
	[tilespmem:s0+$0x8090] =	vst v16;
	v3 =	vadd.f32 v9, v3;
	v9 =	vmul.f32 v9, v9  }
0x19f: {  	v12 =	vmul.f32 v12, v12;
	v16 =	vld [tilespmem:s24+$0x4C0];
	v17 =	vsub.f32 v17, v20;
	[tilespmem:s0+$0x80A0] =	vst v10;
	v10 =	vadd.f32 v4, v13  }
0x1a0: {  	v13 =	vld [tilespmem:s24+$0x84E0];
	[tilespmem:s0+$0xC0] =	vst v3;
	v3 =	vmul.f32 v4, v4  }
0x1a1: {  	v4 =	vld [tilespmem:s24+$0x4B0];
	v20 =	vadd.f32 v17, v20;
	[tilespmem:s0+$0xD0] =	vst v10  }
0x1a2: {  	v6 =	vmul.f32 v6, v6;
	v17 =	vmul.f32 v17, v17;
	v10 =	vld [tilespmem:s24+$0x4F0];
	[tilespmem:s0+$0x490] =	vst v8  }
0x1a3: {  	v8 =	vld [tilespmem:s24+$0x8480];
	[tilespmem:s0+$0x80D0] =	vst v3  }
0x1a4: {  	v16 =	vsub.f32 v16, v14;
	v21 =	vld [tilespmem:s24+$0x4E0];
	[tilespmem:s0+$0x8490] =	vst v7  }
0x1a5: {  	v7 =	vld [tilespmem:s24+$0x480];
	[tilespmem:s0+$0x80C0] =	vst v9  }
0x1a6: {  	v3 =	vld [tilespmem:s24+$0x80C0];
	v9 =	vsub.f32 v4, v15;
	v14 =	vadd.f32 v16, v14;
	v16 =	vmul.f32 v16, v16;
	[tilespmem:s0+$0x8080] =	vst v17  }
0x1a7: {  	v17 =	vld [tilespmem:s24+$0x490];
	v10 =	vsub.f32 v10, v18;
	[tilespmem:s0+$0x84D0] =	vst v12  }
0x1a8: {  	v4 =	vld [tilespmem:s24+$0xD0];
	v12 =	vadd.f32 v9, v15;
	v15 =	vmul.f32 v9, v9;
	[tilespmem:s0+$0x80] =	vst v20  }
0x1a9: {  	v20 =	vld [tilespmem:s24+$0x8490];
	v9 =	vsub.f32 v21, v13;
	v18 =	vadd.f32 v10, v18;
	v10 =	vmul.f32 v10, v10;
	[tilespmem:s0+$0x4A0] =	vst v5  }
0x1aa: {  	v21 =	vld [tilespmem:s24+$0xF0];
	[tilespmem:s0+$0x4D0] =	vst v11  }
0x1ab: {  	v11 =	vld [tilespmem:s24+$0x80E0];
	v13 =	vadd.f32 v9, v13;
	v9 =	vmul.f32 v9, v9;
	[tilespmem:s0+$0x84A0] =	vst v6;
	s0 =	smov.u32 s24  }
0x1ac: {  	v6 =	vld [tilespmem:s0+$0xE0];
	[tilespmem:s0+$0x4B0] =	vst v12  }
0x1ad: {  	v5 =	vld [tilespmem:s0+$0x84A0];
	[tilespmem:s0+$0x84E0] =	vst v9  }
0x1ae: {  	v12 =	vld [tilespmem:s0+$0x4A0];
	[tilespmem:s0+$0x4F0] =	vst v18  }
0x1af: {  	v22 =	vld [tilespmem:s0+$0x80B0];
	[tilespmem:s0+$0x4E0] =	vst v13  }
0x1b0: {  	v13 =	vsub.f32 v21, v19;
	v9 =	vld [tilespmem:s0+$0x80A0];
	[tilespmem:s0+$0x84C0] =	vst v16  }
0x1b1: {  	v7 =	vsub.f32 v7, v8;
	v18 =	vld [tilespmem:s0+$0xB0];
	v21 =	vsub.f32 v6, v11;
	[tilespmem:s0+$0x4C0] =	vst v14  }
0x1b2: {  	v23 =	vsub.f32 v17, v20;
	v19 =	vadd.f32 v13, v19;
	v14 =	vld [tilespmem:s0+$0xA0];
	[tilespmem:s0+$0x84F0] =	vst v10  }
0x1b3: {  	v24 =	vadd.f32 v7, v8;
	v13 =	vmul.f32 v13, v13;
	v10 =	vld [tilespmem:s0+$0x8090];
	v6 =	vsub.f32 v12, v5;
	[tilespmem:s0+$0x84B0] =	vst v15  }
.Ltmp3:
0x1b4: {  	v17 =	vadd.f32 v21, v11;
	v16 =	vld [tilespmem:s0+$0x90];
	[tilespmem:s0+$0xF0] =	vst v19;
	v19 =	vmul.f32 v7, v7;
	(pc) =	sbr.rel @p0 .LBB2_8-.Ltmp3, $4  }
0x1b5: {  	v8 =	vadd.f32 v23, v20;
	[tilespmem:s0+$0x80F0] =	vst v13;
	v12 =	vld [tilespmem:s0+$0x4D0]  }
0x1b6: {  	v20 =	vmul.f32 v21, v21;
	v7 =	vmul.f32 v23, v23;
	v18 =	vsub.f32 v18, v22;
	[tilespmem:s0+$0x480] =	vst v24;
	v11 =	vld [tilespmem:s0+$0x84D0]  }
0x1b7: {  	v15 =	vsub.f32 v14, v9;
	v14 =	vld [tilespmem:s0+$0xC0];
	[tilespmem:s0+$0x8480] =	vst v19  }
0x1b8: {  	s1 =	sadd.s32 $0x80, s1;
	s28 =	smov.u32 s22;
	v19 =	vadd.f32 v18, v22;
	v13 =	vld [tilespmem:s0+$0x80D0];
	[tilespmem:s0+$0x80E0] =	vst v20  }
0x1b9: {  	[tilespmem:s0+$0xE0] =	vst v17  }
0x1ba: {  	[tilespmem:s0+$0x490] =	vst v8  }
0x1bb: {  	v18 =	vmul.f32 v18, v18;
	[tilespmem:s0+$0x8490] =	vst v7  }
0x1bc: {  	v9 =	vadd.f32 v15, v9;
	[tilespmem:s0+$0xB0] =	vst v19  }
0x1bd: {  	v16 =	vsub.f32 v16, v10;
	v57 =	vmul.f32 v15, v15;
	[tilespmem:s0+$0x80B0] =	vst v18  }
0x1be: {  	v63 =	vmul.f32 v6, v6;
	[tilespmem:s0+$0xA0] =	vst v9  }
0x1bf: {  	v20 =	vld [tilespmem:s0+$0x8080];
	v10 =	vadd.f32 v16, v10;
	[tilespmem:s0+$0x80A0] =	vst v57;
	v60 =	vsub.f32 v12, v11  }
0x1c0: {  	v55 =	vld [tilespmem:s0+$0x80];
	v16 =	vmul.f32 v16, v16;
	[tilespmem:s0+$0x84A0] =	vst v63  }
0x1c1: {  	v56 =	vsub.f32 v14, v3;
	[tilespmem:s0+$0x90] =	vst v10;
	v61 =	vmul.f32 v60, v60  }
0x1c2: {  	[tilespmem:s0+$0x8090] =	vst v16;
	v62 =	vadd.f32 v60, v11  }
0x1c3: {  	v4 =	vsub.f32 v4, v13;
	v3 =	vadd.f32 v56, v3;
	[tilespmem:s0+$0x84D0] =	vst v61  }
0x1c4: {  	v9 =	vmul.f32 v56, v56;
	[tilespmem:s0+$0x4D0] =	vst v62  }
0x1c5: {  	v59 =	vsub.f32 v55, v20;
	[tilespmem:s0+$0xC0] =	vst v3;
	v3 =	vmul.f32 v4, v4  }
0x1c6: {  	v58 =	vadd.f32 v4, v13;
	[tilespmem:s0+$0x80C0] =	vst v9  }
0x1c7: {  	[tilespmem:s0+$0x80D0] =	vst v3;
	v3 =	vmul.f32 v59, v59  }
0x1c8: {  	v4 =	vadd.f32 v59, v20;
	[tilespmem:s0+$0xD0] =	vst v58  }
0x1c9: {  	[tilespmem:s0+$0x8080] =	vst v3;
	v3 =	vadd.f32 v6, v5  }
0x1ca: {  	[tilespmem:s0+$0x80] =	vst v4  }
0x1cb: {  	[tilespmem:s0+$0x4A0] =	vst v3  }
0x1cc: {  	[hbm4b:s12+s2] =	stream.linear.scatter [tilespmem:s30], [sflag:$0x6], $0x2000, $0x38;
	[tilespmem:$0x10080] =	vst v63  }
0x1cd: {  	s28 =	simm.s32 $0xE080  }
0x1ce: {  	[hbm4b:s13+s2] =	stream.linear.scatter [tilespmem:s28], [sflag:$0x6], $0x2000, $0x38;
	[tilespmem:$0x10080] =	vst v63  }
0x1cf: {  	_ =	swait.ge [sflag:s29], $0x2000  }
0x1d0: {  	[sflag:s29] =	ssyncset.done $0x0  }
0x1d1: {  	[sflag:s29] =	ssyncadd.s32 $0xFFFFE000  }
0x1d2: {  	_ =	swait.ge [sflag:s29], $0x2000  }
0x1d3: {  	[sflag:s29] =	ssyncset.done $0x0  }
0x1d4: {  	[sflag:s29] =	ssyncadd.s32 $0xFFFFE000  }
0x1d5: {  	_ =	swait.ge [sflag:s29], $0x2000  }
0x1d6: {  	[sflag:s29] =	ssyncset.done $0x0  }
0x1d7: {  	[sflag:s29] =	ssyncadd.s32 $0xFFFFE000  }
0x1d8: {  	_ =	swait.ge [sflag:s29], $0x2000  }
0x1d9: {  	[sflag:s29] =	ssyncset.done $0x0  }
0x1da: {  	[sflag:s29] =	ssyncadd.s32 $0xFFFFE000  }
0x1db: {  	_ =	swait.ge [sflag:s29], $0x2000  }
0x1dc: {  	[sflag:s29] =	ssyncset.done $0x0  }
0x1dd: {  	[sflag:s29] =	ssyncadd.s32 $0xFFFFE000  }
0x1de: {  	_ =	swait.ge [sflag:s29], $0x2000  }
0x1df: {  	[sflag:s29] =	ssyncset.done $0x0  }
0x1e0: {  	s31 =	sadd.s32 $0x1, s31;
	[sflag:s29] =	ssyncadd.s32 $0xFFFFE000  }
0x1e1: {  	p0 =	sne.s32 s31, s14;
	_ =	swait.ge [sflag:s29], $0x2000  }
.Ltmp4:
0x1e2: {  	[sflag:s29] =	ssyncset.done $0x0;
	(pc) =	sbr.rel @p0 .LBB2_1-.Ltmp4, $4  }
0x1e3: {  	[sflag:s29] =	ssyncadd.s32 $0xFFFFE000  }
0x1e4: {  	_ =	swait.ge [sflag:s29], $0x2000  }
0x1e5: {  	[sflag:s29] =	ssyncset.done $0x0  }
0x1e6: {  	[sflag:s29] =	ssyncadd.s32 $0xFFFFE000  }
0x1e7: {  	_ =	sfence.sel $0x180000  }
0x1e8: {  	[bflag:$0x0] =	sbarrier.arrive $0xFFFF  }
0x1e9: {  	_ =	strace $0x90000047  }
0x1ea: {  	s0 =	stileid.u32;
	[bflag:$0x2] =	sbarrier.arrive $0xFFFF  }
0x1eb: {  	p0 =	sne.s32 s0, $0x0;
	s0 =	rddreg [dreg:$0x4]  }
0x1ec: {  	s0 =	sadd.s32 @!p0 $0x100000, s0  }
0x1ed: {  	[sflag:s0] =	ssyncadd.tile.s32 @!p0 $0x1;
	_ =	shalt  }
.Lfunc_end2:
_tile_overlayer_lowered:
.L_overlay_start_2:
0x1ee: {  	(tag) =	ssettag $0x2  }
0x1ef: {  	s0 =	rddreg [dreg:$0x0];
	s2 =	stileid.u32  }
0x1f0: {  	s1 =	rddreg [dreg:$0x1];
	p0 =	sne.s32 s2, $0x0  }
0x1f1: {  	s3 =	rddreg [dreg:$0x2];
	[bflag:$0x3] =	sbarrier.arrive $0xFFFF;
	s2 =	simm.s32 @!p0 $0x1C07  }
0x1f2: {  	[timem:s3], [sflag:s2] =	dma.local @!p0 [hbm:s0], s1  }
0x1f3: {  	s0 =	simm.s32 @!p0 $0x7  }
0x1f4: {  	_ =	swait.ge @!p0 [sflag:s0], s1  }
0x1f5: {  	s1 =	ssub.s32 @!p0 $0x0, s1;
	[sflag:s0] =	ssyncset.done @!p0 $0x0  }
0x1f6: {  	[sflag:s0] =	ssyncadd.s32 @!p0 s1  }
0x1f7: {  	[bflag:$0x3] =	sbarrier.arrive $0xFFFF  }
0x1f8: {  	_ =	shalt  }

</sc_bundles>
